<compile_context>
chip_gen: v7x
topology: tpu7x:2x2x1
jax: 0.10.2.dev20260603
libtpu: 0.0.44.dev20260713+nightly
codegen_flags: <defaults>
</compile_context>

<pallas_src>
import functools

import jax
import jax.numpy as jnp
from jax import lax
from jax.experimental import pallas as pl
from jax.experimental.pallas import tpu as pltpu
from jax.experimental.pallas import tpu_sc as plsc


def _prep_body(ids_ref, state_ref, species_ref, fid_ref, comb_ref):
    comb_ref[...] = species_ref[...][:, None, :] + state_ref[...][None, :, :]
    ids_t = jnp.transpose(ids_ref[...], (0, 2, 1))
    s_iota = lax.broadcasted_iota(jnp.int32, ids_t.shape, 2)
    fid = ids_t + 3 * s_iota
    fid_ref[...] = fid.reshape(fid_ref.shape)


def _make_sc_gather(n_rows, h, per_w, chunk, num_cores):
    nch = per_w // chunk
    mesh = plsc.VectorSubcoreMesh(core_axis_name="c", subcore_axis_name="s")

    @functools.partial(
        pl.kernel,
        mesh=mesh,
        out_type=jax.ShapeDtypeStruct((n_rows, h), jnp.float32),
        scratch_types=[
            pltpu.VMEM((per_w,), jnp.int32),
            pltpu.VMEM((chunk, h), jnp.float32),
            pltpu.VMEM((chunk, h), jnp.float32),
            pltpu.VMEM((chunk, h), jnp.float32),
            pltpu.SemaphoreType.DMA,
            pltpu.SemaphoreType.DMA,
            pltpu.SemaphoreType.DMA,
            pltpu.SemaphoreType.DMA,
            pltpu.SemaphoreType.DMA,
            pltpu.SemaphoreType.DMA,
        ],
    )
    def sc_gather(fid_hbm, comb_hbm, out_hbm, idx_v, buf0, buf1, buf2,
                  sg0, sg1, sg2, ss0, ss1, ss2):
        wid = lax.axis_index("s") * num_cores + lax.axis_index("c")
        base = wid * per_w
        pltpu.sync_copy(fid_hbm.at[pl.ds(base, per_w)], idx_v)

        bufs = (buf0, buf1, buf2)
        gsems = (sg0, sg1, sg2)
        ssems = (ss0, ss1, ss2)

        def start_gather(c):
            b = c % 3
            return pltpu.async_copy(
                comb_hbm.at[idx_v.at[pl.ds(c * chunk, chunk)]], bufs[b], gsems[b]
            )

        def start_scatter(c):
            b = c % 3
            return pltpu.async_copy(
                bufs[b], out_hbm.at[pl.ds(base + c * chunk, chunk)], ssems[b]
            )

        g = [None] * nch
        s = [None] * nch
        for c in range(nch):
            if c >= 3:
                s[c - 3].wait()
            g[c] = start_gather(c)
            if c >= 1:
                g[c - 1].wait()
                s[c - 1] = start_scatter(c - 1)
        g[nch - 1].wait()
        s[nch - 1] = start_scatter(nch - 1)
        for c in range(max(0, nch - 3), nch - 1):
            s[c].wait()
        s[nch - 1].wait()

    return sc_gather


def kernel(input_ids, state_table, species_table):
    B, S, T = input_ids.shape
    K, H = state_table.shape
    ids = input_ids.astype(jnp.int32)

    fid2d, comb3d = pl.pallas_call(
        _prep_body,
        out_shape=(
            jax.ShapeDtypeStruct((B * T, S), jnp.int32),
            jax.ShapeDtypeStruct((S, K, H), jnp.float32),
        ),
    )(ids, state_table, species_table)

    fid = fid2d.reshape(B * T * S)
    comb = comb3d.reshape(S * K, H)

    n_rows = B * T * S
    info = plsc.get_sparse_core_info()
    nw = info.num_cores * info.num_subcores
    per_w = n_rows // nw
    chunk = 160

    sc_gather = _make_sc_gather(n_rows, H, per_w, chunk, info.num_cores)
    out2d = sc_gather(fid, comb)
    return jnp.swapaxes(out2d.reshape(B, T, S, H), 1, 2)

# --- scband reference (transcript-rebuilt; emitter-appended) ---
"""Pipeline reference for scband-target-input-4303557230993 (READ-ONLY COPY).

The authoritative reference and input builder live on the scoring server;
editing this copy changes nothing except your own understanding.
"""

import jax, jax.numpy as jnp
import numpy as np

B, S, T, H = 8, 256, 50, 256
NUM_STATES = 3
NUM_SPECIES = 256


def setup_inputs(seed: int = 0) -> dict:
    key = jax.random.key(seed)
    k1, k2, k3 = jax.random.split(key, 3)
    input_ids = jax.random.randint(k1, (B, S, T), 0, NUM_STATES, dtype=jnp.int64)
    state_table = jax.random.normal(k2, (NUM_STATES, H), dtype=jnp.float32)
    species_table = jax.random.normal(k3, (NUM_SPECIES, H), dtype=jnp.float32)
    return {"input_ids": input_ids, "state_table": state_table, "species_table": species_table}


def reference(input_ids, state_table, species_table):
    # state_emb = self.embedding(input_ids): gather rows of 3xH table -> (B, S, T, H)
    state_emb = jnp.take(state_table, input_ids, axis=0)
    # species_idx = arange(S); species_emb = self.species_embedding(species_idx) -> (S, H)
    species_idx = jnp.arange(input_ids.shape[1])
    species_emb = jnp.take(species_table, species_idx, axis=0)
    # broadcast add: (B, S, T, H) + (1, S, 1, H)
    return state_emb + species_emb[None, :, None, :]

if __name__ == "__main__":
    import jax
    _d = setup_inputs()
    print(jax.jit(kernel)(*tuple(_d.values())))

</pallas_src>

<mosaic_0001>
#map = affine_map<(d0, d1) -> (0)>
#map1 = affine_map<(d0, d1) -> (0, 0)>
module attributes {stable_mosaic.version = 14 : i64} {
  func.func @sc_gather(%arg0: i32, %arg1: i32, %arg2: memref<102400xi32, #tpu.memory_space<hbm>>, %arg3: memref<768x256xf32, #tpu.memory_space<hbm>>, %arg4: memref<102400x256xf32, #tpu.memory_space<hbm>>, %arg5: memref<3200xi32, #tpu.memory_space<vmem>>, %arg6: memref<160x256xf32, #tpu.memory_space<vmem>>, %arg7: memref<160x256xf32, #tpu.memory_space<vmem>>, %arg8: memref<160x256xf32, #tpu.memory_space<vmem>>, %arg9: memref<!tpu.dma_semaphore, #tpu.memory_space<semaphore_mem>>, %arg10: memref<!tpu.dma_semaphore, #tpu.memory_space<semaphore_mem>>, %arg11: memref<!tpu.dma_semaphore, #tpu.memory_space<semaphore_mem>>, %arg12: memref<!tpu.dma_semaphore, #tpu.memory_space<semaphore_mem>>, %arg13: memref<!tpu.dma_semaphore, #tpu.memory_space<semaphore_mem>>, %arg14: memref<!tpu.dma_semaphore, #tpu.memory_space<semaphore_mem>>) attributes {dimension_semantics = [#tpu.dimension_semantics<core_parallel>, #tpu.dimension_semantics<subcore_parallel>], iteration_bounds = array<i64: 2, 16>, scalar_prefetch = 0 : i64, scratch_operands = 10 : i64, tpu.core_type = #tpu.core_type<sc_vector_subcore>, window_params = [{transform_indices = #map}, {transform_indices = #map1}, {transform_indices = #map1}]} {
    %mul3A = arith.constant 2 : i32
    %mul3A_0 = arith.muli %arg1, %mul3A : i32
    %add3A = arith.addi %mul3A_0, %arg0 : i32
    %mul3A_1 = arith.constant 3200 : i32
    %mul3A_2 = arith.muli %add3A, %mul3A_1 : i32
    "tpu.region"() ({
      %run_scoped3A = tpu.sem_alloc : memref<!tpu.dma_semaphore, #tpu.memory_space<semaphore_mem>>
      %dma_start3A_401 = tpu.memref_slice %arg2[%mul3A_2] : memref<102400xi32, #tpu.memory_space<hbm>> -> memref<3200xi32, #tpu.memory_space<hbm>>
      %dma_start3A_402 = tpu.memref_slice %arg2[%mul3A_2] : memref<102400xi32, #tpu.memory_space<hbm>> -> memref<3200xi32, #tpu.memory_space<hbm>>
      tpu.enqueue_dma source(%dma_start3A_402 : memref<3200xi32, #tpu.memory_space<hbm>>) target(%arg5 : memref<3200xi32, #tpu.memory_space<vmem>>) target_semaphore(%run_scoped3A : memref<!tpu.dma_semaphore, #tpu.memory_space<semaphore_mem>>)
      %dma_wait3A_403 = tpu.memref_slice %arg2[%mul3A_2] : memref<102400xi32, #tpu.memory_space<hbm>> -> memref<3200xi32, #tpu.memory_space<hbm>>
      %dma_wait3A_404 = tpu.memref_slice %arg2[%mul3A_2] : memref<102400xi32, #tpu.memory_space<hbm>> -> memref<3200xi32, #tpu.memory_space<hbm>>
      tpu.wait_dma2 semaphore(%run_scoped3A : memref<!tpu.dma_semaphore, #tpu.memory_space<semaphore_mem>>) src(%dma_wait3A_404 : memref<3200xi32, #tpu.memory_space<hbm>>) dst(%arg5 : memref<3200xi32, #tpu.memory_space<vmem>>)
      tpu.yield
    }) : () -> ()
    %dma_start3A = arith.constant 0 : i32
    %dma_start3A_3 = tpu.memref_slice %arg5[%dma_start3A] : memref<3200xi32, #tpu.memory_space<vmem>> -> memref<160xi32, #tpu.memory_space<vmem>>
    %dma_start3A_4 = arith.constant 0 : i32
    %dma_start3A_5 = arith.constant 0 : i32
    %dma_start3A_6 = tpu.memref_slice %arg3[%dma_start3A_4, %dma_start3A_5] : memref<768x256xf32, #tpu.memory_space<hbm>> -> memref<768x256xf32, #tpu.memory_space<hbm>>
    tpu.enqueue_indirect_dma source(%dma_start3A_6 : memref<768x256xf32, #tpu.memory_space<hbm>>) target(%arg6 : memref<160x256xf32, #tpu.memory_space<vmem>>) offsets(%dma_start3A_3 : memref<160xi32, #tpu.memory_space<vmem>>) semaphore(%arg9 : memref<!tpu.dma_semaphore, #tpu.memory_space<semaphore_mem>>)
    %dma_start3A_7 = arith.constant 160 : i32
    %dma_start3A_8 = tpu.memref_slice %arg5[%dma_start3A_7] : memref<3200xi32, #tpu.memory_space<vmem>> -> memref<160xi32, #tpu.memory_space<vmem>>
    %dma_start3A_9 = arith.constant 0 : i32
    %dma_start3A_10 = arith.constant 0 : i32
    %dma_start3A_11 = tpu.memref_slice %arg3[%dma_start3A_9, %dma_start3A_10] : memref<768x256xf32, #tpu.memory_space<hbm>> -> memref<768x256xf32, #tpu.memory_space<hbm>>
    tpu.enqueue_indirect_dma source(%dma_start3A_11 : memref<768x256xf32, #tpu.memory_space<hbm>>) target(%arg7 : memref<160x256xf32, #tpu.memory_space<vmem>>) offsets(%dma_start3A_8 : memref<160xi32, #tpu.memory_space<vmem>>) semaphore(%arg10 : memref<!tpu.dma_semaphore, #tpu.memory_space<semaphore_mem>>)
    %dma_wait3A = arith.constant 0 : i32
    %dma_wait3A_12 = tpu.memref_slice %arg5[%dma_wait3A] : memref<3200xi32, #tpu.memory_space<vmem>> -> memref<160xi32, #tpu.memory_space<vmem>>
    %dma_wait3A_13 = arith.constant 0 : i32
    %dma_wait3A_14 = arith.constant 0 : i32
    %dma_wait3A_15 = tpu.memref_slice %arg3[%dma_wait3A_13, %dma_wait3A_14] : memref<768x256xf32, #tpu.memory_space<hbm>> -> memref<768x256xf32, #tpu.memory_space<hbm>>
    tpu.wait_indirect_dma semaphore(%arg9 : memref<!tpu.dma_semaphore, #tpu.memory_space<semaphore_mem>>) src(%dma_wait3A_15 : memref<768x256xf32, #tpu.memory_space<hbm>>) dst(%arg6 : memref<160x256xf32, #tpu.memory_space<vmem>>)
    %add3A_16 = arith.constant 0 : i32
    %add3A_17 = arith.addi %mul3A_2, %add3A_16 : i32
    %dma_start3A_18 = arith.constant 0 : i32
    %dma_start3A_19 = tpu.memref_slice %arg4[%add3A_17, %dma_start3A_18] : memref<102400x256xf32, #tpu.memory_space<hbm>> -> memref<160x256xf32, #tpu.memory_space<hbm>>
    %dma_start3A_20 = arith.constant 0 : i32
    %dma_start3A_21 = tpu.memref_slice %arg4[%add3A_17, %dma_start3A_20] : memref<102400x256xf32, #tpu.memory_space<hbm>> -> memref<160x256xf32, #tpu.memory_space<hbm>>
    tpu.enqueue_dma source(%arg6 : memref<160x256xf32, #tpu.memory_space<vmem>>) target(%dma_start3A_21 : memref<160x256xf32, #tpu.memory_space<hbm>>) target_semaphore(%arg12 : memref<!tpu.dma_semaphore, #tpu.memory_space<semaphore_mem>>)
    %dma_start3A_22 = arith.constant 320 : i32
    %dma_start3A_23 = tpu.memref_slice %arg5[%dma_start3A_22] : memref<3200xi32, #tpu.memory_space<vmem>> -> memref<160xi32, #tpu.memory_space<vmem>>
    %dma_start3A_24 = arith.constant 0 : i32
    %dma_start3A_25 = arith.constant 0 : i32
    %dma_start3A_26 = tpu.memref_slice %arg3[%dma_start3A_24, %dma_start3A_25] : memref<768x256xf32, #tpu.memory_space<hbm>> -> memref<768x256xf32, #tpu.memory_space<hbm>>
    tpu.enqueue_indirect_dma source(%dma_start3A_26 : memref<768x256xf32, #tpu.memory_space<hbm>>) target(%arg8 : memref<160x256xf32, #tpu.memory_space<vmem>>) offsets(%dma_start3A_23 : memref<160xi32, #tpu.memory_space<vmem>>) semaphore(%arg11 : memref<!tpu.dma_semaphore, #tpu.memory_space<semaphore_mem>>)
    %dma_wait3A_27 = arith.constant 160 : i32
    %dma_wait3A_28 = tpu.memref_slice %arg5[%dma_wait3A_27] : memref<3200xi32, #tpu.memory_space<vmem>> -> memref<160xi32, #tpu.memory_space<vmem>>
    %dma_wait3A_29 = arith.constant 0 : i32
    %dma_wait3A_30 = arith.constant 0 : i32
    %dma_wait3A_31 = tpu.memref_slice %arg3[%dma_wait3A_29, %dma_wait3A_30] : memref<768x256xf32, #tpu.memory_space<hbm>> -> memref<768x256xf32, #tpu.memory_space<hbm>>
    tpu.wait_indirect_dma semaphore(%arg10 : memref<!tpu.dma_semaphore, #tpu.memory_space<semaphore_mem>>) src(%dma_wait3A_31 : memref<768x256xf32, #tpu.memory_space<hbm>>) dst(%arg7 : memref<160x256xf32, #tpu.memory_space<vmem>>)
    %add3A_32 = arith.constant 160 : i32
    %add3A_33 = arith.addi %mul3A_2, %add3A_32 : i32
    %dma_start3A_34 = arith.constant 0 : i32
    %dma_start3A_35 = tpu.memref_slice %arg4[%add3A_33, %dma_start3A_34] : memref<102400x256xf32, #tpu.memory_space<hbm>> -> memref<160x256xf32, #tpu.memory_space<hbm>>
    %dma_start3A_36 = arith.constant 0 : i32
    %dma_start3A_37 = tpu.memref_slice %arg4[%add3A_33, %dma_start3A_36] : memref<102400x256xf32, #tpu.memory_space<hbm>> -> memref<160x256xf32, #tpu.memory_space<hbm>>
    tpu.enqueue_dma source(%arg7 : memref<160x256xf32, #tpu.memory_space<vmem>>) target(%dma_start3A_37 : memref<160x256xf32, #tpu.memory_space<hbm>>) target_semaphore(%arg13 : memref<!tpu.dma_semaphore, #tpu.memory_space<semaphore_mem>>)
    %dma_wait3A_38 = arith.constant 0 : i32
    %dma_wait3A_39 = tpu.memref_slice %arg4[%add3A_17, %dma_wait3A_38] : memref<102400x256xf32, #tpu.memory_space<hbm>> -> memref<160x256xf32, #tpu.memory_space<hbm>>
    %dma_wait3A_40 = arith.constant 0 : i32
    %dma_wait3A_41 = tpu.memref_slice %arg4[%add3A_17, %dma_wait3A_40] : memref<102400x256xf32, #tpu.memory_space<hbm>> -> memref<160x256xf32, #tpu.memory_space<hbm>>
    tpu.wait_dma2 semaphore(%arg12 : memref<!tpu.dma_semaphore, #tpu.memory_space<semaphore_mem>>) src(%arg6 : memref<160x256xf32, #tpu.memory_space<vmem>>) dst(%dma_wait3A_41 : memref<160x256xf32, #tpu.memory_space<hbm>>)
    %dma_start3A_42 = arith.constant 480 : i32
    %dma_start3A_43 = tpu.memref_slice %arg5[%dma_start3A_42] : memref<3200xi32, #tpu.memory_space<vmem>> -> memref<160xi32, #tpu.memory_space<vmem>>
    %dma_start3A_44 = arith.constant 0 : i32
    %dma_start3A_45 = arith.constant 0 : i32
    %dma_start3A_46 = tpu.memref_slice %arg3[%dma_start3A_44, %dma_start3A_45] : memref<768x256xf32, #tpu.memory_space<hbm>> -> memref<768x256xf32, #tpu.memory_space<hbm>>
    tpu.enqueue_indirect_dma source(%dma_start3A_46 : memref<768x256xf32, #tpu.memory_space<hbm>>) target(%arg6 : memref<160x256xf32, #tpu.memory_space<vmem>>) offsets(%dma_start3A_43 : memref<160xi32, #tpu.memory_space<vmem>>) semaphore(%arg9 : memref<!tpu.dma_semaphore, #tpu.memory_space<semaphore_mem>>)
    %dma_wait3A_47 = arith.constant 320 : i32
    %dma_wait3A_48 = tpu.memref_slice %arg5[%dma_wait3A_47] : memref<3200xi32, #tpu.memory_space<vmem>> -> memref<160xi32, #tpu.memory_space<vmem>>
    %dma_wait3A_49 = arith.constant 0 : i32
    %dma_wait3A_50 = arith.constant 0 : i32
    %dma_wait3A_51 = tpu.memref_slice %arg3[%dma_wait3A_49, %dma_wait3A_50] : memref<768x256xf32, #tpu.memory_space<hbm>> -> memref<768x256xf32, #tpu.memory_space<hbm>>
    tpu.wait_indirect_dma semaphore(%arg11 : memref<!tpu.dma_semaphore, #tpu.memory_space<semaphore_mem>>) src(%dma_wait3A_51 : memref<768x256xf32, #tpu.memory_space<hbm>>) dst(%arg8 : memref<160x256xf32, #tpu.memory_space<vmem>>)
    %add3A_52 = arith.constant 320 : i32
    %add3A_53 = arith.addi %mul3A_2, %add3A_52 : i32
    %dma_start3A_54 = arith.constant 0 : i32
    %dma_start3A_55 = tpu.memref_slice %arg4[%add3A_53, %dma_start3A_54] : memref<102400x256xf32, #tpu.memory_space<hbm>> -> memref<160x256xf32, #tpu.memory_space<hbm>>
    %dma_start3A_56 = arith.constant 0 : i32
    %dma_start3A_57 = tpu.memref_slice %arg4[%add3A_53, %dma_start3A_56] : memref<102400x256xf32, #tpu.memory_space<hbm>> -> memref<160x256xf32, #tpu.memory_space<hbm>>
    tpu.enqueue_dma source(%arg8 : memref<160x256xf32, #tpu.memory_space<vmem>>) target(%dma_start3A_57 : memref<160x256xf32, #tpu.memory_space<hbm>>) target_semaphore(%arg14 : memref<!tpu.dma_semaphore, #tpu.memory_space<semaphore_mem>>)
    %dma_wait3A_58 = arith.constant 0 : i32
    %dma_wait3A_59 = tpu.memref_slice %arg4[%add3A_33, %dma_wait3A_58] : memref<102400x256xf32, #tpu.memory_space<hbm>> -> memref<160x256xf32, #tpu.memory_space<hbm>>
    %dma_wait3A_60 = arith.constant 0 : i32
    %dma_wait3A_61 = tpu.memref_slice %arg4[%add3A_33, %dma_wait3A_60] : memref<102400x256xf32, #tpu.memory_space<hbm>> -> memref<160x256xf32, #tpu.memory_space<hbm>>
    tpu.wait_dma2 semaphore(%arg13 : memref<!tpu.dma_semaphore, #tpu.memory_space<semaphore_mem>>) src(%arg7 : memref<160x256xf32, #tpu.memory_space<vmem>>) dst(%dma_wait3A_61 : memref<160x256xf32, #tpu.memory_space<hbm>>)
    %dma_start3A_62 = arith.constant 640 : i32
    %dma_start3A_63 = tpu.memref_slice %arg5[%dma_start3A_62] : memref<3200xi32, #tpu.memory_space<vmem>> -> memref<160xi32, #tpu.memory_space<vmem>>
    %dma_start3A_64 = arith.constant 0 : i32
    %dma_start3A_65 = arith.constant 0 : i32
    %dma_start3A_66 = tpu.memref_slice %arg3[%dma_start3A_64, %dma_start3A_65] : memref<768x256xf32, #tpu.memory_space<hbm>> -> memref<768x256xf32, #tpu.memory_space<hbm>>
    tpu.enqueue_indirect_dma source(%dma_start3A_66 : memref<768x256xf32, #tpu.memory_space<hbm>>) target(%arg7 : memref<160x256xf32, #tpu.memory_space<vmem>>) offsets(%dma_start3A_63 : memref<160xi32, #tpu.memory_space<vmem>>) semaphore(%arg10 : memref<!tpu.dma_semaphore, #tpu.memory_space<semaphore_mem>>)
    %dma_wait3A_67 = arith.constant 480 : i32
    %dma_wait3A_68 = tpu.memref_slice %arg5[%dma_wait3A_67] : memref<3200xi32, #tpu.memory_space<vmem>> -> memref<160xi32, #tpu.memory_space<vmem>>
    %dma_wait3A_69 = arith.constant 0 : i32
    %dma_wait3A_70 = arith.constant 0 : i32
    %dma_wait3A_71 = tpu.memref_slice %arg3[%dma_wait3A_69, %dma_wait3A_70] : memref<768x256xf32, #tpu.memory_space<hbm>> -> memref<768x256xf32, #tpu.memory_space<hbm>>
    tpu.wait_indirect_dma semaphore(%arg9 : memref<!tpu.dma_semaphore, #tpu.memory_space<semaphore_mem>>) src(%dma_wait3A_71 : memref<768x256xf32, #tpu.memory_space<hbm>>) dst(%arg6 : memref<160x256xf32, #tpu.memory_space<vmem>>)
    %add3A_72 = arith.constant 480 : i32
    %add3A_73 = arith.addi %mul3A_2, %add3A_72 : i32
    %dma_start3A_74 = arith.constant 0 : i32
    %dma_start3A_75 = tpu.memref_slice %arg4[%add3A_73, %dma_start3A_74] : memref<102400x256xf32, #tpu.memory_space<hbm>> -> memref<160x256xf32, #tpu.memory_space<hbm>>
    %dma_start3A_76 = arith.constant 0 : i32
    %dma_start3A_77 = tpu.memref_slice %arg4[%add3A_73, %dma_start3A_76] : memref<102400x256xf32, #tpu.memory_space<hbm>> -> memref<160x256xf32, #tpu.memory_space<hbm>>
    tpu.enqueue_dma source(%arg6 : memref<160x256xf32, #tpu.memory_space<vmem>>) target(%dma_start3A_77 : memref<160x256xf32, #tpu.memory_space<hbm>>) target_semaphore(%arg12 : memref<!tpu.dma_semaphore, #tpu.memory_space<semaphore_mem>>)
    %dma_wait3A_78 = arith.constant 0 : i32
    %dma_wait3A_79 = tpu.memref_slice %arg4[%add3A_53, %dma_wait3A_78] : memref<102400x256xf32, #tpu.memory_space<hbm>> -> memref<160x256xf32, #tpu.memory_space<hbm>>
    %dma_wait3A_80 = arith.constant 0 : i32
    %dma_wait3A_81 = tpu.memref_slice %arg4[%add3A_53, %dma_wait3A_80] : memref<102400x256xf32, #tpu.memory_space<hbm>> -> memref<160x256xf32, #tpu.memory_space<hbm>>
    tpu.wait_dma2 semaphore(%arg14 : memref<!tpu.dma_semaphore, #tpu.memory_space<semaphore_mem>>) src(%arg8 : memref<160x256xf32, #tpu.memory_space<vmem>>) dst(%dma_wait3A_81 : memref<160x256xf32, #tpu.memory_space<hbm>>)
    %dma_start3A_82 = arith.constant 800 : i32
    %dma_start3A_83 = tpu.memref_slice %arg5[%dma_start3A_82] : memref<3200xi32, #tpu.memory_space<vmem>> -> memref<160xi32, #tpu.memory_space<vmem>>
    %dma_start3A_84 = arith.constant 0 : i32
    %dma_start3A_85 = arith.constant 0 : i32
    %dma_start3A_86 = tpu.memref_slice %arg3[%dma_start3A_84, %dma_start3A_85] : memref<768x256xf32, #tpu.memory_space<hbm>> -> memref<768x256xf32, #tpu.memory_space<hbm>>
    tpu.enqueue_indirect_dma source(%dma_start3A_86 : memref<768x256xf32, #tpu.memory_space<hbm>>) target(%arg8 : memref<160x256xf32, #tpu.memory_space<vmem>>) offsets(%dma_start3A_83 : memref<160xi32, #tpu.memory_space<vmem>>) semaphore(%arg11 : memref<!tpu.dma_semaphore, #tpu.memory_space<semaphore_mem>>)
    %dma_wait3A_87 = arith.constant 640 : i32
    %dma_wait3A_88 = tpu.memref_slice %arg5[%dma_wait3A_87] : memref<3200xi32, #tpu.memory_space<vmem>> -> memref<160xi32, #tpu.memory_space<vmem>>
    %dma_wait3A_89 = arith.constant 0 : i32
    %dma_wait3A_90 = arith.constant 0 : i32
    %dma_wait3A_91 = tpu.memref_slice %arg3[%dma_wait3A_89, %dma_wait3A_90] : memref<768x256xf32, #tpu.memory_space<hbm>> -> memref<768x256xf32, #tpu.memory_space<hbm>>
    tpu.wait_indirect_dma semaphore(%arg10 : memref<!tpu.dma_semaphore, #tpu.memory_space<semaphore_mem>>) src(%dma_wait3A_91 : memref<768x256xf32, #tpu.memory_space<hbm>>) dst(%arg7 : memref<160x256xf32, #tpu.memory_space<vmem>>)
    %add3A_92 = arith.constant 640 : i32
    %add3A_93 = arith.addi %mul3A_2, %add3A_92 : i32
    %dma_start3A_94 = arith.constant 0 : i32
    %dma_start3A_95 = tpu.memref_slice %arg4[%add3A_93, %dma_start3A_94] : memref<102400x256xf32, #tpu.memory_space<hbm>> -> memref<160x256xf32, #tpu.memory_space<hbm>>
    %dma_start3A_96 = arith.constant 0 : i32
    %dma_start3A_97 = tpu.memref_slice %arg4[%add3A_93, %dma_start3A_96] : memref<102400x256xf32, #tpu.memory_space<hbm>> -> memref<160x256xf32, #tpu.memory_space<hbm>>
    tpu.enqueue_dma source(%arg7 : memref<160x256xf32, #tpu.memory_space<vmem>>) target(%dma_start3A_97 : memref<160x256xf32, #tpu.memory_space<hbm>>) target_semaphore(%arg13 : memref<!tpu.dma_semaphore, #tpu.memory_space<semaphore_mem>>)
    %dma_wait3A_98 = arith.constant 0 : i32
    %dma_wait3A_99 = tpu.memref_slice %arg4[%add3A_73, %dma_wait3A_98] : memref<102400x256xf32, #tpu.memory_space<hbm>> -> memref<160x256xf32, #tpu.memory_space<hbm>>
    %dma_wait3A_100 = arith.constant 0 : i32
    %dma_wait3A_101 = tpu.memref_slice %arg4[%add3A_73, %dma_wait3A_100] : memref<102400x256xf32, #tpu.memory_space<hbm>> -> memref<160x256xf32, #tpu.memory_space<hbm>>
    tpu.wait_dma2 semaphore(%arg12 : memref<!tpu.dma_semaphore, #tpu.memory_space<semaphore_mem>>) src(%arg6 : memref<160x256xf32, #tpu.memory_space<vmem>>) dst(%dma_wait3A_101 : memref<160x256xf32, #tpu.memory_space<hbm>>)
    %dma_start3A_102 = arith.constant 960 : i32
    %dma_start3A_103 = tpu.memref_slice %arg5[%dma_start3A_102] : memref<3200xi32, #tpu.memory_space<vmem>> -> memref<160xi32, #tpu.memory_space<vmem>>
    %dma_start3A_104 = arith.constant 0 : i32
    %dma_start3A_105 = arith.constant 0 : i32
    %dma_start3A_106 = tpu.memref_slice %arg3[%dma_start3A_104, %dma_start3A_105] : memref<768x256xf32, #tpu.memory_space<hbm>> -> memref<768x256xf32, #tpu.memory_space<hbm>>
    tpu.enqueue_indirect_dma source(%dma_start3A_106 : memref<768x256xf32, #tpu.memory_space<hbm>>) target(%arg6 : memref<160x256xf32, #tpu.memory_space<vmem>>) offsets(%dma_start3A_103 : memref<160xi32, #tpu.memory_space<vmem>>) semaphore(%arg9 : memref<!tpu.dma_semaphore, #tpu.memory_space<semaphore_mem>>)
    %dma_wait3A_107 = arith.constant 800 : i32
    %dma_wait3A_108 = tpu.memref_slice %arg5[%dma_wait3A_107] : memref<3200xi32, #tpu.memory_space<vmem>> -> memref<160xi32, #tpu.memory_space<vmem>>
    %dma_wait3A_109 = arith.constant 0 : i32
    %dma_wait3A_110 = arith.constant 0 : i32
    %dma_wait3A_111 = tpu.memref_slice %arg3[%dma_wait3A_109, %dma_wait3A_110] : memref<768x256xf32, #tpu.memory_space<hbm>> -> memref<768x256xf32, #tpu.memory_space<hbm>>
    tpu.wait_indirect_dma semaphore(%arg11 : memref<!tpu.dma_semaphore, #tpu.memory_space<semaphore_mem>>) src(%dma_wait3A_111 : memref<768x256xf32, #tpu.memory_space<hbm>>) dst(%arg8 : memref<160x256xf32, #tpu.memory_space<vmem>>)
    %add3A_112 = arith.constant 800 : i32
    %add3A_113 = arith.addi %mul3A_2, %add3A_112 : i32
    %dma_start3A_114 = arith.constant 0 : i32
    %dma_start3A_115 = tpu.memref_slice %arg4[%add3A_113, %dma_start3A_114] : memref<102400x256xf32, #tpu.memory_space<hbm>> -> memref<160x256xf32, #tpu.memory_space<hbm>>
    %dma_start3A_116 = arith.constant 0 : i32
    %dma_start3A_117 = tpu.memref_slice %arg4[%add3A_113, %dma_start3A_116] : memref<102400x256xf32, #tpu.memory_space<hbm>> -> memref<160x256xf32, #tpu.memory_space<hbm>>
    tpu.enqueue_dma source(%arg8 : memref<160x256xf32, #tpu.memory_space<vmem>>) target(%dma_start3A_117 : memref<160x256xf32, #tpu.memory_space<hbm>>) target_semaphore(%arg14 : memref<!tpu.dma_semaphore, #tpu.memory_space<semaphore_mem>>)
    %dma_wait3A_118 = arith.constant 0 : i32
    %dma_wait3A_119 = tpu.memref_slice %arg4[%add3A_93, %dma_wait3A_118] : memref<102400x256xf32, #tpu.memory_space<hbm>> -> memref<160x256xf32, #tpu.memory_space<hbm>>
    %dma_wait3A_120 = arith.constant 0 : i32
    %dma_wait3A_121 = tpu.memref_slice %arg4[%add3A_93, %dma_wait3A_120] : memref<102400x256xf32, #tpu.memory_space<hbm>> -> memref<160x256xf32, #tpu.memory_space<hbm>>
    tpu.wait_dma2 semaphore(%arg13 : memref<!tpu.dma_semaphore, #tpu.memory_space<semaphore_mem>>) src(%arg7 : memref<160x256xf32, #tpu.memory_space<vmem>>) dst(%dma_wait3A_121 : memref<160x256xf32, #tpu.memory_space<hbm>>)
    %dma_start3A_122 = arith.constant 1120 : i32
    %dma_start3A_123 = tpu.memref_slice %arg5[%dma_start3A_122] : memref<3200xi32, #tpu.memory_space<vmem>> -> memref<160xi32, #tpu.memory_space<vmem>>
    %dma_start3A_124 = arith.constant 0 : i32
    %dma_start3A_125 = arith.constant 0 : i32
    %dma_start3A_126 = tpu.memref_slice %arg3[%dma_start3A_124, %dma_start3A_125] : memref<768x256xf32, #tpu.memory_space<hbm>> -> memref<768x256xf32, #tpu.memory_space<hbm>>
    tpu.enqueue_indirect_dma source(%dma_start3A_126 : memref<768x256xf32, #tpu.memory_space<hbm>>) target(%arg7 : memref<160x256xf32, #tpu.memory_space<vmem>>) offsets(%dma_start3A_123 : memref<160xi32, #tpu.memory_space<vmem>>) semaphore(%arg10 : memref<!tpu.dma_semaphore, #tpu.memory_space<semaphore_mem>>)
    %dma_wait3A_127 = arith.constant 960 : i32
    %dma_wait3A_128 = tpu.memref_slice %arg5[%dma_wait3A_127] : memref<3200xi32, #tpu.memory_space<vmem>> -> memref<160xi32, #tpu.memory_space<vmem>>
    %dma_wait3A_129 = arith.constant 0 : i32
    %dma_wait3A_130 = arith.constant 0 : i32
    %dma_wait3A_131 = tpu.memref_slice %arg3[%dma_wait3A_129, %dma_wait3A_130] : memref<768x256xf32, #tpu.memory_space<hbm>> -> memref<768x256xf32, #tpu.memory_space<hbm>>
    tpu.wait_indirect_dma semaphore(%arg9 : memref<!tpu.dma_semaphore, #tpu.memory_space<semaphore_mem>>) src(%dma_wait3A_131 : memref<768x256xf32, #tpu.memory_space<hbm>>) dst(%arg6 : memref<160x256xf32, #tpu.memory_space<vmem>>)
    %add3A_132 = arith.constant 960 : i32
    %add3A_133 = arith.addi %mul3A_2, %add3A_132 : i32
    %dma_start3A_134 = arith.constant 0 : i32
    %dma_start3A_135 = tpu.memref_slice %arg4[%add3A_133, %dma_start3A_134] : memref<102400x256xf32, #tpu.memory_space<hbm>> -> memref<160x256xf32, #tpu.memory_space<hbm>>
    %dma_start3A_136 = arith.constant 0 : i32
    %dma_start3A_137 = tpu.memref_slice %arg4[%add3A_133, %dma_start3A_136] : memref<102400x256xf32, #tpu.memory_space<hbm>> -> memref<160x256xf32, #tpu.memory_space<hbm>>
    tpu.enqueue_dma source(%arg6 : memref<160x256xf32, #tpu.memory_space<vmem>>) target(%dma_start3A_137 : memref<160x256xf32, #tpu.memory_space<hbm>>) target_semaphore(%arg12 : memref<!tpu.dma_semaphore, #tpu.memory_space<semaphore_mem>>)
    %dma_wait3A_138 = arith.constant 0 : i32
    %dma_wait3A_139 = tpu.memref_slice %arg4[%add3A_113, %dma_wait3A_138] : memref<102400x256xf32, #tpu.memory_space<hbm>> -> memref<160x256xf32, #tpu.memory_space<hbm>>
    %dma_wait3A_140 = arith.constant 0 : i32
    %dma_wait3A_141 = tpu.memref_slice %arg4[%add3A_113, %dma_wait3A_140] : memref<102400x256xf32, #tpu.memory_space<hbm>> -> memref<160x256xf32, #tpu.memory_space<hbm>>
    tpu.wait_dma2 semaphore(%arg14 : memref<!tpu.dma_semaphore, #tpu.memory_space<semaphore_mem>>) src(%arg8 : memref<160x256xf32, #tpu.memory_space<vmem>>) dst(%dma_wait3A_141 : memref<160x256xf32, #tpu.memory_space<hbm>>)
    %dma_start3A_142 = arith.constant 1280 : i32
    %dma_start3A_143 = tpu.memref_slice %arg5[%dma_start3A_142] : memref<3200xi32, #tpu.memory_space<vmem>> -> memref<160xi32, #tpu.memory_space<vmem>>
    %dma_start3A_144 = arith.constant 0 : i32
    %dma_start3A_145 = arith.constant 0 : i32
    %dma_start3A_146 = tpu.memref_slice %arg3[%dma_start3A_144, %dma_start3A_145] : memref<768x256xf32, #tpu.memory_space<hbm>> -> memref<768x256xf32, #tpu.memory_space<hbm>>
    tpu.enqueue_indirect_dma source(%dma_start3A_146 : memref<768x256xf32, #tpu.memory_space<hbm>>) target(%arg8 : memref<160x256xf32, #tpu.memory_space<vmem>>) offsets(%dma_start3A_143 : memref<160xi32, #tpu.memory_space<vmem>>) semaphore(%arg11 : memref<!tpu.dma_semaphore, #tpu.memory_space<semaphore_mem>>)
    %dma_wait3A_147 = arith.constant 1120 : i32
    %dma_wait3A_148 = tpu.memref_slice %arg5[%dma_wait3A_147] : memref<3200xi32, #tpu.memory_space<vmem>> -> memref<160xi32, #tpu.memory_space<vmem>>
    %dma_wait3A_149 = arith.constant 0 : i32
    %dma_wait3A_150 = arith.constant 0 : i32
    %dma_wait3A_151 = tpu.memref_slice %arg3[%dma_wait3A_149, %dma_wait3A_150] : memref<768x256xf32, #tpu.memory_space<hbm>> -> memref<768x256xf32, #tpu.memory_space<hbm>>
    tpu.wait_indirect_dma semaphore(%arg10 : memref<!tpu.dma_semaphore, #tpu.memory_space<semaphore_mem>>) src(%dma_wait3A_151 : memref<768x256xf32, #tpu.memory_space<hbm>>) dst(%arg7 : memref<160x256xf32, #tpu.memory_space<vmem>>)
    %add3A_152 = arith.constant 1120 : i32
    %add3A_153 = arith.addi %mul3A_2, %add3A_152 : i32
    %dma_start3A_154 = arith.constant 0 : i32
    %dma_start3A_155 = tpu.memref_slice %arg4[%add3A_153, %dma_start3A_154] : memref<102400x256xf32, #tpu.memory_space<hbm>> -> memref<160x256xf32, #tpu.memory_space<hbm>>
    %dma_start3A_156 = arith.constant 0 : i32
    %dma_start3A_157 = tpu.memref_slice %arg4[%add3A_153, %dma_start3A_156] : memref<102400x256xf32, #tpu.memory_space<hbm>> -> memref<160x256xf32, #tpu.memory_space<hbm>>
    tpu.enqueue_dma source(%arg7 : memref<160x256xf32, #tpu.memory_space<vmem>>) target(%dma_start3A_157 : memref<160x256xf32, #tpu.memory_space<hbm>>) target_semaphore(%arg13 : memref<!tpu.dma_semaphore, #tpu.memory_space<semaphore_mem>>)
    %dma_wait3A_158 = arith.constant 0 : i32
    %dma_wait3A_159 = tpu.memref_slice %arg4[%add3A_133, %dma_wait3A_158] : memref<102400x256xf32, #tpu.memory_space<hbm>> -> memref<160x256xf32, #tpu.memory_space<hbm>>
    %dma_wait3A_160 = arith.constant 0 : i32
    %dma_wait3A_161 = tpu.memref_slice %arg4[%add3A_133, %dma_wait3A_160] : memref<102400x256xf32, #tpu.memory_space<hbm>> -> memref<160x256xf32, #tpu.memory_space<hbm>>
    tpu.wait_dma2 semaphore(%arg12 : memref<!tpu.dma_semaphore, #tpu.memory_space<semaphore_mem>>) src(%arg6 : memref<160x256xf32, #tpu.memory_space<vmem>>) dst(%dma_wait3A_161 : memref<160x256xf32, #tpu.memory_space<hbm>>)
    %dma_start3A_162 = arith.constant 1440 : i32
    %dma_start3A_163 = tpu.memref_slice %arg5[%dma_start3A_162] : memref<3200xi32, #tpu.memory_space<vmem>> -> memref<160xi32, #tpu.memory_space<vmem>>
    %dma_start3A_164 = arith.constant 0 : i32
    %dma_start3A_165 = arith.constant 0 : i32
    %dma_start3A_166 = tpu.memref_slice %arg3[%dma_start3A_164, %dma_start3A_165] : memref<768x256xf32, #tpu.memory_space<hbm>> -> memref<768x256xf32, #tpu.memory_space<hbm>>
    tpu.enqueue_indirect_dma source(%dma_start3A_166 : memref<768x256xf32, #tpu.memory_space<hbm>>) target(%arg6 : memref<160x256xf32, #tpu.memory_space<vmem>>) offsets(%dma_start3A_163 : memref<160xi32, #tpu.memory_space<vmem>>) semaphore(%arg9 : memref<!tpu.dma_semaphore, #tpu.memory_space<semaphore_mem>>)
    %dma_wait3A_167 = arith.constant 1280 : i32
    %dma_wait3A_168 = tpu.memref_slice %arg5[%dma_wait3A_167] : memref<3200xi32, #tpu.memory_space<vmem>> -> memref<160xi32, #tpu.memory_space<vmem>>
    %dma_wait3A_169 = arith.constant 0 : i32
    %dma_wait3A_170 = arith.constant 0 : i32
    %dma_wait3A_171 = tpu.memref_slice %arg3[%dma_wait3A_169, %dma_wait3A_170] : memref<768x256xf32, #tpu.memory_space<hbm>> -> memref<768x256xf32, #tpu.memory_space<hbm>>
    tpu.wait_indirect_dma semaphore(%arg11 : memref<!tpu.dma_semaphore, #tpu.memory_space<semaphore_mem>>) src(%dma_wait3A_171 : memref<768x256xf32, #tpu.memory_space<hbm>>) dst(%arg8 : memref<160x256xf32, #tpu.memory_space<vmem>>)
    %add3A_172 = arith.constant 1280 : i32
    %add3A_173 = arith.addi %mul3A_2, %add3A_172 : i32
    %dma_start3A_174 = arith.constant 0 : i32
    %dma_start3A_175 = tpu.memref_slice %arg4[%add3A_173, %dma_start3A_174] : memref<102400x256xf32, #tpu.memory_space<hbm>> -> memref<160x256xf32, #tpu.memory_space<hbm>>
    %dma_start3A_176 = arith.constant 0 : i32
    %dma_start3A_177 = tpu.memref_slice %arg4[%add3A_173, %dma_start3A_176] : memref<102400x256xf32, #tpu.memory_space<hbm>> -> memref<160x256xf32, #tpu.memory_space<hbm>>
    tpu.enqueue_dma source(%arg8 : memref<160x256xf32, #tpu.memory_space<vmem>>) target(%dma_start3A_177 : memref<160x256xf32, #tpu.memory_space<hbm>>) target_semaphore(%arg14 : memref<!tpu.dma_semaphore, #tpu.memory_space<semaphore_mem>>)
    %dma_wait3A_178 = arith.constant 0 : i32
    %dma_wait3A_179 = tpu.memref_slice %arg4[%add3A_153, %dma_wait3A_178] : memref<102400x256xf32, #tpu.memory_space<hbm>> -> memref<160x256xf32, #tpu.memory_space<hbm>>
    %dma_wait3A_180 = arith.constant 0 : i32
    %dma_wait3A_181 = tpu.memref_slice %arg4[%add3A_153, %dma_wait3A_180] : memref<102400x256xf32, #tpu.memory_space<hbm>> -> memref<160x256xf32, #tpu.memory_space<hbm>>
    tpu.wait_dma2 semaphore(%arg13 : memref<!tpu.dma_semaphore, #tpu.memory_space<semaphore_mem>>) src(%arg7 : memref<160x256xf32, #tpu.memory_space<vmem>>) dst(%dma_wait3A_181 : memref<160x256xf32, #tpu.memory_space<hbm>>)
    %dma_start3A_182 = arith.constant 1600 : i32
    %dma_start3A_183 = tpu.memref_slice %arg5[%dma_start3A_182] : memref<3200xi32, #tpu.memory_space<vmem>> -> memref<160xi32, #tpu.memory_space<vmem>>
    %dma_start3A_184 = arith.constant 0 : i32
    %dma_start3A_185 = arith.constant 0 : i32
    %dma_start3A_186 = tpu.memref_slice %arg3[%dma_start3A_184, %dma_start3A_185] : memref<768x256xf32, #tpu.memory_space<hbm>> -> memref<768x256xf32, #tpu.memory_space<hbm>>
    tpu.enqueue_indirect_dma source(%dma_start3A_186 : memref<768x256xf32, #tpu.memory_space<hbm>>) target(%arg7 : memref<160x256xf32, #tpu.memory_space<vmem>>) offsets(%dma_start3A_183 : memref<160xi32, #tpu.memory_space<vmem>>) semaphore(%arg10 : memref<!tpu.dma_semaphore, #tpu.memory_space<semaphore_mem>>)
    %dma_wait3A_187 = arith.constant 1440 : i32
    %dma_wait3A_188 = tpu.memref_slice %arg5[%dma_wait3A_187] : memref<3200xi32, #tpu.memory_space<vmem>> -> memref<160xi32, #tpu.memory_space<vmem>>
    %dma_wait3A_189 = arith.constant 0 : i32
    %dma_wait3A_190 = arith.constant 0 : i32
    %dma_wait3A_191 = tpu.memref_slice %arg3[%dma_wait3A_189, %dma_wait3A_190] : memref<768x256xf32, #tpu.memory_space<hbm>> -> memref<768x256xf32, #tpu.memory_space<hbm>>
    tpu.wait_indirect_dma semaphore(%arg9 : memref<!tpu.dma_semaphore, #tpu.memory_space<semaphore_mem>>) src(%dma_wait3A_191 : memref<768x256xf32, #tpu.memory_space<hbm>>) dst(%arg6 : memref<160x256xf32, #tpu.memory_space<vmem>>)
    %add3A_192 = arith.constant 1440 : i32
    %add3A_193 = arith.addi %mul3A_2, %add3A_192 : i32
    %dma_start3A_194 = arith.constant 0 : i32
    %dma_start3A_195 = tpu.memref_slice %arg4[%add3A_193, %dma_start3A_194] : memref<102400x256xf32, #tpu.memory_space<hbm>> -> memref<160x256xf32, #tpu.memory_space<hbm>>
    %dma_start3A_196 = arith.constant 0 : i32
    %dma_start3A_197 = tpu.memref_slice %arg4[%add3A_193, %dma_start3A_196] : memref<102400x256xf32, #tpu.memory_space<hbm>> -> memref<160x256xf32, #tpu.memory_space<hbm>>
    tpu.enqueue_dma source(%arg6 : memref<160x256xf32, #tpu.memory_space<vmem>>) target(%dma_start3A_197 : memref<160x256xf32, #tpu.memory_space<hbm>>) target_semaphore(%arg12 : memref<!tpu.dma_semaphore, #tpu.memory_space<semaphore_mem>>)
    %dma_wait3A_198 = arith.constant 0 : i32
    %dma_wait3A_199 = tpu.memref_slice %arg4[%add3A_173, %dma_wait3A_198] : memref<102400x256xf32, #tpu.memory_space<hbm>> -> memref<160x256xf32, #tpu.memory_space<hbm>>
    %dma_wait3A_200 = arith.constant 0 : i32
    %dma_wait3A_201 = tpu.memref_slice %arg4[%add3A_173, %dma_wait3A_200] : memref<102400x256xf32, #tpu.memory_space<hbm>> -> memref<160x256xf32, #tpu.memory_space<hbm>>
    tpu.wait_dma2 semaphore(%arg14 : memref<!tpu.dma_semaphore, #tpu.memory_space<semaphore_mem>>) src(%arg8 : memref<160x256xf32, #tpu.memory_space<vmem>>) dst(%dma_wait3A_201 : memref<160x256xf32, #tpu.memory_space<hbm>>)
    %dma_start3A_202 = arith.constant 1760 : i32
    %dma_start3A_203 = tpu.memref_slice %arg5[%dma_start3A_202] : memref<3200xi32, #tpu.memory_space<vmem>> -> memref<160xi32, #tpu.memory_space<vmem>>
    %dma_start3A_204 = arith.constant 0 : i32
    %dma_start3A_205 = arith.constant 0 : i32
    %dma_start3A_206 = tpu.memref_slice %arg3[%dma_start3A_204, %dma_start3A_205] : memref<768x256xf32, #tpu.memory_space<hbm>> -> memref<768x256xf32, #tpu.memory_space<hbm>>
    tpu.enqueue_indirect_dma source(%dma_start3A_206 : memref<768x256xf32, #tpu.memory_space<hbm>>) target(%arg8 : memref<160x256xf32, #tpu.memory_space<vmem>>) offsets(%dma_start3A_203 : memref<160xi32, #tpu.memory_space<vmem>>) semaphore(%arg11 : memref<!tpu.dma_semaphore, #tpu.memory_space<semaphore_mem>>)
    %dma_wait3A_207 = arith.constant 1600 : i32
    %dma_wait3A_208 = tpu.memref_slice %arg5[%dma_wait3A_207] : memref<3200xi32, #tpu.memory_space<vmem>> -> memref<160xi32, #tpu.memory_space<vmem>>
    %dma_wait3A_209 = arith.constant 0 : i32
    %dma_wait3A_210 = arith.constant 0 : i32
    %dma_wait3A_211 = tpu.memref_slice %arg3[%dma_wait3A_209, %dma_wait3A_210] : memref<768x256xf32, #tpu.memory_space<hbm>> -> memref<768x256xf32, #tpu.memory_space<hbm>>
    tpu.wait_indirect_dma semaphore(%arg10 : memref<!tpu.dma_semaphore, #tpu.memory_space<semaphore_mem>>) src(%dma_wait3A_211 : memref<768x256xf32, #tpu.memory_space<hbm>>) dst(%arg7 : memref<160x256xf32, #tpu.memory_space<vmem>>)
    %add3A_212 = arith.constant 1600 : i32
    %add3A_213 = arith.addi %mul3A_2, %add3A_212 : i32
    %dma_start3A_214 = arith.constant 0 : i32
    %dma_start3A_215 = tpu.memref_slice %arg4[%add3A_213, %dma_start3A_214] : memref<102400x256xf32, #tpu.memory_space<hbm>> -> memref<160x256xf32, #tpu.memory_space<hbm>>
    %dma_start3A_216 = arith.constant 0 : i32
    %dma_start3A_217 = tpu.memref_slice %arg4[%add3A_213, %dma_start3A_216] : memref<102400x256xf32, #tpu.memory_space<hbm>> -> memref<160x256xf32, #tpu.memory_space<hbm>>
    tpu.enqueue_dma source(%arg7 : memref<160x256xf32, #tpu.memory_space<vmem>>) target(%dma_start3A_217 : memref<160x256xf32, #tpu.memory_space<hbm>>) target_semaphore(%arg13 : memref<!tpu.dma_semaphore, #tpu.memory_space<semaphore_mem>>)
    %dma_wait3A_218 = arith.constant 0 : i32
    %dma_wait3A_219 = tpu.memref_slice %arg4[%add3A_193, %dma_wait3A_218] : memref<102400x256xf32, #tpu.memory_space<hbm>> -> memref<160x256xf32, #tpu.memory_space<hbm>>
    %dma_wait3A_220 = arith.constant 0 : i32
    %dma_wait3A_221 = tpu.memref_slice %arg4[%add3A_193, %dma_wait3A_220] : memref<102400x256xf32, #tpu.memory_space<hbm>> -> memref<160x256xf32, #tpu.memory_space<hbm>>
    tpu.wait_dma2 semaphore(%arg12 : memref<!tpu.dma_semaphore, #tpu.memory_space<semaphore_mem>>) src(%arg6 : memref<160x256xf32, #tpu.memory_space<vmem>>) dst(%dma_wait3A_221 : memref<160x256xf32, #tpu.memory_space<hbm>>)
    %dma_start3A_222 = arith.constant 1920 : i32
    %dma_start3A_223 = tpu.memref_slice %arg5[%dma_start3A_222] : memref<3200xi32, #tpu.memory_space<vmem>> -> memref<160xi32, #tpu.memory_space<vmem>>
    %dma_start3A_224 = arith.constant 0 : i32
    %dma_start3A_225 = arith.constant 0 : i32
    %dma_start3A_226 = tpu.memref_slice %arg3[%dma_start3A_224, %dma_start3A_225] : memref<768x256xf32, #tpu.memory_space<hbm>> -> memref<768x256xf32, #tpu.memory_space<hbm>>
    tpu.enqueue_indirect_dma source(%dma_start3A_226 : memref<768x256xf32, #tpu.memory_space<hbm>>) target(%arg6 : memref<160x256xf32, #tpu.memory_space<vmem>>) offsets(%dma_start3A_223 : memref<160xi32, #tpu.memory_space<vmem>>) semaphore(%arg9 : memref<!tpu.dma_semaphore, #tpu.memory_space<semaphore_mem>>)
    %dma_wait3A_227 = arith.constant 1760 : i32
    %dma_wait3A_228 = tpu.memref_slice %arg5[%dma_wait3A_227] : memref<3200xi32, #tpu.memory_space<vmem>> -> memref<160xi32, #tpu.memory_space<vmem>>
    %dma_wait3A_229 = arith.constant 0 : i32
    %dma_wait3A_230 = arith.constant 0 : i32
    %dma_wait3A_231 = tpu.memref_slice %arg3[%dma_wait3A_229, %dma_wait3A_230] : memref<768x256xf32, #tpu.memory_space<hbm>> -> memref<768x256xf32, #tpu.memory_space<hbm>>
    tpu.wait_indirect_dma semaphore(%arg11 : memref<!tpu.dma_semaphore, #tpu.memory_space<semaphore_mem>>) src(%dma_wait3A_231 : memref<768x256xf32, #tpu.memory_space<hbm>>) dst(%arg8 : memref<160x256xf32, #tpu.memory_space<vmem>>)
    %add3A_232 = arith.constant 1760 : i32
    %add3A_233 = arith.addi %mul3A_2, %add3A_232 : i32
    %dma_start3A_234 = arith.constant 0 : i32
    %dma_start3A_235 = tpu.memref_slice %arg4[%add3A_233, %dma_start3A_234] : memref<102400x256xf32, #tpu.memory_space<hbm>> -> memref<160x256xf32, #tpu.memory_space<hbm>>
    %dma_start3A_236 = arith.constant 0 : i32
    %dma_start3A_237 = tpu.memref_slice %arg4[%add3A_233, %dma_start3A_236] : memref<102400x256xf32, #tpu.memory_space<hbm>> -> memref<160x256xf32, #tpu.memory_space<hbm>>
    tpu.enqueue_dma source(%arg8 : memref<160x256xf32, #tpu.memory_space<vmem>>) target(%dma_start3A_237 : memref<160x256xf32, #tpu.memory_space<hbm>>) target_semaphore(%arg14 : memref<!tpu.dma_semaphore, #tpu.memory_space<semaphore_mem>>)
    %dma_wait3A_238 = arith.constant 0 : i32
    %dma_wait3A_239 = tpu.memref_slice %arg4[%add3A_213, %dma_wait3A_238] : memref<102400x256xf32, #tpu.memory_space<hbm>> -> memref<160x256xf32, #tpu.memory_space<hbm>>
    %dma_wait3A_240 = arith.constant 0 : i32
    %dma_wait3A_241 = tpu.memref_slice %arg4[%add3A_213, %dma_wait3A_240] : memref<102400x256xf32, #tpu.memory_space<hbm>> -> memref<160x256xf32, #tpu.memory_space<hbm>>
    tpu.wait_dma2 semaphore(%arg13 : memref<!tpu.dma_semaphore, #tpu.memory_space<semaphore_mem>>) src(%arg7 : memref<160x256xf32, #tpu.memory_space<vmem>>) dst(%dma_wait3A_241 : memref<160x256xf32, #tpu.memory_space<hbm>>)
    %dma_start3A_242 = arith.constant 2080 : i32
    %dma_start3A_243 = tpu.memref_slice %arg5[%dma_start3A_242] : memref<3200xi32, #tpu.memory_space<vmem>> -> memref<160xi32, #tpu.memory_space<vmem>>
    %dma_start3A_244 = arith.constant 0 : i32
    %dma_start3A_245 = arith.constant 0 : i32
    %dma_start3A_246 = tpu.memref_slice %arg3[%dma_start3A_244, %dma_start3A_245] : memref<768x256xf32, #tpu.memory_space<hbm>> -> memref<768x256xf32, #tpu.memory_space<hbm>>
    tpu.enqueue_indirect_dma source(%dma_start3A_246 : memref<768x256xf32, #tpu.memory_space<hbm>>) target(%arg7 : memref<160x256xf32, #tpu.memory_space<vmem>>) offsets(%dma_start3A_243 : memref<160xi32, #tpu.memory_space<vmem>>) semaphore(%arg10 : memref<!tpu.dma_semaphore, #tpu.memory_space<semaphore_mem>>)
    %dma_wait3A_247 = arith.constant 1920 : i32
    %dma_wait3A_248 = tpu.memref_slice %arg5[%dma_wait3A_247] : memref<3200xi32, #tpu.memory_space<vmem>> -> memref<160xi32, #tpu.memory_space<vmem>>
    %dma_wait3A_249 = arith.constant 0 : i32
    %dma_wait3A_250 = arith.constant 0 : i32
    %dma_wait3A_251 = tpu.memref_slice %arg3[%dma_wait3A_249, %dma_wait3A_250] : memref<768x256xf32, #tpu.memory_space<hbm>> -> memref<768x256xf32, #tpu.memory_space<hbm>>
    tpu.wait_indirect_dma semaphore(%arg9 : memref<!tpu.dma_semaphore, #tpu.memory_space<semaphore_mem>>) src(%dma_wait3A_251 : memref<768x256xf32, #tpu.memory_space<hbm>>) dst(%arg6 : memref<160x256xf32, #tpu.memory_space<vmem>>)
    %add3A_252 = arith.constant 1920 : i32
    %add3A_253 = arith.addi %mul3A_2, %add3A_252 : i32
    %dma_start3A_254 = arith.constant 0 : i32
    %dma_start3A_255 = tpu.memref_slice %arg4[%add3A_253, %dma_start3A_254] : memref<102400x256xf32, #tpu.memory_space<hbm>> -> memref<160x256xf32, #tpu.memory_space<hbm>>
    %dma_start3A_256 = arith.constant 0 : i32
    %dma_start3A_257 = tpu.memref_slice %arg4[%add3A_253, %dma_start3A_256] : memref<102400x256xf32, #tpu.memory_space<hbm>> -> memref<160x256xf32, #tpu.memory_space<hbm>>
    tpu.enqueue_dma source(%arg6 : memref<160x256xf32, #tpu.memory_space<vmem>>) target(%dma_start3A_257 : memref<160x256xf32, #tpu.memory_space<hbm>>) target_semaphore(%arg12 : memref<!tpu.dma_semaphore, #tpu.memory_space<semaphore_mem>>)
    %dma_wait3A_258 = arith.constant 0 : i32
    %dma_wait3A_259 = tpu.memref_slice %arg4[%add3A_233, %dma_wait3A_258] : memref<102400x256xf32, #tpu.memory_space<hbm>> -> memref<160x256xf32, #tpu.memory_space<hbm>>
    %dma_wait3A_260 = arith.constant 0 : i32
    %dma_wait3A_261 = tpu.memref_slice %arg4[%add3A_233, %dma_wait3A_260] : memref<102400x256xf32, #tpu.memory_space<hbm>> -> memref<160x256xf32, #tpu.memory_space<hbm>>
    tpu.wait_dma2 semaphore(%arg14 : memref<!tpu.dma_semaphore, #tpu.memory_space<semaphore_mem>>) src(%arg8 : memref<160x256xf32, #tpu.memory_space<vmem>>) dst(%dma_wait3A_261 : memref<160x256xf32, #tpu.memory_space<hbm>>)
    %dma_start3A_262 = arith.constant 2240 : i32
    %dma_start3A_263 = tpu.memref_slice %arg5[%dma_start3A_262] : memref<3200xi32, #tpu.memory_space<vmem>> -> memref<160xi32, #tpu.memory_space<vmem>>
    %dma_start3A_264 = arith.constant 0 : i32
    %dma_start3A_265 = arith.constant 0 : i32
    %dma_start3A_266 = tpu.memref_slice %arg3[%dma_start3A_264, %dma_start3A_265] : memref<768x256xf32, #tpu.memory_space<hbm>> -> memref<768x256xf32, #tpu.memory_space<hbm>>
    tpu.enqueue_indirect_dma source(%dma_start3A_266 : memref<768x256xf32, #tpu.memory_space<hbm>>) target(%arg8 : memref<160x256xf32, #tpu.memory_space<vmem>>) offsets(%dma_start3A_263 : memref<160xi32, #tpu.memory_space<vmem>>) semaphore(%arg11 : memref<!tpu.dma_semaphore, #tpu.memory_space<semaphore_mem>>)
    %dma_wait3A_267 = arith.constant 2080 : i32
    %dma_wait3A_268 = tpu.memref_slice %arg5[%dma_wait3A_267] : memref<3200xi32, #tpu.memory_space<vmem>> -> memref<160xi32, #tpu.memory_space<vmem>>
    %dma_wait3A_269 = arith.constant 0 : i32
    %dma_wait3A_270 = arith.constant 0 : i32
    %dma_wait3A_271 = tpu.memref_slice %arg3[%dma_wait3A_269, %dma_wait3A_270] : memref<768x256xf32, #tpu.memory_space<hbm>> -> memref<768x256xf32, #tpu.memory_space<hbm>>
    tpu.wait_indirect_dma semaphore(%arg10 : memref<!tpu.dma_semaphore, #tpu.memory_space<semaphore_mem>>) src(%dma_wait3A_271 : memref<768x256xf32, #tpu.memory_space<hbm>>) dst(%arg7 : memref<160x256xf32, #tpu.memory_space<vmem>>)
    %add3A_272 = arith.constant 2080 : i32
    %add3A_273 = arith.addi %mul3A_2, %add3A_272 : i32
    %dma_start3A_274 = arith.constant 0 : i32
    %dma_start3A_275 = tpu.memref_slice %arg4[%add3A_273, %dma_start3A_274] : memref<102400x256xf32, #tpu.memory_space<hbm>> -> memref<160x256xf32, #tpu.memory_space<hbm>>
    %dma_start3A_276 = arith.constant 0 : i32
    %dma_start3A_277 = tpu.memref_slice %arg4[%add3A_273, %dma_start3A_276] : memref<102400x256xf32, #tpu.memory_space<hbm>> -> memref<160x256xf32, #tpu.memory_space<hbm>>
    tpu.enqueue_dma source(%arg7 : memref<160x256xf32, #tpu.memory_space<vmem>>) target(%dma_start3A_277 : memref<160x256xf32, #tpu.memory_space<hbm>>) target_semaphore(%arg13 : memref<!tpu.dma_semaphore, #tpu.memory_space<semaphore_mem>>)
    %dma_wait3A_278 = arith.constant 0 : i32
    %dma_wait3A_279 = tpu.memref_slice %arg4[%add3A_253, %dma_wait3A_278] : memref<102400x256xf32, #tpu.memory_space<hbm>> -> memref<160x256xf32, #tpu.memory_space<hbm>>
    %dma_wait3A_280 = arith.constant 0 : i32
    %dma_wait3A_281 = tpu.memref_slice %arg4[%add3A_253, %dma_wait3A_280] : memref<102400x256xf32, #tpu.memory_space<hbm>> -> memref<160x256xf32, #tpu.memory_space<hbm>>
    tpu.wait_dma2 semaphore(%arg12 : memref<!tpu.dma_semaphore, #tpu.memory_space<semaphore_mem>>) src(%arg6 : memref<160x256xf32, #tpu.memory_space<vmem>>) dst(%dma_wait3A_281 : memref<160x256xf32, #tpu.memory_space<hbm>>)
    %dma_start3A_282 = arith.constant 2400 : i32
    %dma_start3A_283 = tpu.memref_slice %arg5[%dma_start3A_282] : memref<3200xi32, #tpu.memory_space<vmem>> -> memref<160xi32, #tpu.memory_space<vmem>>
    %dma_start3A_284 = arith.constant 0 : i32
    %dma_start3A_285 = arith.constant 0 : i32
    %dma_start3A_286 = tpu.memref_slice %arg3[%dma_start3A_284, %dma_start3A_285] : memref<768x256xf32, #tpu.memory_space<hbm>> -> memref<768x256xf32, #tpu.memory_space<hbm>>
    tpu.enqueue_indirect_dma source(%dma_start3A_286 : memref<768x256xf32, #tpu.memory_space<hbm>>) target(%arg6 : memref<160x256xf32, #tpu.memory_space<vmem>>) offsets(%dma_start3A_283 : memref<160xi32, #tpu.memory_space<vmem>>) semaphore(%arg9 : memref<!tpu.dma_semaphore, #tpu.memory_space<semaphore_mem>>)
    %dma_wait3A_287 = arith.constant 2240 : i32
    %dma_wait3A_288 = tpu.memref_slice %arg5[%dma_wait3A_287] : memref<3200xi32, #tpu.memory_space<vmem>> -> memref<160xi32, #tpu.memory_space<vmem>>
    %dma_wait3A_289 = arith.constant 0 : i32
    %dma_wait3A_290 = arith.constant 0 : i32
    %dma_wait3A_291 = tpu.memref_slice %arg3[%dma_wait3A_289, %dma_wait3A_290] : memref<768x256xf32, #tpu.memory_space<hbm>> -> memref<768x256xf32, #tpu.memory_space<hbm>>
    tpu.wait_indirect_dma semaphore(%arg11 : memref<!tpu.dma_semaphore, #tpu.memory_space<semaphore_mem>>) src(%dma_wait3A_291 : memref<768x256xf32, #tpu.memory_space<hbm>>) dst(%arg8 : memref<160x256xf32, #tpu.memory_space<vmem>>)
    %add3A_292 = arith.constant 2240 : i32
    %add3A_293 = arith.addi %mul3A_2, %add3A_292 : i32
    %dma_start3A_294 = arith.constant 0 : i32
    %dma_start3A_295 = tpu.memref_slice %arg4[%add3A_293, %dma_start3A_294] : memref<102400x256xf32, #tpu.memory_space<hbm>> -> memref<160x256xf32, #tpu.memory_space<hbm>>
    %dma_start3A_296 = arith.constant 0 : i32
    %dma_start3A_297 = tpu.memref_slice %arg4[%add3A_293, %dma_start3A_296] : memref<102400x256xf32, #tpu.memory_space<hbm>> -> memref<160x256xf32, #tpu.memory_space<hbm>>
    tpu.enqueue_dma source(%arg8 : memref<160x256xf32, #tpu.memory_space<vmem>>) target(%dma_start3A_297 : memref<160x256xf32, #tpu.memory_space<hbm>>) target_semaphore(%arg14 : memref<!tpu.dma_semaphore, #tpu.memory_space<semaphore_mem>>)
    %dma_wait3A_298 = arith.constant 0 : i32
    %dma_wait3A_299 = tpu.memref_slice %arg4[%add3A_273, %dma_wait3A_298] : memref<102400x256xf32, #tpu.memory_space<hbm>> -> memref<160x256xf32, #tpu.memory_space<hbm>>
    %dma_wait3A_300 = arith.constant 0 : i32
    %dma_wait3A_301 = tpu.memref_slice %arg4[%add3A_273, %dma_wait3A_300] : memref<102400x256xf32, #tpu.memory_space<hbm>> -> memref<160x256xf32, #tpu.memory_space<hbm>>
    tpu.wait_dma2 semaphore(%arg13 : memref<!tpu.dma_semaphore, #tpu.memory_space<semaphore_mem>>) src(%arg7 : memref<160x256xf32, #tpu.memory_space<vmem>>) dst(%dma_wait3A_301 : memref<160x256xf32, #tpu.memory_space<hbm>>)
    %dma_start3A_302 = arith.constant 2560 : i32
    %dma_start3A_303 = tpu.memref_slice %arg5[%dma_start3A_302] : memref<3200xi32, #tpu.memory_space<vmem>> -> memref<160xi32, #tpu.memory_space<vmem>>
    %dma_start3A_304 = arith.constant 0 : i32
    %dma_start3A_305 = arith.constant 0 : i32
    %dma_start3A_306 = tpu.memref_slice %arg3[%dma_start3A_304, %dma_start3A_305] : memref<768x256xf32, #tpu.memory_space<hbm>> -> memref<768x256xf32, #tpu.memory_space<hbm>>
    tpu.enqueue_indirect_dma source(%dma_start3A_306 : memref<768x256xf32, #tpu.memory_space<hbm>>) target(%arg7 : memref<160x256xf32, #tpu.memory_space<vmem>>) offsets(%dma_start3A_303 : memref<160xi32, #tpu.memory_space<vmem>>) semaphore(%arg10 : memref<!tpu.dma_semaphore, #tpu.memory_space<semaphore_mem>>)
    %dma_wait3A_307 = arith.constant 2400 : i32
    %dma_wait3A_308 = tpu.memref_slice %arg5[%dma_wait3A_307] : memref<3200xi32, #tpu.memory_space<vmem>> -> memref<160xi32, #tpu.memory_space<vmem>>
    %dma_wait3A_309 = arith.constant 0 : i32
    %dma_wait3A_310 = arith.constant 0 : i32
    %dma_wait3A_311 = tpu.memref_slice %arg3[%dma_wait3A_309, %dma_wait3A_310] : memref<768x256xf32, #tpu.memory_space<hbm>> -> memref<768x256xf32, #tpu.memory_space<hbm>>
    tpu.wait_indirect_dma semaphore(%arg9 : memref<!tpu.dma_semaphore, #tpu.memory_space<semaphore_mem>>) src(%dma_wait3A_311 : memref<768x256xf32, #tpu.memory_space<hbm>>) dst(%arg6 : memref<160x256xf32, #tpu.memory_space<vmem>>)
    %add3A_312 = arith.constant 2400 : i32
    %add3A_313 = arith.addi %mul3A_2, %add3A_312 : i32
    %dma_start3A_314 = arith.constant 0 : i32
    %dma_start3A_315 = tpu.memref_slice %arg4[%add3A_313, %dma_start3A_314] : memref<102400x256xf32, #tpu.memory_space<hbm>> -> memref<160x256xf32, #tpu.memory_space<hbm>>
    %dma_start3A_316 = arith.constant 0 : i32
    %dma_start3A_317 = tpu.memref_slice %arg4[%add3A_313, %dma_start3A_316] : memref<102400x256xf32, #tpu.memory_space<hbm>> -> memref<160x256xf32, #tpu.memory_space<hbm>>
    tpu.enqueue_dma source(%arg6 : memref<160x256xf32, #tpu.memory_space<vmem>>) target(%dma_start3A_317 : memref<160x256xf32, #tpu.memory_space<hbm>>) target_semaphore(%arg12 : memref<!tpu.dma_semaphore, #tpu.memory_space<semaphore_mem>>)
    %dma_wait3A_318 = arith.constant 0 : i32
    %dma_wait3A_319 = tpu.memref_slice %arg4[%add3A_293, %dma_wait3A_318] : memref<102400x256xf32, #tpu.memory_space<hbm>> -> memref<160x256xf32, #tpu.memory_space<hbm>>
    %dma_wait3A_320 = arith.constant 0 : i32
    %dma_wait3A_321 = tpu.memref_slice %arg4[%add3A_293, %dma_wait3A_320] : memref<102400x256xf32, #tpu.memory_space<hbm>> -> memref<160x256xf32, #tpu.memory_space<hbm>>
    tpu.wait_dma2 semaphore(%arg14 : memref<!tpu.dma_semaphore, #tpu.memory_space<semaphore_mem>>) src(%arg8 : memref<160x256xf32, #tpu.memory_space<vmem>>) dst(%dma_wait3A_321 : memref<160x256xf32, #tpu.memory_space<hbm>>)
    %dma_start3A_322 = arith.constant 2720 : i32
    %dma_start3A_323 = tpu.memref_slice %arg5[%dma_start3A_322] : memref<3200xi32, #tpu.memory_space<vmem>> -> memref<160xi32, #tpu.memory_space<vmem>>
    %dma_start3A_324 = arith.constant 0 : i32
    %dma_start3A_325 = arith.constant 0 : i32
    %dma_start3A_326 = tpu.memref_slice %arg3[%dma_start3A_324, %dma_start3A_325] : memref<768x256xf32, #tpu.memory_space<hbm>> -> memref<768x256xf32, #tpu.memory_space<hbm>>
    tpu.enqueue_indirect_dma source(%dma_start3A_326 : memref<768x256xf32, #tpu.memory_space<hbm>>) target(%arg8 : memref<160x256xf32, #tpu.memory_space<vmem>>) offsets(%dma_start3A_323 : memref<160xi32, #tpu.memory_space<vmem>>) semaphore(%arg11 : memref<!tpu.dma_semaphore, #tpu.memory_space<semaphore_mem>>)
    %dma_wait3A_327 = arith.constant 2560 : i32
    %dma_wait3A_328 = tpu.memref_slice %arg5[%dma_wait3A_327] : memref<3200xi32, #tpu.memory_space<vmem>> -> memref<160xi32, #tpu.memory_space<vmem>>
    %dma_wait3A_329 = arith.constant 0 : i32
    %dma_wait3A_330 = arith.constant 0 : i32
    %dma_wait3A_331 = tpu.memref_slice %arg3[%dma_wait3A_329, %dma_wait3A_330] : memref<768x256xf32, #tpu.memory_space<hbm>> -> memref<768x256xf32, #tpu.memory_space<hbm>>
    tpu.wait_indirect_dma semaphore(%arg10 : memref<!tpu.dma_semaphore, #tpu.memory_space<semaphore_mem>>) src(%dma_wait3A_331 : memref<768x256xf32, #tpu.memory_space<hbm>>) dst(%arg7 : memref<160x256xf32, #tpu.memory_space<vmem>>)
    %add3A_332 = arith.constant 2560 : i32
    %add3A_333 = arith.addi %mul3A_2, %add3A_332 : i32
    %dma_start3A_334 = arith.constant 0 : i32
    %dma_start3A_335 = tpu.memref_slice %arg4[%add3A_333, %dma_start3A_334] : memref<102400x256xf32, #tpu.memory_space<hbm>> -> memref<160x256xf32, #tpu.memory_space<hbm>>
    %dma_start3A_336 = arith.constant 0 : i32
    %dma_start3A_337 = tpu.memref_slice %arg4[%add3A_333, %dma_start3A_336] : memref<102400x256xf32, #tpu.memory_space<hbm>> -> memref<160x256xf32, #tpu.memory_space<hbm>>
    tpu.enqueue_dma source(%arg7 : memref<160x256xf32, #tpu.memory_space<vmem>>) target(%dma_start3A_337 : memref<160x256xf32, #tpu.memory_space<hbm>>) target_semaphore(%arg13 : memref<!tpu.dma_semaphore, #tpu.memory_space<semaphore_mem>>)
    %dma_wait3A_338 = arith.constant 0 : i32
    %dma_wait3A_339 = tpu.memref_slice %arg4[%add3A_313, %dma_wait3A_338] : memref<102400x256xf32, #tpu.memory_space<hbm>> -> memref<160x256xf32, #tpu.memory_space<hbm>>
    %dma_wait3A_340 = arith.constant 0 : i32
    %dma_wait3A_341 = tpu.memref_slice %arg4[%add3A_313, %dma_wait3A_340] : memref<102400x256xf32, #tpu.memory_space<hbm>> -> memref<160x256xf32, #tpu.memory_space<hbm>>
    tpu.wait_dma2 semaphore(%arg12 : memref<!tpu.dma_semaphore, #tpu.memory_space<semaphore_mem>>) src(%arg6 : memref<160x256xf32, #tpu.memory_space<vmem>>) dst(%dma_wait3A_341 : memref<160x256xf32, #tpu.memory_space<hbm>>)
    %dma_start3A_342 = arith.constant 2880 : i32
    %dma_start3A_343 = tpu.memref_slice %arg5[%dma_start3A_342] : memref<3200xi32, #tpu.memory_space<vmem>> -> memref<160xi32, #tpu.memory_space<vmem>>
    %dma_start3A_344 = arith.constant 0 : i32
    %dma_start3A_345 = arith.constant 0 : i32
    %dma_start3A_346 = tpu.memref_slice %arg3[%dma_start3A_344, %dma_start3A_345] : memref<768x256xf32, #tpu.memory_space<hbm>> -> memref<768x256xf32, #tpu.memory_space<hbm>>
    tpu.enqueue_indirect_dma source(%dma_start3A_346 : memref<768x256xf32, #tpu.memory_space<hbm>>) target(%arg6 : memref<160x256xf32, #tpu.memory_space<vmem>>) offsets(%dma_start3A_343 : memref<160xi32, #tpu.memory_space<vmem>>) semaphore(%arg9 : memref<!tpu.dma_semaphore, #tpu.memory_space<semaphore_mem>>)
    %dma_wait3A_347 = arith.constant 2720 : i32
    %dma_wait3A_348 = tpu.memref_slice %arg5[%dma_wait3A_347] : memref<3200xi32, #tpu.memory_space<vmem>> -> memref<160xi32, #tpu.memory_space<vmem>>
    %dma_wait3A_349 = arith.constant 0 : i32
    %dma_wait3A_350 = arith.constant 0 : i32
    %dma_wait3A_351 = tpu.memref_slice %arg3[%dma_wait3A_349, %dma_wait3A_350] : memref<768x256xf32, #tpu.memory_space<hbm>> -> memref<768x256xf32, #tpu.memory_space<hbm>>
    tpu.wait_indirect_dma semaphore(%arg11 : memref<!tpu.dma_semaphore, #tpu.memory_space<semaphore_mem>>) src(%dma_wait3A_351 : memref<768x256xf32, #tpu.memory_space<hbm>>) dst(%arg8 : memref<160x256xf32, #tpu.memory_space<vmem>>)
    %add3A_352 = arith.constant 2720 : i32
    %add3A_353 = arith.addi %mul3A_2, %add3A_352 : i32
    %dma_start3A_354 = arith.constant 0 : i32
    %dma_start3A_355 = tpu.memref_slice %arg4[%add3A_353, %dma_start3A_354] : memref<102400x256xf32, #tpu.memory_space<hbm>> -> memref<160x256xf32, #tpu.memory_space<hbm>>
    %dma_start3A_356 = arith.constant 0 : i32
    %dma_start3A_357 = tpu.memref_slice %arg4[%add3A_353, %dma_start3A_356] : memref<102400x256xf32, #tpu.memory_space<hbm>> -> memref<160x256xf32, #tpu.memory_space<hbm>>
    tpu.enqueue_dma source(%arg8 : memref<160x256xf32, #tpu.memory_space<vmem>>) target(%dma_start3A_357 : memref<160x256xf32, #tpu.memory_space<hbm>>) target_semaphore(%arg14 : memref<!tpu.dma_semaphore, #tpu.memory_space<semaphore_mem>>)
    %dma_wait3A_358 = arith.constant 0 : i32
    %dma_wait3A_359 = tpu.memref_slice %arg4[%add3A_333, %dma_wait3A_358] : memref<102400x256xf32, #tpu.memory_space<hbm>> -> memref<160x256xf32, #tpu.memory_space<hbm>>
    %dma_wait3A_360 = arith.constant 0 : i32
    %dma_wait3A_361 = tpu.memref_slice %arg4[%add3A_333, %dma_wait3A_360] : memref<102400x256xf32, #tpu.memory_space<hbm>> -> memref<160x256xf32, #tpu.memory_space<hbm>>
    tpu.wait_dma2 semaphore(%arg13 : memref<!tpu.dma_semaphore, #tpu.memory_space<semaphore_mem>>) src(%arg7 : memref<160x256xf32, #tpu.memory_space<vmem>>) dst(%dma_wait3A_361 : memref<160x256xf32, #tpu.memory_space<hbm>>)
    %dma_start3A_362 = arith.constant 3040 : i32
    %dma_start3A_363 = tpu.memref_slice %arg5[%dma_start3A_362] : memref<3200xi32, #tpu.memory_space<vmem>> -> memref<160xi32, #tpu.memory_space<vmem>>
    %dma_start3A_364 = arith.constant 0 : i32
    %dma_start3A_365 = arith.constant 0 : i32
    %dma_start3A_366 = tpu.memref_slice %arg3[%dma_start3A_364, %dma_start3A_365] : memref<768x256xf32, #tpu.memory_space<hbm>> -> memref<768x256xf32, #tpu.memory_space<hbm>>
    tpu.enqueue_indirect_dma source(%dma_start3A_366 : memref<768x256xf32, #tpu.memory_space<hbm>>) target(%arg7 : memref<160x256xf32, #tpu.memory_space<vmem>>) offsets(%dma_start3A_363 : memref<160xi32, #tpu.memory_space<vmem>>) semaphore(%arg10 : memref<!tpu.dma_semaphore, #tpu.memory_space<semaphore_mem>>)
    %dma_wait3A_367 = arith.constant 2880 : i32
    %dma_wait3A_368 = tpu.memref_slice %arg5[%dma_wait3A_367] : memref<3200xi32, #tpu.memory_space<vmem>> -> memref<160xi32, #tpu.memory_space<vmem>>
    %dma_wait3A_369 = arith.constant 0 : i32
    %dma_wait3A_370 = arith.constant 0 : i32
    %dma_wait3A_371 = tpu.memref_slice %arg3[%dma_wait3A_369, %dma_wait3A_370] : memref<768x256xf32, #tpu.memory_space<hbm>> -> memref<768x256xf32, #tpu.memory_space<hbm>>
    tpu.wait_indirect_dma semaphore(%arg9 : memref<!tpu.dma_semaphore, #tpu.memory_space<semaphore_mem>>) src(%dma_wait3A_371 : memref<768x256xf32, #tpu.memory_space<hbm>>) dst(%arg6 : memref<160x256xf32, #tpu.memory_space<vmem>>)
    %add3A_372 = arith.constant 2880 : i32
    %add3A_373 = arith.addi %mul3A_2, %add3A_372 : i32
    %dma_start3A_374 = arith.constant 0 : i32
    %dma_start3A_375 = tpu.memref_slice %arg4[%add3A_373, %dma_start3A_374] : memref<102400x256xf32, #tpu.memory_space<hbm>> -> memref<160x256xf32, #tpu.memory_space<hbm>>
    %dma_start3A_376 = arith.constant 0 : i32
    %dma_start3A_377 = tpu.memref_slice %arg4[%add3A_373, %dma_start3A_376] : memref<102400x256xf32, #tpu.memory_space<hbm>> -> memref<160x256xf32, #tpu.memory_space<hbm>>
    tpu.enqueue_dma source(%arg6 : memref<160x256xf32, #tpu.memory_space<vmem>>) target(%dma_start3A_377 : memref<160x256xf32, #tpu.memory_space<hbm>>) target_semaphore(%arg12 : memref<!tpu.dma_semaphore, #tpu.memory_space<semaphore_mem>>)
    %dma_wait3A_378 = arith.constant 3040 : i32
    %dma_wait3A_379 = tpu.memref_slice %arg5[%dma_wait3A_378] : memref<3200xi32, #tpu.memory_space<vmem>> -> memref<160xi32, #tpu.memory_space<vmem>>
    %dma_wait3A_380 = arith.constant 0 : i32
    %dma_wait3A_381 = arith.constant 0 : i32
    %dma_wait3A_382 = tpu.memref_slice %arg3[%dma_wait3A_380, %dma_wait3A_381] : memref<768x256xf32, #tpu.memory_space<hbm>> -> memref<768x256xf32, #tpu.memory_space<hbm>>
    tpu.wait_indirect_dma semaphore(%arg10 : memref<!tpu.dma_semaphore, #tpu.memory_space<semaphore_mem>>) src(%dma_wait3A_382 : memref<768x256xf32, #tpu.memory_space<hbm>>) dst(%arg7 : memref<160x256xf32, #tpu.memory_space<vmem>>)
    %add3A_383 = arith.constant 3040 : i32
    %add3A_384 = arith.addi %mul3A_2, %add3A_383 : i32
    %dma_start3A_385 = arith.constant 0 : i32
    %dma_start3A_386 = tpu.memref_slice %arg4[%add3A_384, %dma_start3A_385] : memref<102400x256xf32, #tpu.memory_space<hbm>> -> memref<160x256xf32, #tpu.memory_space<hbm>>
    %dma_start3A_387 = arith.constant 0 : i32
    %dma_start3A_388 = tpu.memref_slice %arg4[%add3A_384, %dma_start3A_387] : memref<102400x256xf32, #tpu.memory_space<hbm>> -> memref<160x256xf32, #tpu.memory_space<hbm>>
    tpu.enqueue_dma source(%arg7 : memref<160x256xf32, #tpu.memory_space<vmem>>) target(%dma_start3A_388 : memref<160x256xf32, #tpu.memory_space<hbm>>) target_semaphore(%arg13 : memref<!tpu.dma_semaphore, #tpu.memory_space<semaphore_mem>>)
    %dma_wait3A_389 = arith.constant 0 : i32
    %dma_wait3A_390 = tpu.memref_slice %arg4[%add3A_353, %dma_wait3A_389] : memref<102400x256xf32, #tpu.memory_space<hbm>> -> memref<160x256xf32, #tpu.memory_space<hbm>>
    %dma_wait3A_391 = arith.constant 0 : i32
    %dma_wait3A_392 = tpu.memref_slice %arg4[%add3A_353, %dma_wait3A_391] : memref<102400x256xf32, #tpu.memory_space<hbm>> -> memref<160x256xf32, #tpu.memory_space<hbm>>
    tpu.wait_dma2 semaphore(%arg14 : memref<!tpu.dma_semaphore, #tpu.memory_space<semaphore_mem>>) src(%arg8 : memref<160x256xf32, #tpu.memory_space<vmem>>) dst(%dma_wait3A_392 : memref<160x256xf32, #tpu.memory_space<hbm>>)
    %dma_wait3A_393 = arith.constant 0 : i32
    %dma_wait3A_394 = tpu.memref_slice %arg4[%add3A_373, %dma_wait3A_393] : memref<102400x256xf32, #tpu.memory_space<hbm>> -> memref<160x256xf32, #tpu.memory_space<hbm>>
    %dma_wait3A_395 = arith.constant 0 : i32
    %dma_wait3A_396 = tpu.memref_slice %arg4[%add3A_373, %dma_wait3A_395] : memref<102400x256xf32, #tpu.memory_space<hbm>> -> memref<160x256xf32, #tpu.memory_space<hbm>>
    tpu.wait_dma2 semaphore(%arg12 : memref<!tpu.dma_semaphore, #tpu.memory_space<semaphore_mem>>) src(%arg6 : memref<160x256xf32, #tpu.memory_space<vmem>>) dst(%dma_wait3A_396 : memref<160x256xf32, #tpu.memory_space<hbm>>)
    %dma_wait3A_397 = arith.constant 0 : i32
    %dma_wait3A_398 = tpu.memref_slice %arg4[%add3A_384, %dma_wait3A_397] : memref<102400x256xf32, #tpu.memory_space<hbm>> -> memref<160x256xf32, #tpu.memory_space<hbm>>
    %dma_wait3A_399 = arith.constant 0 : i32
    %dma_wait3A_400 = tpu.memref_slice %arg4[%add3A_384, %dma_wait3A_399] : memref<102400x256xf32, #tpu.memory_space<hbm>> -> memref<160x256xf32, #tpu.memory_space<hbm>>
    tpu.wait_dma2 semaphore(%arg13 : memref<!tpu.dma_semaphore, #tpu.memory_space<semaphore_mem>>) src(%arg7 : memref<160x256xf32, #tpu.memory_space<vmem>>) dst(%dma_wait3A_400 : memref<160x256xf32, #tpu.memory_space<hbm>>)
    return
  }
}

module attributes {stable_mosaic.version = 14 : i64} {
  func.func @_prep_body(%arg0: memref<8x256x50xi32, #tpu.memory_space<vmem>>, %arg1: memref<3x256xf32, #tpu.memory_space<vmem>>, %arg2: memref<256x256xf32, #tpu.memory_space<vmem>>, %arg3: memref<400x256xi32, #tpu.memory_space<vmem>>, %arg4: memref<256x3x256xf32, #tpu.memory_space<vmem>>) attributes {dimension_semantics = [], scalar_prefetch = 0 : i64, scratch_operands = 0 : i64, tpu.core_type = #tpu.core_type<tc>} {
    %get3A = arith.constant 0 : index
    %get3A_0 = arith.constant 0 : index
    %get3A_1 = vector.load %arg2[%get3A, %get3A_0] : memref<256x256xf32, #tpu.memory_space<vmem>>, vector<256x256xf32>
    %broadcast_in_dim3A = vector.shape_cast %get3A_1 : vector<256x256xf32> to vector<256x1x256xf32>
    %get3A_2 = arith.constant 0 : index
    %get3A_3 = arith.constant 0 : index
    %get3A_4 = vector.load %arg1[%get3A_2, %get3A_3] : memref<3x256xf32, #tpu.memory_space<vmem>>, vector<3x256xf32>
    %broadcast_in_dim3A_5 = vector.shape_cast %get3A_4 : vector<3x256xf32> to vector<1x3x256xf32>
    %add3A = vector.broadcast %broadcast_in_dim3A : vector<256x1x256xf32> to vector<256x3x256xf32>
    %add3A_6 = vector.broadcast %broadcast_in_dim3A_5 : vector<1x3x256xf32> to vector<256x3x256xf32>
    %add3A_7 = arith.addf %add3A, %add3A_6 : vector<256x3x256xf32>
    %swap3A = arith.constant 0 : index
    %swap3A_8 = arith.constant 0 : index
    %swap3A_9 = arith.constant 0 : index
    %swap3A_10 = vector.load %arg4[%swap3A, %swap3A_8, %swap3A_9] : memref<256x3x256xf32, #tpu.memory_space<vmem>>, vector<256x3x256xf32>
    tpu.vector_store %arg4[%swap3A, %swap3A_8, %swap3A_9], %add3A_7 {strides = array<i32>} : memref<256x3x256xf32, #tpu.memory_space<vmem>>, vector<256x3x256xf32>,
    %get3A_11 = arith.constant 0 : index
    %get3A_12 = arith.constant 0 : index
    %get3A_13 = arith.constant 0 : index
    %get3A_14 = vector.load %arg0[%get3A_11, %get3A_12, %get3A_13] : memref<8x256x50xi32, #tpu.memory_space<vmem>>, vector<8x256x50xi32>
    %transpose3A = tpu.transpose %get3A_14, [0, 2, 1] : vector<8x256x50xi32> -> vector<8x50x256xi32>
    %iota3A = tpu.iota {dimensions = array<i32: 2>} : vector<8x50x256xi32>
    %mul3A = arith.constant 3 : i32
    %mul3A_15 = vector.broadcast %mul3A : i32 to vector<8x50x256xi32>
    %mul3A_16 = arith.muli %mul3A_15, %iota3A : vector<8x50x256xi32>
    %add3A_17 = arith.addi %transpose3A, %mul3A_16 : vector<8x50x256xi32>
    %reshape3A = vector.shape_cast %add3A_17 : vector<8x50x256xi32> to vector<400x256xi32>
    %swap3A_18 = arith.constant 0 : index
    %swap3A_19 = arith.constant 0 : index
    %swap3A_20 = vector.load %arg3[%swap3A_18, %swap3A_19] : memref<400x256xi32, #tpu.memory_space<vmem>>, vector<400x256xi32>
    tpu.vector_store %arg3[%swap3A_18, %swap3A_19], %reshape3A {strides = array<i32>} : memref<400x256xi32, #tpu.memory_space<vmem>>, vector<400x256xi32>,
    return
  }
}

</mosaic_0001>

<sc_bundles>
// kernel: kernel.4.cloned.1.call-start
scs
__scs_entry_jumppad:
0x0: {  	(pc) =	sbr.rel $0x88, $3  }
0x1: {  	(tag) =	ssettag $0x0;
	lr =	simm.s32 $0x1  }
0x2: {  	[smem:$0x3F9E] =	sst lr;
	_ =	strace $0xD0000000  }
0x3: {  	_ = 	snop  }
0x4: {  	_ = 	snop  }
0x5: {  	_ = 	snop  }
0x6: {  	_ = 	snop  }
0x7: {  	_ = 	snop  }
__scs_overlays_trampoline_lowered:
0x8: {  	[smem:$0x3FAD] =	sst s0  }
0x9: {  	[smem:$0x3FAE] =	sst s1  }
0xa: {  	[smem:$0x3FAF] =	sst s2  }
0xb: {  	[smem:$0x3FB0] =	sst s3  }
0xc: {  	[smem:$0x3FB1] =	sst s4  }
0xd: {  	[smem:$0x3FB2] =	sst s5  }
0xe: {  	[smem:$0x3FB3] =	sst s6  }
0xf: {  	[smem:$0x3FB4] =	sst s7  }
0x10: {  	[smem:$0x3FB5] =	sst s8  }
0x11: {  	[smem:$0x3FB6] =	sst s9;
	s0 =	simm.s32 @!p0 $0x0  }
0x12: {  	s1 =	sld [smem:$0x3F9C];
	s0 =	simm.s32 @p0 $0x1  }
0x13: {  	[smem:$0x3FB7] =	sst s0;
	s0 =	simm.s32 @!p1 $0x0  }
0x14: {  	s2 =	sld [smem:$0x3F9B];
	s0 =	simm.s32 @p1 $0x1  }
0x15: {  	[smem:$0x3FB8] =	sst s0;
	s0 =	simm.s32 @!p2 $0x0  }
0x16: {  	s3 =	sld [smem:$0x3FDB];
	s0 =	simm.s32 @p2 $0x1  }
0x17: {  	s4 =	simm.s32 $0x1BF5;
	[smem:$0x3FBA] =	sst s0  }
0x18: {  	s0 =	sld [smem:$0x3F9D];
	_ =	swait.ge [sflag:s4], $0x0  }
0x19: {  	s7 =	sld [smem:$0x3F9E]  }
0x1a: {  	s8 =	sadd.s32 $0xFFFFE003, lr  }
0x1b: {  	s9 =	sadd.s32 $0xFFFFFEF7, lr;
	s5 =	simm.s32 $0xFFFFFFFF;
	p2 =	slt.u32 s8, $0xFFFFF086  }
0x1c: {  	p1 =	slt.u32 s9, $0xF7A;
	s5 =	simm.s32 @!p2 $0x0  }
0x1d: {  	s5 =	simm.s32 @p1 $0x1;
	p0 =	seq.s32 s7, s2  }
0x1e: {  	s7 =	smul.u32 @!p0 $0xF7A, s2;
	p2 =	seq.s32 @!p0 s5, $0x0  }
0x1f: {  	s9 =	smul.u32 $0xF7A, s1;
	s8 =	simm.s32 @!p0 $0x1BF5;
	p2 =	por !p2, p0  }
0x20: {  	[sflag:s8] =	ssyncset.s32 @!p0 $0xFFFFF086;
	s6 =	sadd.s32 @!p0 s3, s7;
	s7 =	simm.s32 @!p0 $0x108  }
0x21: {  	s3 =	sadd.s32 s3, s9;
	s6 =	sadd.s32 @!p0 $0x88, s6;
	s7 =	simm.s32 @p2 $0x1082  }
0x22: {  	[simem:s7], [sflag:s8] =	dma.local @!p0 [hbm:s6], $0xF7A  }
0x23: {  	s9 =	sor.u32 $0xD0000000, s2;
	s6 =	simm.s32 $0x108;
	_ =	swait.ge @!p0 [sflag:s8], $0x0  }
0x24: {  	s3 =	sadd.s32 $0x88, s3;
	s6 =	simm.s32 @!p1 $0x1082;
	[sflag:s4] =	ssyncset.s32 $0xFFFFF086  }
0x25: {  	[simem:s6], [sflag:s4] =	dma.local [hbm:s3], $0xF7A  }
0x26: {  	[smem:$0x3F9E] =	sst s1;
	(tag) =	ssettag s2;
	_ =	strace s9  }
0x27: {  	s1 =	sld [smem:$0x3FAE]  }
0x28: {  	s2 =	sld [smem:$0x3FAF]  }
0x29: {  	s4 =	sld [smem:$0x3FB1]  }
0x2a: {  	p0 =	seq.s32 s5, $0x0;
	s5 =	sld [smem:$0x3FB2]  }
0x2b: {  	s6 =	sld [smem:$0x3FB3]  }
0x2c: {  	s7 =	sld [smem:$0x3FB4]  }
0x2d: {  	s3 =	simm.s32 $0x108;
	s8 =	sld [smem:$0x3FB5]  }
0x2e: {  	s3 =	simm.s32 @!p0 $0x1082;
	s9 =	sld [smem:$0x3FB6]  }
0x2f: {  	lr =	sadd.s32 s0, s3;
	s0 =	sld [smem:$0x3FAD]  }
0x30: {  	s3 =	sld [smem:$0x3FB0]  }
0x31: {  	[smem:$0x3FB9] =	sst s10  }
0x32: {  	s10 =	sld [smem:$0x3FB7];
	_ =	sdelay $0x3  }
0x33: {  	p0 =	seq.s32 s10, $0x1;
	s10 =	sld [smem:$0x3FB9];
	_ =	sdelay $0x3  }
0x34: {  	[smem:$0x3FB9] =	sst s10  }
0x35: {  	s10 =	sld [smem:$0x3FB8];
	_ =	sdelay $0x3  }
0x36: {  	p1 =	seq.s32 s10, $0x1;
	s10 =	sld [smem:$0x3FB9];
	_ =	sdelay $0x3  }
0x37: {  	[smem:$0x3FB9] =	sst s10  }
0x38: {  	s10 =	sld [smem:$0x3FBA]  }
0x39: {  	_ = 	snop;
	(pc) =	sbr.ind lr, $3  }
0x3a: {  	_ = 	snop  }
0x3b: {  	_ = 	snop  }
0x3c: {  	p2 =	seq.s32 s10, $0x1;
	s10 =	sld [smem:$0x3FB9]  }
0x3d: {  	_ =	shalt  }
0x3e: {  	_ =	shalt  }
0x3f: {  	_ =	shalt  }
0x40: {  	_ =	shalt  }
0x41: {  	_ =	shalt  }
0x42: {  	_ =	shalt  }
0x43: {  	_ =	shalt  }
0x44: {  	_ =	shalt  }
0x45: {  	_ =	shalt  }
0x46: {  	_ =	shalt  }
0x47: {  	_ =	shalt  }
0x48: {  	_ =	shalt  }
0x49: {  	_ =	shalt  }
0x4a: {  	_ =	shalt  }
0x4b: {  	_ =	shalt  }
0x4c: {  	_ =	shalt  }
0x4d: {  	_ =	shalt  }
0x4e: {  	_ =	shalt  }
0x4f: {  	_ =	shalt  }
0x50: {  	_ =	shalt  }
0x51: {  	_ =	shalt  }
0x52: {  	_ =	shalt  }
0x53: {  	_ =	shalt  }
0x54: {  	_ =	shalt  }
0x55: {  	_ =	shalt  }
0x56: {  	_ =	shalt  }
0x57: {  	_ =	shalt  }
0x58: {  	_ =	shalt  }
0x59: {  	_ =	shalt  }
0x5a: {  	_ =	shalt  }
0x5b: {  	_ =	shalt  }
0x5c: {  	_ =	shalt  }
0x5d: {  	_ =	shalt  }
0x5e: {  	_ =	shalt  }
0x5f: {  	_ =	shalt  }
0x60: {  	_ =	shalt  }
0x61: {  	_ =	shalt  }
0x62: {  	_ =	shalt  }
0x63: {  	_ =	shalt  }
0x64: {  	_ =	shalt  }
0x65: {  	_ =	shalt  }
0x66: {  	_ =	shalt  }
0x67: {  	_ =	shalt  }
0x68: {  	_ =	shalt  }
0x69: {  	_ =	shalt  }
0x6a: {  	_ =	shalt  }
0x6b: {  	_ =	shalt  }
0x6c: {  	_ =	shalt  }
0x6d: {  	_ =	shalt  }
0x6e: {  	_ =	shalt  }
0x6f: {  	_ =	shalt  }
0x70: {  	_ =	shalt  }
0x71: {  	_ =	shalt  }
0x72: {  	_ =	shalt  }
0x73: {  	_ =	shalt  }
0x74: {  	_ =	shalt  }
0x75: {  	_ =	shalt  }
0x76: {  	_ =	shalt  }
0x77: {  	_ =	shalt  }
0x78: {  	_ =	shalt  }
0x79: {  	_ =	shalt  }
0x7a: {  	_ =	shalt  }
0x7b: {  	_ =	shalt  }
0x7c: {  	_ =	shalt  }
0x7d: {  	_ =	shalt  }
0x7e: {  	_ =	shalt  }
0x7f: {  	_ =	shalt  }
0x80: {  	_ =	shalt  }
0x81: {  	_ =	shalt  }
0x82: {  	_ =	shalt  }
0x83: {  	_ =	shalt  }
0x84: {  	_ =	shalt  }
0x85: {  	_ =	shalt  }
0x86: {  	_ =	shalt  }
0x87: {  	_ =	shalt  }
.Lfunc_end0:
.L_simem_size_0:
called_computation_lowered:
.L_overlay_start_0:
0x88: {  	s2 =	sld [smem:$0x3FD9]  }
0x89: {  	s3 =	sld [smem:$0x3FFE];
	_ =	sdelay $0x1  }
0x8a: {  	s1 =	srdreg.scid  }
0x8b: {  	s0 =	sand.u32 $0x1, s1  }
0x8c: {  	s17 =	sshll.u32 s0, $0xA;
	s2 =	sadd.s32 s3, s2  }
0x8d: {  	s2 =	sadd.s32 s2, s17  }
0x8e: {  	[smem:$0x3FC5] =	sst s2  }
0x8f: {  	_ = 	snop  }
0x90: {  	s2 =	sld [smem:$0x3FD0];
	(tm) =	ssettm $0x1  }
0x91: {  	s18 =	sld [smem:$0x3FFB];
	_ =	sdelay $0x3  }
0x92: {  	_ =	strace s18  }
0x93: {  	s3 =	sld [smem:$0x3FFC];
	_ =	sdelay $0x3  }
0x94: {  	_ =	strace s3  }
0x95: {  	s3 =	sld [smem:$0x3FFD];
	_ =	sdelay $0x3  }
0x96: {  	_ =	strace s3  }
0x97: {  	_ =	strace $0x8FFFFFFF  }
0x98: {  	s19 =	sld [smem:$0x3FDB];
	_ =	sdelay $0x1  }
0x99: {  	s4 =	simm.s32 $_scs_section_size  }
0x9a: {  	s5 =	simm.s32 $_size__tile_overlayer_lowered;
	s6 =	simm.s32 $_tile_overlayer_lowered  }
0x9b: {  	s22 =	simm.s32 $0x1BFF;
	s21 =	sshll.u32 s6, $0x1;
	s3 =	sadd.s32 s4, s19  }
0x9c: {  	s7 =	simm.s32 $0x0;
	s20 =	sshll.u32 s5, $0x1;
	s5 =	sadd.s32 s21, s3  }
0x9d: {  	[timem:s7], [sflag:s22] =	dma.local [hbm:s5], s20  }
0x9e: {  	_ =	swait.ge [sflag:s22], s20  }
0x9f: {  	s4 =	ssub.s32 $0x0, s20;
	[sflag:s22] =	ssyncset.done $0x0  }
0xa0: {  	[sflag:s22] =	ssyncadd.s32 s4;
	_ =	sdelay $0x1  }
0xa1: {  	s23 =	simm.s32 $0x1B8B  }
0xa2: {  	_ =	swait.ge [sflag:s23], $0x1  }
0xa3: {  	[sflag:s23] =	ssyncset.done $0x0  }
0xa4: {  	s25 =	simm.s32 $0x1B8E;
	s24 =	sld [smem:$0x3FFE];
	[sflag:s23] =	ssyncadd.s32 $0xFFFFFFFF  }
0xa5: {  	s26 =	simm.s32 $execute0_lowered;
	[smem:$0x3FD2] =	sst s25  }
0xa6: {  	s5 =	sshll.u32 s26, $0x1;
	_ =	strace $0x80000046;
	[dreg:$0x1] =	wrdreg $0xFFFFFFFF  }
0xa7: {  	s28 =	simm.s32 $_size_execute0_lowered;
	s3 =	sadd.s32 s3, s5;
	[dreg:$0x0] =	wrdreg $0x0  }
0xa8: {  	s5 =	sshll.u32 s28, $0x1;
	[dreg:$0x2] =	wrdreg s3  }
0xa9: {  	[dreg:$0x3] =	wrdreg s5  }
0xaa: {  	[dreg:$0x4] =	wrdreg $0xC0  }
0xab: {  	_ =	task [dreg:s7], $0x5FFFF  }
0xac: {  	[dreg:$0x1] =	wrdreg $0xFFFFFFFF  }
0xad: {  	[dreg:$0x0] =	wrdreg $0x60  }
0xae: {  	[dreg:$0x2] =	wrdreg s24  }
0xaf: {  	[dreg:$0x3] =	wrdreg s2  }
0xb0: {  	[dreg:$0x4] =	wrdreg $0x9  }
0xb1: {  	_ =	task.clear_ibuf [dreg:s7], $0x5FFFF;
	_ =	strace $0x90000046  }
0xb2: {  	s29 =	simm.s32 $0x9;
	_ =	strace $0x80000048  }
0xb3: {  	_ =	swait.ge [sflag:s29], $0x1  }
0xb4: {  	[sflag:s29] =	ssyncadd.s32 $0xFFFFFFFF  }
0xb5: {  	_ =	strace $0x90000048  }
0xb6: {  	_ =	sfence  }
0xb7: {  	s30 =	sld [smem:$0x0];
	_ =	sdelay $0x2  }
0xb8: {  	s31 =	sshll.u32 s1, $0xD;
	s1 =	sshrl.u32 s1, $0x2  }
0xb9: {  	s3 =	sand.u32 $0x4000, s31;
	s1 =	sadd.s32 s1, s30  }
0xba: {  	s0 =	sor.u32 s3, s0;
	s1 =	sshll.u32 s1, $0x11  }
0xbb: {  	s0 =	sor.u32 s1, s0  }
0xbc: {  	s0 =	sadd.s32 $0x8F2B, s0  }
0xbd: {  	[sflag:s0] =	ssyncadd.remote.s32 $0x1  }
0xbe: {  	_ =	sfence.sel $0xFFFF  }
0xbf: {  	[dreg:$0x0] =	wrdreg $0xFFFFFFFF;
	(pc) =	sbr.abs _section_cstart, $3  }
0xc0: {  	[dreg:$0x1] =	wrdreg $0xFFFFFFFF  }
0xc1: {  	_ =	task.clear_ibuf [dreg:s7], $0x2FFFF;
	_ =	strace $0x9FFFFFFF  }
0xc2: {  	(tm) =	ssettm $0x7FFFFFFF  }
0xc3: {  	_ =	shalt  }
tec
execute0_lowered:
.L_overlay_start_1:
0x0: {  	(tag) =	ssettag $0x1  }
0x1: {  	s0 =	srdreg.scid;
	s1 =	stileid.u32  }
0x2: {  	s0 =	sand.u32 $0x1, s0;
	s1 =	sshll.u32 s1, $0x1  }
0x3: {  	s1 =	sor.u32 s0, s1  }
0x4: {  	s5 =	smul.u32 $0x190, s1  }
0x5: {  	s3 =	rddreg [dreg:$0x0];
	s2 =	simm.s32 $0x0;
	s6 =	smul.u32 $0xC8000, s1  }
0x6: {  	[smem:$0x7FF] =	sst s2;
	s1 =	smul.u32 $0x19000, s1  }
0x7: {  	s4 =	rddreg [dreg:$0x1];
	_ =	strace $0x80000047  }
0x8: {  	s5 =	sadd.s32 s5, s3;
	s6 =	sshrl.u32 s6, $0x3;
	s1 =	sadd.s32 s4, s1  }
0x9: {  	s5 =	sadd.s32 $0xA00, s5;
	s4 =	sadd.s32 s4, s6;
	[dreg:$0x4] =	wrdreg s1  }
0xa: {  	[dreg:$0x3] =	wrdreg s5;
	s11 =	sadd.s32 $0x1400, s4  }
0xb: {  	s12 =	sadd.s32 $0x2800, s4;
	[dreg:$0x5] =	wrdreg s11  }
0xc: {  	s13 =	sadd.s32 $0x3C00, s4;
	[dreg:$0x6] =	wrdreg s12  }
0xd: {  	s14 =	sadd.s32 $0x5000, s4;
	[dreg:$0x7] =	wrdreg s13  }
0xe: {  	s15 =	sadd.s32 $0x6400, s4;
	[dreg:$0x8] =	wrdreg s14  }
0xf: {  	s16 =	sadd.s32 $0x7800, s4;
	[dreg:$0x9] =	wrdreg s15  }
0x10: {  	s17 =	sadd.s32 $0x8C00, s4;
	[dreg:$0xa] =	wrdreg s16  }
0x11: {  	s18 =	sadd.s32 $0xA000, s4;
	[dreg:$0xb] =	wrdreg s17  }
0x12: {  	s19 =	sadd.s32 $0xB400, s4;
	[dreg:$0xc] =	wrdreg s18  }
0x13: {  	s20 =	sadd.s32 $0xC800, s4;
	[dreg:$0xd] =	wrdreg s19  }
0x14: {  	s21 =	sadd.s32 $0xDC00, s4;
	[dreg:$0xe] =	wrdreg s20  }
0x15: {  	s22 =	sadd.s32 $0xF000, s4;
	[dreg:$0xf] =	wrdreg s21  }
0x16: {  	s23 =	sadd.s32 $0x10400, s4;
	[dreg:$0x10] =	wrdreg s22  }
0x17: {  	s24 =	sadd.s32 $0x11800, s4;
	[dreg:$0x11] =	wrdreg s23  }
0x18: {  	s0 =	ssub.s32 $0x2, s0;
	s25 =	sadd.s32 $0x12C00, s4;
	[dreg:$0x12] =	wrdreg s24  }
0x19: {  	s29 =	sshrl.u32 s0, $0x1;
	s26 =	sadd.s32 $0x14000, s4;
	[dreg:$0x13] =	wrdreg s25  }
0x1a: {  	s0 =	ssub.s32 s0, s29;
	s28 =	sadd.s32 $0x15400, s4;
	[dreg:$0x14] =	wrdreg s26  }
0x1b: {  	s3 =	sadd.s32 $0x3C00, s3;
	s30 =	sadd.s32 $0x16800, s4;
	[dreg:$0x15] =	wrdreg s28  }
0x1c: {  	v2 =	vlaneseq.u32;
	s0 =	smax.u32 s0, $0x1;
	s31 =	sadd.s32 $0x17C00, s4;
	[dreg:$0x16] =	wrdreg s30  }
0x1d: {  	vm0 =	vmmov $0xffff;
	v1 =	vshrl.u32 v2, $0x3;
	[dreg:$0x17] =	wrdreg s31;
	s19 =	simm.s32 $0x1;
	s21 =	simm.s32 $0x2  }
0x1e: {  	v0 =	vand.u32 $0x7, v2;
	v2 =	vor.u32 $0x8, v2;
	v1 =	vmul.u32 $0x8, v1;
	s22 =	simm.s32 $0x4;
	s24 =	simm.s32 $0x5;
	s25 =	simm.s32 $0x3  }
.LBB2_1:
0x1f: {  	[dreg:$0x18] =	wrdreg s0  }
0x20: {  	s28 =	rddreg [dreg:$0x3];
	s18 =	simm.s32 $0x7  }
0x21: {  	[tilespmem:s2], [sflag:$0x7] =	stream.linear.gather [hbm4b:s28+s2], $0xC80, $0x38;
	[tilespmem:$0x1EC80] =	vst v63  }
0x22: {  	_ =	swait.ge [sflag:s18], $0xC80  }
0x23: {  	[sflag:s18] =	ssyncset.done $0x0  }
0x24: {  	[sflag:s18] =	ssyncadd.s32 $0xFFFFF380  }
0x25: {  	v3 =	vld [tilespmem:$0x0];
	_ =	sdelay $0x4  }
0x26: {  	v4 =	vshll.u32 v3, $0x1  }
0x27: {  	v3 =	vand.u32 $0x7, v3;
	v4 =	vand.u32 $0xFFFFFFF0, v4  }
0x28: {  	v3 =	vor.u32 v3, v4  }
0x29: {  	v4 =	vperm.xlane v3, v0;
	_ =	sdelay $0x1  }
0x2a: {  	v3 =	vperm.xlane v3, v2;
	v4 =	vadd.s32 v1, v4;
	_ =	sdelay $0x1  }
0x2b: {  	v3 =	vadd.s32 v1, v3;
	_ =	sdelay $0x1  }
0x2c: {  	s20 =	simm.s32 $0xC80  }
0x2d: {  	[tilespmem:s20], [sflag:$0x1] =	stream.indirect_vreg.gather [hbm4b:s3+s2], $0x80, v4, vm0, $0xb8;
	[tilespmem:$0x1EC80] =	vst v63  }
0x2e: {  	s23 =	simm.s32 $0x1480  }
0x2f: {  	[tilespmem:s23], [sflag:$0x1] =	stream.indirect_vreg.gather [hbm4b:s3+s2], $0x80, v3, vm0, $0xb8;
	[tilespmem:$0x1EC80] =	vst v63  }
0x30: {  	v3 =	vld [tilespmem:$0x10];
	_ =	sdelay $0x4  }
0x31: {  	v33 =	vshll.u32 v3, $0x1  }
0x32: {  	v3 =	vand.u32 $0x7, v3;
	v4 =	vand.u32 $0xFFFFFFF0, v33  }
0x33: {  	v3 =	vor.u32 v3, v4  }
0x34: {  	v4 =	vperm.xlane v3, v0;
	_ =	sdelay $0x1  }
0x35: {  	v3 =	vperm.xlane v3, v2;
	v4 =	vadd.s32 v1, v4;
	_ =	sdelay $0x1  }
0x36: {  	v3 =	vadd.s32 v1, v3;
	_ =	sdelay $0x1  }
0x37: {  	s26 =	simm.s32 $0x1C80  }
0x38: {  	[tilespmem:s26], [sflag:$0x1] =	stream.indirect_vreg.gather [hbm4b:s3+s2], $0x80, v4, vm0, $0xb8;
	[tilespmem:$0x1EC80] =	vst v63  }
0x39: {  	s28 =	simm.s32 $0x2480  }
0x3a: {  	[tilespmem:s28], [sflag:$0x1] =	stream.indirect_vreg.gather [hbm4b:s3+s2], $0x80, v3, vm0, $0xb8;
	[tilespmem:$0x1EC80] =	vst v63  }
0x3b: {  	v3 =	vld [tilespmem:$0x20];
	_ =	sdelay $0x4  }
0x3c: {  	v34 =	vshll.u32 v3, $0x1  }
0x3d: {  	v3 =	vand.u32 $0x7, v3;
	v4 =	vand.u32 $0xFFFFFFF0, v34  }
0x3e: {  	v3 =	vor.u32 v3, v4  }
0x3f: {  	v4 =	vperm.xlane v3, v0;
	_ =	sdelay $0x1  }
0x40: {  	v3 =	vperm.xlane v3, v2;
	v4 =	vadd.s32 v1, v4;
	_ =	sdelay $0x1  }
0x41: {  	v3 =	vadd.s32 v1, v3;
	_ =	sdelay $0x1  }
0x42: {  	s29 =	simm.s32 $0x2C80  }
0x43: {  	[tilespmem:s29], [sflag:$0x1] =	stream.indirect_vreg.gather [hbm4b:s3+s2], $0x80, v4, vm0, $0xb8;
	[tilespmem:$0x1EC80] =	vst v63  }
0x44: {  	s30 =	simm.s32 $0x3480  }
0x45: {  	[tilespmem:s30], [sflag:$0x1] =	stream.indirect_vreg.gather [hbm4b:s3+s2], $0x80, v3, vm0, $0xb8;
	[tilespmem:$0x1EC80] =	vst v63  }
0x46: {  	v3 =	vld [tilespmem:$0x30];
	_ =	sdelay $0x4  }
0x47: {  	v35 =	vshll.u32 v3, $0x1  }
0x48: {  	v3 =	vand.u32 $0x7, v3;
	v4 =	vand.u32 $0xFFFFFFF0, v35  }
0x49: {  	v3 =	vor.u32 v3, v4  }
0x4a: {  	v4 =	vperm.xlane v3, v0;
	_ =	sdelay $0x1  }
0x4b: {  	v3 =	vperm.xlane v3, v2;
	v4 =	vadd.s32 v1, v4;
	_ =	sdelay $0x1  }
0x4c: {  	v3 =	vadd.s32 v1, v3;
	_ =	sdelay $0x1  }
0x4d: {  	s31 =	simm.s32 $0x3C80  }
0x4e: {  	[tilespmem:s31], [sflag:$0x1] =	stream.indirect_vreg.gather [hbm4b:s3+s2], $0x80, v4, vm0, $0xb8;
	[tilespmem:$0x1EC80] =	vst v63  }
0x4f: {  	s1 =	simm.s32 $0x4480  }
0x50: {  	[tilespmem:s1], [sflag:$0x1] =	stream.indirect_vreg.gather [hbm4b:s3+s2], $0x80, v3, vm0, $0xb8;
	[tilespmem:$0x1EC80] =	vst v63  }
0x51: {  	v3 =	vld [tilespmem:$0x40];
	_ =	sdelay $0x4  }
0x52: {  	v36 =	vshll.u32 v3, $0x1  }
0x53: {  	v3 =	vand.u32 $0x7, v3;
	v4 =	vand.u32 $0xFFFFFFF0, v36  }
0x54: {  	v3 =	vor.u32 v3, v4  }
0x55: {  	v4 =	vperm.xlane v3, v0;
	_ =	sdelay $0x1  }
0x56: {  	v3 =	vperm.xlane v3, v2;
	v4 =	vadd.s32 v1, v4;
	_ =	sdelay $0x1  }
0x57: {  	v3 =	vadd.s32 v1, v3;
	_ =	sdelay $0x1  }
0x58: {  	s4 =	simm.s32 $0x4C80  }
0x59: {  	[tilespmem:s4], [sflag:$0x1] =	stream.indirect_vreg.gather [hbm4b:s3+s2], $0x80, v4, vm0, $0xb8;
	[tilespmem:$0x1EC80] =	vst v63  }
0x5a: {  	s5 =	simm.s32 $0x5480  }
0x5b: {  	[tilespmem:s5], [sflag:$0x1] =	stream.indirect_vreg.gather [hbm4b:s3+s2], $0x80, v3, vm0, $0xb8;
	[tilespmem:$0x1EC80] =	vst v63  }
0x5c: {  	v3 =	vld [tilespmem:$0x50];
	_ =	sdelay $0x4  }
0x5d: {  	v37 =	vshll.u32 v3, $0x1  }
0x5e: {  	v3 =	vand.u32 $0x7, v3;
	v4 =	vand.u32 $0xFFFFFFF0, v37  }
0x5f: {  	v3 =	vor.u32 v3, v4  }
0x60: {  	v4 =	vperm.xlane v3, v0;
	_ =	sdelay $0x1  }
0x61: {  	v3 =	vperm.xlane v3, v2;
	v4 =	vadd.s32 v1, v4;
	_ =	sdelay $0x1  }
0x62: {  	v3 =	vadd.s32 v1, v3;
	_ =	sdelay $0x1  }
0x63: {  	s6 =	simm.s32 $0x5C80  }
0x64: {  	[tilespmem:s6], [sflag:$0x1] =	stream.indirect_vreg.gather [hbm4b:s3+s2], $0x80, v4, vm0, $0xb8;
	[tilespmem:$0x1EC80] =	vst v63  }
0x65: {  	s7 =	simm.s32 $0x6480  }
0x66: {  	[tilespmem:s7], [sflag:$0x1] =	stream.indirect_vreg.gather [hbm4b:s3+s2], $0x80, v3, vm0, $0xb8;
	[tilespmem:$0x1EC80] =	vst v63  }
0x67: {  	v3 =	vld [tilespmem:$0x60];
	_ =	sdelay $0x4  }
0x68: {  	v38 =	vshll.u32 v3, $0x1  }
0x69: {  	v3 =	vand.u32 $0x7, v3;
	v4 =	vand.u32 $0xFFFFFFF0, v38  }
0x6a: {  	v3 =	vor.u32 v3, v4  }
0x6b: {  	v4 =	vperm.xlane v3, v0;
	_ =	sdelay $0x1  }
0x6c: {  	v3 =	vperm.xlane v3, v2;
	v4 =	vadd.s32 v1, v4;
	_ =	sdelay $0x1  }
0x6d: {  	v3 =	vadd.s32 v1, v3;
	_ =	sdelay $0x1  }
0x6e: {  	s8 =	simm.s32 $0x6C80  }
0x6f: {  	[tilespmem:s8], [sflag:$0x1] =	stream.indirect_vreg.gather [hbm4b:s3+s2], $0x80, v4, vm0, $0xb8;
	[tilespmem:$0x1EC80] =	vst v63  }
0x70: {  	s9 =	simm.s32 $0x7480  }
0x71: {  	[tilespmem:s9], [sflag:$0x1] =	stream.indirect_vreg.gather [hbm4b:s3+s2], $0x80, v3, vm0, $0xb8;
	[tilespmem:$0x1EC80] =	vst v63  }
0x72: {  	v3 =	vld [tilespmem:$0x70];
	_ =	sdelay $0x4  }
0x73: {  	v39 =	vshll.u32 v3, $0x1  }
0x74: {  	v3 =	vand.u32 $0x7, v3;
	v4 =	vand.u32 $0xFFFFFFF0, v39  }
0x75: {  	v3 =	vor.u32 v3, v4  }
0x76: {  	v4 =	vperm.xlane v3, v0;
	_ =	sdelay $0x1  }
0x77: {  	v3 =	vperm.xlane v3, v2;
	v4 =	vadd.s32 v1, v4;
	_ =	sdelay $0x1  }
0x78: {  	v3 =	vadd.s32 v1, v3;
	_ =	sdelay $0x1  }
0x79: {  	s10 =	simm.s32 $0x7C80  }
0x7a: {  	[tilespmem:s10], [sflag:$0x1] =	stream.indirect_vreg.gather [hbm4b:s3+s2], $0x80, v4, vm0, $0xb8;
	[tilespmem:$0x1EC80] =	vst v63  }
0x7b: {  	s11 =	simm.s32 $0x8480  }
0x7c: {  	[tilespmem:s11], [sflag:$0x1] =	stream.indirect_vreg.gather [hbm4b:s3+s2], $0x80, v3, vm0, $0xb8;
	[tilespmem:$0x1EC80] =	vst v63  }
0x7d: {  	v3 =	vld [tilespmem:$0x80];
	_ =	sdelay $0x4  }
0x7e: {  	v40 =	vshll.u32 v3, $0x1  }
0x7f: {  	v3 =	vand.u32 $0x7, v3;
	v4 =	vand.u32 $0xFFFFFFF0, v40  }
0x80: {  	v3 =	vor.u32 v3, v4  }
0x81: {  	v4 =	vperm.xlane v3, v0;
	_ =	sdelay $0x1  }
0x82: {  	v3 =	vperm.xlane v3, v2;
	v4 =	vadd.s32 v1, v4;
	_ =	sdelay $0x1  }
0x83: {  	v3 =	vadd.s32 v1, v3;
	_ =	sdelay $0x1  }
0x84: {  	s12 =	simm.s32 $0x8C80  }
0x85: {  	[tilespmem:s12], [sflag:$0x1] =	stream.indirect_vreg.gather [hbm4b:s3+s2], $0x80, v4, vm0, $0xb8;
	[tilespmem:$0x1EC80] =	vst v63  }
0x86: {  	s23 =	simm.s32 $0x9480  }
0x87: {  	[tilespmem:s23], [sflag:$0x1] =	stream.indirect_vreg.gather [hbm4b:s3+s2], $0x80, v3, vm0, $0xb8;
	[tilespmem:$0x1EC80] =	vst v63  }
0x88: {  	v3 =	vld [tilespmem:$0x90];
	_ =	sdelay $0x4  }
0x89: {  	v41 =	vshll.u32 v3, $0x1  }
0x8a: {  	v3 =	vand.u32 $0x7, v3;
	v4 =	vand.u32 $0xFFFFFFF0, v41  }
0x8b: {  	v3 =	vor.u32 v3, v4  }
0x8c: {  	v4 =	vperm.xlane v3, v0;
	_ =	sdelay $0x1  }
0x8d: {  	v3 =	vperm.xlane v3, v2;
	v4 =	vadd.s32 v1, v4;
	_ =	sdelay $0x1  }
0x8e: {  	v3 =	vadd.s32 v1, v3;
	_ =	sdelay $0x1  }
0x8f: {  	s26 =	simm.s32 $0x9C80  }
0x90: {  	[tilespmem:s26], [sflag:$0x1] =	stream.indirect_vreg.gather [hbm4b:s3+s2], $0x80, v4, vm0, $0xb8;
	[tilespmem:$0x1EC80] =	vst v63  }
0x91: {  	s28 =	simm.s32 $0xA480  }
0x92: {  	[tilespmem:s28], [sflag:$0x1] =	stream.indirect_vreg.gather [hbm4b:s3+s2], $0x80, v3, vm0, $0xb8;
	[tilespmem:$0x1EC80] =	vst v63  }
0x93: {  	v3 =	vld [tilespmem:$0xA0];
	_ =	sdelay $0x4  }
0x94: {  	v42 =	vshll.u32 v3, $0x1  }
0x95: {  	v3 =	vand.u32 $0x7, v3;
	v4 =	vand.u32 $0xFFFFFFF0, v42  }
0x96: {  	v3 =	vor.u32 v3, v4  }
0x97: {  	v4 =	vperm.xlane v3, v0;
	_ =	sdelay $0x1  }
0x98: {  	v3 =	vperm.xlane v3, v2;
	v4 =	vadd.s32 v1, v4;
	_ =	sdelay $0x1  }
0x99: {  	v3 =	vadd.s32 v1, v3;
	_ =	sdelay $0x1  }
0x9a: {  	s31 =	simm.s32 $0xAC80  }
0x9b: {  	[tilespmem:s31], [sflag:$0x2] =	stream.indirect_vreg.gather [hbm4b:s3+s2], $0x80, v4, vm0, $0xb8;
	[tilespmem:$0x1EC80] =	vst v63  }
0x9c: {  	s1 =	simm.s32 $0xB480  }
0x9d: {  	[tilespmem:s1], [sflag:$0x2] =	stream.indirect_vreg.gather [hbm4b:s3+s2], $0x80, v3, vm0, $0xb8;
	[tilespmem:$0x1EC80] =	vst v63  }
0x9e: {  	v3 =	vld [tilespmem:$0xB0];
	_ =	sdelay $0x4  }
0x9f: {  	v43 =	vshll.u32 v3, $0x1  }
0xa0: {  	v3 =	vand.u32 $0x7, v3;
	v4 =	vand.u32 $0xFFFFFFF0, v43  }
0xa1: {  	v3 =	vor.u32 v3, v4  }
0xa2: {  	v4 =	vperm.xlane v3, v0;
	_ =	sdelay $0x1  }
0xa3: {  	v3 =	vperm.xlane v3, v2;
	v4 =	vadd.s32 v1, v4;
	_ =	sdelay $0x1  }
0xa4: {  	v3 =	vadd.s32 v1, v3;
	_ =	sdelay $0x1  }
0xa5: {  	s4 =	simm.s32 $0xBC80  }
0xa6: {  	[tilespmem:s4], [sflag:$0x2] =	stream.indirect_vreg.gather [hbm4b:s3+s2], $0x80, v4, vm0, $0xb8;
	[tilespmem:$0x1EC80] =	vst v63  }
0xa7: {  	s5 =	simm.s32 $0xC480  }
0xa8: {  	[tilespmem:s5], [sflag:$0x2] =	stream.indirect_vreg.gather [hbm4b:s3+s2], $0x80, v3, vm0, $0xb8;
	[tilespmem:$0x1EC80] =	vst v63  }
0xa9: {  	v3 =	vld [tilespmem:$0xC0];
	_ =	sdelay $0x4  }
0xaa: {  	v44 =	vshll.u32 v3, $0x1  }
0xab: {  	v3 =	vand.u32 $0x7, v3;
	v4 =	vand.u32 $0xFFFFFFF0, v44  }
0xac: {  	v3 =	vor.u32 v3, v4  }
0xad: {  	v4 =	vperm.xlane v3, v0;
	_ =	sdelay $0x1  }
0xae: {  	v3 =	vperm.xlane v3, v2;
	v4 =	vadd.s32 v1, v4;
	_ =	sdelay $0x1  }
0xaf: {  	v3 =	vadd.s32 v1, v3;
	_ =	sdelay $0x1  }
0xb0: {  	s6 =	simm.s32 $0xCC80  }
0xb1: {  	[tilespmem:s6], [sflag:$0x2] =	stream.indirect_vreg.gather [hbm4b:s3+s2], $0x80, v4, vm0, $0xb8;
	[tilespmem:$0x1EC80] =	vst v63  }
0xb2: {  	s7 =	simm.s32 $0xD480  }
0xb3: {  	[tilespmem:s7], [sflag:$0x2] =	stream.indirect_vreg.gather [hbm4b:s3+s2], $0x80, v3, vm0, $0xb8;
	[tilespmem:$0x1EC80] =	vst v63  }
0xb4: {  	v3 =	vld [tilespmem:$0xD0];
	_ =	sdelay $0x4  }
0xb5: {  	v45 =	vshll.u32 v3, $0x1  }
0xb6: {  	v3 =	vand.u32 $0x7, v3;
	v4 =	vand.u32 $0xFFFFFFF0, v45  }
0xb7: {  	v3 =	vor.u32 v3, v4  }
0xb8: {  	v4 =	vperm.xlane v3, v0;
	_ =	sdelay $0x1  }
0xb9: {  	v3 =	vperm.xlane v3, v2;
	v4 =	vadd.s32 v1, v4;
	_ =	sdelay $0x1  }
0xba: {  	v3 =	vadd.s32 v1, v3;
	_ =	sdelay $0x1  }
0xbb: {  	s8 =	simm.s32 $0xDC80  }
0xbc: {  	[tilespmem:s8], [sflag:$0x2] =	stream.indirect_vreg.gather [hbm4b:s3+s2], $0x80, v4, vm0, $0xb8;
	[tilespmem:$0x1EC80] =	vst v63  }
0xbd: {  	s9 =	simm.s32 $0xE480  }
0xbe: {  	[tilespmem:s9], [sflag:$0x2] =	stream.indirect_vreg.gather [hbm4b:s3+s2], $0x80, v3, vm0, $0xb8;
	[tilespmem:$0x1EC80] =	vst v63  }
0xbf: {  	v3 =	vld [tilespmem:$0xE0];
	_ =	sdelay $0x4  }
0xc0: {  	v46 =	vshll.u32 v3, $0x1  }
0xc1: {  	v3 =	vand.u32 $0x7, v3;
	v4 =	vand.u32 $0xFFFFFFF0, v46  }
0xc2: {  	v3 =	vor.u32 v3, v4  }
0xc3: {  	v4 =	vperm.xlane v3, v0;
	_ =	sdelay $0x1  }
0xc4: {  	v3 =	vperm.xlane v3, v2;
	v4 =	vadd.s32 v1, v4;
	_ =	sdelay $0x1  }
0xc5: {  	v3 =	vadd.s32 v1, v3;
	_ =	sdelay $0x1  }
0xc6: {  	s10 =	simm.s32 $0xEC80  }
0xc7: {  	[tilespmem:s10], [sflag:$0x2] =	stream.indirect_vreg.gather [hbm4b:s3+s2], $0x80, v4, vm0, $0xb8;
	[tilespmem:$0x1EC80] =	vst v63  }
0xc8: {  	s11 =	simm.s32 $0xF480  }
0xc9: {  	[tilespmem:s11], [sflag:$0x2] =	stream.indirect_vreg.gather [hbm4b:s3+s2], $0x80, v3, vm0, $0xb8;
	[tilespmem:$0x1EC80] =	vst v63  }
0xca: {  	v3 =	vld [tilespmem:$0xF0];
	_ =	sdelay $0x4  }
0xcb: {  	v47 =	vshll.u32 v3, $0x1  }
0xcc: {  	v3 =	vand.u32 $0x7, v3;
	v4 =	vand.u32 $0xFFFFFFF0, v47  }
0xcd: {  	v3 =	vor.u32 v3, v4  }
0xce: {  	v4 =	vperm.xlane v3, v0;
	_ =	sdelay $0x1  }
0xcf: {  	v3 =	vperm.xlane v3, v2;
	v4 =	vadd.s32 v1, v4;
	_ =	sdelay $0x1  }
0xd0: {  	v3 =	vadd.s32 v1, v3;
	_ =	sdelay $0x1  }
0xd1: {  	s12 =	simm.s32 $0xFC80  }
0xd2: {  	[tilespmem:s12], [sflag:$0x2] =	stream.indirect_vreg.gather [hbm4b:s3+s2], $0x80, v4, vm0, $0xb8;
	[tilespmem:$0x1EC80] =	vst v63  }
0xd3: {  	s23 =	simm.s32 $0x10480  }
0xd4: {  	[tilespmem:s23], [sflag:$0x2] =	stream.indirect_vreg.gather [hbm4b:s3+s2], $0x80, v3, vm0, $0xb8;
	[tilespmem:$0x1EC80] =	vst v63  }
0xd5: {  	v3 =	vld [tilespmem:$0x100];
	_ =	sdelay $0x4  }
0xd6: {  	v48 =	vshll.u32 v3, $0x1  }
0xd7: {  	v3 =	vand.u32 $0x7, v3;
	v4 =	vand.u32 $0xFFFFFFF0, v48  }
0xd8: {  	v3 =	vor.u32 v3, v4  }
0xd9: {  	v4 =	vperm.xlane v3, v0;
	_ =	sdelay $0x1  }
0xda: {  	v3 =	vperm.xlane v3, v2;
	v4 =	vadd.s32 v1, v4;
	_ =	sdelay $0x1  }
0xdb: {  	v3 =	vadd.s32 v1, v3;
	_ =	sdelay $0x1  }
0xdc: {  	s26 =	simm.s32 $0x10C80  }
0xdd: {  	[tilespmem:s26], [sflag:$0x2] =	stream.indirect_vreg.gather [hbm4b:s3+s2], $0x80, v4, vm0, $0xb8;
	[tilespmem:$0x1EC80] =	vst v63  }
0xde: {  	s28 =	simm.s32 $0x11480  }
0xdf: {  	[tilespmem:s28], [sflag:$0x2] =	stream.indirect_vreg.gather [hbm4b:s3+s2], $0x80, v3, vm0, $0xb8;
	[tilespmem:$0x1EC80] =	vst v63  }
0xe0: {  	v3 =	vld [tilespmem:$0x110];
	_ =	sdelay $0x4  }
0xe1: {  	v49 =	vshll.u32 v3, $0x1  }
0xe2: {  	v3 =	vand.u32 $0x7, v3;
	v4 =	vand.u32 $0xFFFFFFF0, v49  }
0xe3: {  	v3 =	vor.u32 v3, v4  }
0xe4: {  	v4 =	vperm.xlane v3, v0;
	_ =	sdelay $0x1  }
0xe5: {  	v3 =	vperm.xlane v3, v2;
	v4 =	vadd.s32 v1, v4;
	_ =	sdelay $0x1  }
0xe6: {  	v3 =	vadd.s32 v1, v3;
	_ =	sdelay $0x1  }
0xe7: {  	s31 =	simm.s32 $0x11C80  }
0xe8: {  	[tilespmem:s31], [sflag:$0x2] =	stream.indirect_vreg.gather [hbm4b:s3+s2], $0x80, v4, vm0, $0xb8;
	[tilespmem:$0x1EC80] =	vst v63  }
0xe9: {  	s1 =	simm.s32 $0x12480  }
0xea: {  	[tilespmem:s1], [sflag:$0x2] =	stream.indirect_vreg.gather [hbm4b:s3+s2], $0x80, v3, vm0, $0xb8;
	[tilespmem:$0x1EC80] =	vst v63  }
0xeb: {  	v3 =	vld [tilespmem:$0x120];
	_ =	sdelay $0x4  }
0xec: {  	v50 =	vshll.u32 v3, $0x1  }
0xed: {  	v3 =	vand.u32 $0x7, v3;
	v4 =	vand.u32 $0xFFFFFFF0, v50  }
0xee: {  	v3 =	vor.u32 v3, v4  }
0xef: {  	v4 =	vperm.xlane v3, v0;
	_ =	sdelay $0x1  }
0xf0: {  	v3 =	vperm.xlane v3, v2;
	v4 =	vadd.s32 v1, v4;
	_ =	sdelay $0x1  }
0xf1: {  	v3 =	vadd.s32 v1, v3;
	_ =	sdelay $0x1  }
0xf2: {  	s4 =	simm.s32 $0x12C80  }
0xf3: {  	[tilespmem:s4], [sflag:$0x2] =	stream.indirect_vreg.gather [hbm4b:s3+s2], $0x80, v4, vm0, $0xb8;
	[tilespmem:$0x1EC80] =	vst v63  }
0xf4: {  	s6 =	simm.s32 $0x13480  }
0xf5: {  	[tilespmem:s6], [sflag:$0x2] =	stream.indirect_vreg.gather [hbm4b:s3+s2], $0x80, v3, vm0, $0xb8;
	[tilespmem:$0x1EC80] =	vst v63  }
0xf6: {  	v3 =	vld [tilespmem:$0x130];
	_ =	sdelay $0x4  }
0xf7: {  	v51 =	vshll.u32 v3, $0x1  }
0xf8: {  	v3 =	vand.u32 $0x7, v3;
	v4 =	vand.u32 $0xFFFFFFF0, v51  }
0xf9: {  	v3 =	vor.u32 v3, v4  }
0xfa: {  	v4 =	vperm.xlane v3, v0;
	_ =	sdelay $0x1  }
0xfb: {  	v3 =	vperm.xlane v3, v2;
	v4 =	vadd.s32 v1, v4;
	_ =	sdelay $0x1  }
0xfc: {  	v3 =	vadd.s32 v1, v3;
	_ =	sdelay $0x1  }
0xfd: {  	s12 =	simm.s32 $0x13C80  }
0xfe: {  	[tilespmem:s12], [sflag:$0x2] =	stream.indirect_vreg.gather [hbm4b:s3+s2], $0x80, v4, vm0, $0xb8;
	[tilespmem:$0x1EC80] =	vst v63  }
0xff: {  	s23 =	simm.s32 $0x14480  }
0x100: {  	[tilespmem:s23], [sflag:$0x2] =	stream.indirect_vreg.gather [hbm4b:s3+s2], $0x80, v3, vm0, $0xb8;
	[tilespmem:$0x1EC80] =	vst v63  }
0x101: {  	_ =	swait.ge [sflag:s19], $0xA000  }
0x102: {  	[sflag:s19] =	ssyncset.done $0x0  }
0x103: {  	s0 =	simm.s32 $0xC80;
	s26 =	rddreg [dreg:$0x4];
	[sflag:s19] =	ssyncadd.s32 $0xFFFF6000  }
0x104: {  	[hbm4b:s26+s2] =	stream.linear.scatter [tilespmem:s0], [sflag:$0x4], $0xA000, $0x38;
	[tilespmem:$0x1EC80] =	vst v63  }
0x105: {  	v3 =	vld [tilespmem:$0x140];
	_ =	sdelay $0x4  }
0x106: {  	v52 =	vshll.u32 v3, $0x1  }
0x107: {  	v3 =	vand.u32 $0x7, v3;
	v4 =	vand.u32 $0xFFFFFFF0, v52  }
0x108: {  	v3 =	vor.u32 v3, v4  }
0x109: {  	v4 =	vperm.xlane v3, v0;
	_ =	sdelay $0x1  }
0x10a: {  	v3 =	vperm.xlane v3, v2;
	v4 =	vadd.s32 v1, v4;
	_ =	sdelay $0x1  }
0x10b: {  	v3 =	vadd.s32 v1, v3;
	_ =	sdelay $0x1  }
0x10c: {  	s4 =	simm.s32 $0x14C80  }
0x10d: {  	[tilespmem:s4], [sflag:$0x3] =	stream.indirect_vreg.gather [hbm4b:s3+s2], $0x80, v4, vm0, $0xb8;
	[tilespmem:$0x1EC80] =	vst v63  }
0x10e: {  	s31 =	simm.s32 $0x15480  }
0x10f: {  	[tilespmem:s31], [sflag:$0x3] =	stream.indirect_vreg.gather [hbm4b:s3+s2], $0x80, v3, vm0, $0xb8;
	[tilespmem:$0x1EC80] =	vst v63  }
0x110: {  	v3 =	vld [tilespmem:$0x150];
	_ =	sdelay $0x4  }
0x111: {  	v53 =	vshll.u32 v3, $0x1  }
0x112: {  	v3 =	vand.u32 $0x7, v3;
	v4 =	vand.u32 $0xFFFFFFF0, v53  }
0x113: {  	v3 =	vor.u32 v3, v4  }
0x114: {  	v4 =	vperm.xlane v3, v0;
	_ =	sdelay $0x1  }
0x115: {  	v3 =	vperm.xlane v3, v2;
	v4 =	vadd.s32 v1, v4;
	_ =	sdelay $0x1  }
0x116: {  	v3 =	vadd.s32 v1, v3;
	_ =	sdelay $0x1  }
0x117: {  	s6 =	simm.s32 $0x15C80  }
0x118: {  	[tilespmem:s6], [sflag:$0x3] =	stream.indirect_vreg.gather [hbm4b:s3+s2], $0x80, v4, vm0, $0xb8;
	[tilespmem:$0x1EC80] =	vst v63  }
0x119: {  	s12 =	simm.s32 $0x16480  }
0x11a: {  	[tilespmem:s12], [sflag:$0x3] =	stream.indirect_vreg.gather [hbm4b:s3+s2], $0x80, v3, vm0, $0xb8;
	[tilespmem:$0x1EC80] =	vst v63  }
0x11b: {  	v3 =	vld [tilespmem:$0x160];
	_ =	sdelay $0x4  }
0x11c: {  	v54 =	vshll.u32 v3, $0x1  }
0x11d: {  	v3 =	vand.u32 $0x7, v3;
	v4 =	vand.u32 $0xFFFFFFF0, v54  }
0x11e: {  	v3 =	vor.u32 v3, v4  }
0x11f: {  	v4 =	vperm.xlane v3, v0;
	_ =	sdelay $0x1  }
0x120: {  	v3 =	vperm.xlane v3, v2;
	v4 =	vadd.s32 v1, v4;
	_ =	sdelay $0x1  }
0x121: {  	v3 =	vadd.s32 v1, v3;
	_ =	sdelay $0x1  }
0x122: {  	s23 =	simm.s32 $0x16C80  }
0x123: {  	[tilespmem:s23], [sflag:$0x3] =	stream.indirect_vreg.gather [hbm4b:s3+s2], $0x80, v4, vm0, $0xb8;
	[tilespmem:$0x1EC80] =	vst v63  }
0x124: {  	s26 =	simm.s32 $0x17480  }
0x125: {  	[tilespmem:s26], [sflag:$0x3] =	stream.indirect_vreg.gather [hbm4b:s3+s2], $0x80, v3, vm0, $0xb8;
	[tilespmem:$0x1EC80] =	vst v63  }
0x126: {  	v3 =	vld [tilespmem:$0x170];
	_ =	sdelay $0x4  }
0x127: {  	v55 =	vshll.u32 v3, $0x1  }
0x128: {  	v3 =	vand.u32 $0x7, v3;
	v4 =	vand.u32 $0xFFFFFFF0, v55  }
0x129: {  	v3 =	vor.u32 v3, v4  }
0x12a: {  	v4 =	vperm.xlane v3, v0;
	_ =	sdelay $0x1  }
0x12b: {  	v3 =	vperm.xlane v3, v2;
	v4 =	vadd.s32 v1, v4;
	_ =	sdelay $0x1  }
0x12c: {  	v3 =	vadd.s32 v1, v3;
	_ =	sdelay $0x1  }
0x12d: {  	s28 =	simm.s32 $0x17C80  }
0x12e: {  	[tilespmem:s28], [sflag:$0x3] =	stream.indirect_vreg.gather [hbm4b:s3+s2], $0x80, v4, vm0, $0xb8;
	[tilespmem:$0x1EC80] =	vst v63  }
0x12f: {  	s31 =	simm.s32 $0x18480  }
0x130: {  	[tilespmem:s31], [sflag:$0x3] =	stream.indirect_vreg.gather [hbm4b:s3+s2], $0x80, v3, vm0, $0xb8;
	[tilespmem:$0x1EC80] =	vst v63  }
0x131: {  	v3 =	vld [tilespmem:$0x180];
	_ =	sdelay $0x4  }
0x132: {  	v56 =	vshll.u32 v3, $0x1  }
0x133: {  	v3 =	vand.u32 $0x7, v3;
	v4 =	vand.u32 $0xFFFFFFF0, v56  }
0x134: {  	v3 =	vor.u32 v3, v4  }
0x135: {  	v4 =	vperm.xlane v3, v0;
	_ =	sdelay $0x1  }
0x136: {  	v3 =	vperm.xlane v3, v2;
	v4 =	vadd.s32 v1, v4;
	_ =	sdelay $0x1  }
0x137: {  	v3 =	vadd.s32 v1, v3;
	_ =	sdelay $0x1  }
0x138: {  	s6 =	simm.s32 $0x18C80  }
0x139: {  	[tilespmem:s6], [sflag:$0x3] =	stream.indirect_vreg.gather [hbm4b:s3+s2], $0x80, v4, vm0, $0xb8;
	[tilespmem:$0x1EC80] =	vst v63  }
0x13a: {  	s12 =	simm.s32 $0x19480  }
0x13b: {  	[tilespmem:s12], [sflag:$0x3] =	stream.indirect_vreg.gather [hbm4b:s3+s2], $0x80, v3, vm0, $0xb8;
	[tilespmem:$0x1EC80] =	vst v63  }
0x13c: {  	v3 =	vld [tilespmem:$0x190];
	_ =	sdelay $0x4  }
0x13d: {  	v57 =	vshll.u32 v3, $0x1  }
0x13e: {  	v3 =	vand.u32 $0x7, v3;
	v4 =	vand.u32 $0xFFFFFFF0, v57  }
0x13f: {  	v3 =	vor.u32 v3, v4  }
0x140: {  	v4 =	vperm.xlane v3, v0;
	_ =	sdelay $0x1  }
0x141: {  	v3 =	vperm.xlane v3, v2;
	v4 =	vadd.s32 v1, v4;
	_ =	sdelay $0x1  }
0x142: {  	v3 =	vadd.s32 v1, v3;
	_ =	sdelay $0x1  }
0x143: {  	s23 =	simm.s32 $0x19C80  }
0x144: {  	[tilespmem:s23], [sflag:$0x3] =	stream.indirect_vreg.gather [hbm4b:s3+s2], $0x80, v4, vm0, $0xb8;
	[tilespmem:$0x1EC80] =	vst v63  }
0x145: {  	s26 =	simm.s32 $0x1A480  }
0x146: {  	[tilespmem:s26], [sflag:$0x3] =	stream.indirect_vreg.gather [hbm4b:s3+s2], $0x80, v3, vm0, $0xb8;
	[tilespmem:$0x1EC80] =	vst v63  }
0x147: {  	v3 =	vld [tilespmem:$0x1A0];
	_ =	sdelay $0x4  }
0x148: {  	v58 =	vshll.u32 v3, $0x1  }
0x149: {  	v3 =	vand.u32 $0x7, v3;
	v4 =	vand.u32 $0xFFFFFFF0, v58  }
0x14a: {  	v3 =	vor.u32 v3, v4  }
0x14b: {  	v4 =	vperm.xlane v3, v0;
	_ =	sdelay $0x1  }
0x14c: {  	v3 =	vperm.xlane v3, v2;
	v4 =	vadd.s32 v1, v4;
	_ =	sdelay $0x1  }
0x14d: {  	v3 =	vadd.s32 v1, v3;
	_ =	sdelay $0x1  }
0x14e: {  	s28 =	simm.s32 $0x1AC80  }
0x14f: {  	[tilespmem:s28], [sflag:$0x3] =	stream.indirect_vreg.gather [hbm4b:s3+s2], $0x80, v4, vm0, $0xb8;
	[tilespmem:$0x1EC80] =	vst v63  }
0x150: {  	s31 =	simm.s32 $0x1B480  }
0x151: {  	[tilespmem:s31], [sflag:$0x3] =	stream.indirect_vreg.gather [hbm4b:s3+s2], $0x80, v3, vm0, $0xb8;
	[tilespmem:$0x1EC80] =	vst v63  }
0x152: {  	v3 =	vld [tilespmem:$0x1B0];
	_ =	sdelay $0x4  }
0x153: {  	v59 =	vshll.u32 v3, $0x1  }
0x154: {  	v3 =	vand.u32 $0x7, v3;
	v4 =	vand.u32 $0xFFFFFFF0, v59  }
0x155: {  	v3 =	vor.u32 v3, v4  }
0x156: {  	v4 =	vperm.xlane v3, v0;
	_ =	sdelay $0x1  }
0x157: {  	v3 =	vperm.xlane v3, v2;
	v4 =	vadd.s32 v1, v4;
	_ =	sdelay $0x1  }
0x158: {  	v3 =	vadd.s32 v1, v3;
	_ =	sdelay $0x1  }
0x159: {  	s6 =	simm.s32 $0x1BC80  }
0x15a: {  	[tilespmem:s6], [sflag:$0x3] =	stream.indirect_vreg.gather [hbm4b:s3+s2], $0x80, v4, vm0, $0xb8;
	[tilespmem:$0x1EC80] =	vst v63  }
0x15b: {  	s12 =	simm.s32 $0x1C480  }
0x15c: {  	[tilespmem:s12], [sflag:$0x3] =	stream.indirect_vreg.gather [hbm4b:s3+s2], $0x80, v3, vm0, $0xb8;
	[tilespmem:$0x1EC80] =	vst v63  }
0x15d: {  	v3 =	vld [tilespmem:$0x1C0];
	_ =	sdelay $0x4  }
0x15e: {  	v60 =	vshll.u32 v3, $0x1  }
0x15f: {  	v3 =	vand.u32 $0x7, v3;
	v4 =	vand.u32 $0xFFFFFFF0, v60  }
0x160: {  	v3 =	vor.u32 v3, v4  }
0x161: {  	v4 =	vperm.xlane v3, v0;
	_ =	sdelay $0x1  }
0x162: {  	v3 =	vperm.xlane v3, v2;
	v4 =	vadd.s32 v1, v4;
	_ =	sdelay $0x1  }
0x163: {  	v3 =	vadd.s32 v1, v3;
	_ =	sdelay $0x1  }
0x164: {  	s23 =	simm.s32 $0x1CC80  }
0x165: {  	[tilespmem:s23], [sflag:$0x3] =	stream.indirect_vreg.gather [hbm4b:s3+s2], $0x80, v4, vm0, $0xb8;
	[tilespmem:$0x1EC80] =	vst v63  }
0x166: {  	s26 =	simm.s32 $0x1D480  }
0x167: {  	[tilespmem:s26], [sflag:$0x3] =	stream.indirect_vreg.gather [hbm4b:s3+s2], $0x80, v3, vm0, $0xb8;
	[tilespmem:$0x1EC80] =	vst v63  }
0x168: {  	v3 =	vld [tilespmem:$0x1D0];
	_ =	sdelay $0x4  }
0x169: {  	v61 =	vshll.u32 v3, $0x1  }
0x16a: {  	v3 =	vand.u32 $0x7, v3;
	v4 =	vand.u32 $0xFFFFFFF0, v61  }
0x16b: {  	v3 =	vor.u32 v3, v4  }
0x16c: {  	v4 =	vperm.xlane v3, v0;
	_ =	sdelay $0x1  }
0x16d: {  	v3 =	vperm.xlane v3, v2;
	v4 =	vadd.s32 v1, v4;
	_ =	sdelay $0x1  }
0x16e: {  	v3 =	vadd.s32 v1, v3;
	_ =	sdelay $0x1  }
0x16f: {  	s28 =	simm.s32 $0x1DC80  }
0x170: {  	[tilespmem:s28], [sflag:$0x3] =	stream.indirect_vreg.gather [hbm4b:s3+s2], $0x80, v4, vm0, $0xb8;
	[tilespmem:$0x1EC80] =	vst v63  }
0x171: {  	s31 =	simm.s32 $0x1E480  }
0x172: {  	[tilespmem:s31], [sflag:$0x3] =	stream.indirect_vreg.gather [hbm4b:s3+s2], $0x80, v3, vm0, $0xb8;
	[tilespmem:$0x1EC80] =	vst v63  }
0x173: {  	_ =	swait.ge [sflag:s21], $0xA000  }
0x174: {  	[sflag:s21] =	ssyncset.done $0x0  }
0x175: {  	s12 =	simm.s32 $0xAC80;
	s6 =	rddreg [dreg:$0x5];
	[sflag:s21] =	ssyncadd.s32 $0xFFFF6000  }
0x176: {  	[hbm4b:s6+s2] =	stream.linear.scatter [tilespmem:s12], [sflag:$0x5], $0xA000, $0x38;
	[tilespmem:$0x1EC80] =	vst v63  }
0x177: {  	_ =	swait.ge [sflag:s22], $0xA000  }
0x178: {  	[sflag:s22] =	ssyncset.done $0x0  }
0x179: {  	[sflag:s22] =	ssyncadd.s32 $0xFFFF6000  }
0x17a: {  	v3 =	vld [tilespmem:$0x1E0];
	_ =	sdelay $0x4  }
0x17b: {  	v62 =	vshll.u32 v3, $0x1  }
0x17c: {  	v3 =	vand.u32 $0x7, v3;
	v4 =	vand.u32 $0xFFFFFFF0, v62  }
0x17d: {  	v3 =	vor.u32 v3, v4  }
0x17e: {  	v4 =	vperm.xlane v3, v0;
	_ =	sdelay $0x1  }
0x17f: {  	v3 =	vperm.xlane v3, v2;
	v4 =	vadd.s32 v1, v4;
	_ =	sdelay $0x1  }
0x180: {  	v3 =	vadd.s32 v1, v3;
	_ =	sdelay $0x2  }
0x181: {  	[tilespmem:s0], [sflag:$0x1] =	stream.indirect_vreg.gather [hbm4b:s3+s2], $0x80, v4, vm0, $0xb8;
	[tilespmem:$0x1EC80] =	vst v63  }
0x182: {  	s15 =	simm.s32 $0x1480  }
0x183: {  	[tilespmem:s15], [sflag:$0x1] =	stream.indirect_vreg.gather [hbm4b:s3+s2], $0x80, v3, vm0, $0xb8;
	[tilespmem:$0x1EC80] =	vst v63  }
0x184: {  	v3 =	vld [tilespmem:$0x1F0];
	_ =	sdelay $0x4  }
0x185: {  	v63 =	vshll.u32 v3, $0x1  }
0x186: {  	v3 =	vand.u32 $0x7, v3;
	v4 =	vand.u32 $0xFFFFFFF0, v63  }
0x187: {  	v3 =	vor.u32 v3, v4  }
0x188: {  	v4 =	vperm.xlane v3, v0;
	_ =	sdelay $0x1  }
0x189: {  	v3 =	vperm.xlane v3, v2;
	v4 =	vadd.s32 v1, v4;
	_ =	sdelay $0x1  }
0x18a: {  	v3 =	vadd.s32 v1, v3;
	_ =	sdelay $0x1  }
0x18b: {  	s14 =	simm.s32 $0x1C80  }
0x18c: {  	[tilespmem:s14], [sflag:$0x1] =	stream.indirect_vreg.gather [hbm4b:s3+s2], $0x80, v4, vm0, $0xb8;
	[tilespmem:$0x1EC80] =	vst v63  }
0x18d: {  	s16 =	simm.s32 $0x2480  }
0x18e: {  	[tilespmem:s16], [sflag:$0x1] =	stream.indirect_vreg.gather [hbm4b:s3+s2], $0x80, v3, vm0, $0xb8;
	[tilespmem:$0x1EC80] =	vst v63  }
0x18f: {  	v3 =	vld [tilespmem:$0x200];
	_ =	sdelay $0x4  }
0x190: {  	v8 =	vshll.u32 v3, $0x1  }
0x191: {  	v3 =	vand.u32 $0x7, v3;
	v4 =	vand.u32 $0xFFFFFFF0, v8  }
0x192: {  	v3 =	vor.u32 v3, v4  }
0x193: {  	v4 =	vperm.xlane v3, v0;
	_ =	sdelay $0x1  }
0x194: {  	v3 =	vperm.xlane v3, v2;
	v4 =	vadd.s32 v1, v4;
	_ =	sdelay $0x1  }
0x195: {  	v3 =	vadd.s32 v1, v3;
	_ =	sdelay $0x1  }
0x196: {  	s13 =	simm.s32 $0x2C80  }
0x197: {  	[tilespmem:s13], [sflag:$0x1] =	stream.indirect_vreg.gather [hbm4b:s3+s2], $0x80, v4, vm0, $0xb8;
	[tilespmem:$0x1EC80] =	vst v63  }
0x198: {  	s17 =	simm.s32 $0x3480  }
0x199: {  	[tilespmem:s17], [sflag:$0x1] =	stream.indirect_vreg.gather [hbm4b:s3+s2], $0x80, v3, vm0, $0xb8;
	[tilespmem:$0x1EC80] =	vst v63  }
0x19a: {  	v3 =	vld [tilespmem:$0x210];
	_ =	sdelay $0x4  }
0x19b: {  	v9 =	vshll.u32 v3, $0x1  }
0x19c: {  	v3 =	vand.u32 $0x7, v3;
	v4 =	vand.u32 $0xFFFFFFF0, v9  }
0x19d: {  	v3 =	vor.u32 v3, v4  }
0x19e: {  	v4 =	vperm.xlane v3, v0;
	_ =	sdelay $0x1  }
0x19f: {  	v3 =	vperm.xlane v3, v2;
	v4 =	vadd.s32 v1, v4;
	_ =	sdelay $0x1  }
0x1a0: {  	v3 =	vadd.s32 v1, v3;
	_ =	sdelay $0x1  }
0x1a1: {  	s20 =	simm.s32 $0x3C80  }
0x1a2: {  	[tilespmem:s20], [sflag:$0x1] =	stream.indirect_vreg.gather [hbm4b:s3+s2], $0x80, v4, vm0, $0xb8;
	[tilespmem:$0x1EC80] =	vst v63  }
0x1a3: {  	s18 =	simm.s32 $0x4480  }
0x1a4: {  	[tilespmem:s18], [sflag:$0x1] =	stream.indirect_vreg.gather [hbm4b:s3+s2], $0x80, v3, vm0, $0xb8;
	[tilespmem:$0x1EC80] =	vst v63  }
0x1a5: {  	v3 =	vld [tilespmem:$0x220];
	_ =	sdelay $0x4  }
0x1a6: {  	v10 =	vshll.u32 v3, $0x1  }
0x1a7: {  	v3 =	vand.u32 $0x7, v3;
	v4 =	vand.u32 $0xFFFFFFF0, v10  }
0x1a8: {  	v3 =	vor.u32 v3, v4  }
0x1a9: {  	v4 =	vperm.xlane v3, v0;
	_ =	sdelay $0x1  }
0x1aa: {  	v3 =	vperm.xlane v3, v2;
	v4 =	vadd.s32 v1, v4;
	_ =	sdelay $0x1  }
0x1ab: {  	v3 =	vadd.s32 v1, v3;
	_ =	sdelay $0x1  }
0x1ac: {  	s15 =	simm.s32 $0x4C80  }
0x1ad: {  	[tilespmem:s15], [sflag:$0x1] =	stream.indirect_vreg.gather [hbm4b:s3+s2], $0x80, v4, vm0, $0xb8;
	[tilespmem:$0x1EC80] =	vst v63  }
0x1ae: {  	s29 =	simm.s32 $0x5480  }
0x1af: {  	[tilespmem:s29], [sflag:$0x1] =	stream.indirect_vreg.gather [hbm4b:s3+s2], $0x80, v3, vm0, $0xb8;
	[tilespmem:$0x1EC80] =	vst v63  }
0x1b0: {  	v3 =	vld [tilespmem:$0x230];
	_ =	sdelay $0x4  }
0x1b1: {  	v11 =	vshll.u32 v3, $0x1  }
0x1b2: {  	v3 =	vand.u32 $0x7, v3;
	v4 =	vand.u32 $0xFFFFFFF0, v11  }
0x1b3: {  	v3 =	vor.u32 v3, v4  }
0x1b4: {  	v4 =	vperm.xlane v3, v0;
	_ =	sdelay $0x1  }
0x1b5: {  	v3 =	vperm.xlane v3, v2;
	v4 =	vadd.s32 v1, v4;
	_ =	sdelay $0x1  }
0x1b6: {  	v3 =	vadd.s32 v1, v3;
	_ =	sdelay $0x1  }
0x1b7: {  	s16 =	simm.s32 $0x5C80  }
0x1b8: {  	[tilespmem:s16], [sflag:$0x1] =	stream.indirect_vreg.gather [hbm4b:s3+s2], $0x80, v4, vm0, $0xb8;
	[tilespmem:$0x1EC80] =	vst v63  }
0x1b9: {  	s30 =	simm.s32 $0x6480  }
0x1ba: {  	[tilespmem:s30], [sflag:$0x1] =	stream.indirect_vreg.gather [hbm4b:s3+s2], $0x80, v3, vm0, $0xb8;
	[tilespmem:$0x1EC80] =	vst v63  }
0x1bb: {  	v3 =	vld [tilespmem:$0x240];
	_ =	sdelay $0x4  }
0x1bc: {  	v12 =	vshll.u32 v3, $0x1  }
0x1bd: {  	v3 =	vand.u32 $0x7, v3;
	v4 =	vand.u32 $0xFFFFFFF0, v12  }
0x1be: {  	v3 =	vor.u32 v3, v4  }
0x1bf: {  	v4 =	vperm.xlane v3, v0;
	_ =	sdelay $0x1  }
0x1c0: {  	v3 =	vperm.xlane v3, v2;
	v4 =	vadd.s32 v1, v4;
	_ =	sdelay $0x1  }
0x1c1: {  	v3 =	vadd.s32 v1, v3;
	_ =	sdelay $0x1  }
0x1c2: {  	s17 =	simm.s32 $0x6C80  }
0x1c3: {  	[tilespmem:s17], [sflag:$0x1] =	stream.indirect_vreg.gather [hbm4b:s3+s2], $0x80, v4, vm0, $0xb8;
	[tilespmem:$0x1EC80] =	vst v63  }
0x1c4: {  	s31 =	simm.s32 $0x7480  }
0x1c5: {  	[tilespmem:s31], [sflag:$0x1] =	stream.indirect_vreg.gather [hbm4b:s3+s2], $0x80, v3, vm0, $0xb8;
	[tilespmem:$0x1EC80] =	vst v63  }
0x1c6: {  	v3 =	vld [tilespmem:$0x250];
	_ =	sdelay $0x4  }
0x1c7: {  	v13 =	vshll.u32 v3, $0x1  }
0x1c8: {  	v3 =	vand.u32 $0x7, v3;
	v4 =	vand.u32 $0xFFFFFFF0, v13  }
0x1c9: {  	v3 =	vor.u32 v3, v4  }
0x1ca: {  	v4 =	vperm.xlane v3, v0;
	_ =	sdelay $0x1  }
0x1cb: {  	v3 =	vperm.xlane v3, v2;
	v4 =	vadd.s32 v1, v4;
	_ =	sdelay $0x1  }
0x1cc: {  	v3 =	vadd.s32 v1, v3;
	_ =	sdelay $0x1  }
0x1cd: {  	s18 =	simm.s32 $0x7C80  }
0x1ce: {  	[tilespmem:s18], [sflag:$0x1] =	stream.indirect_vreg.gather [hbm4b:s3+s2], $0x80, v4, vm0, $0xb8;
	[tilespmem:$0x1EC80] =	vst v63  }
0x1cf: {  	s14 =	simm.s32 $0x8480  }
0x1d0: {  	[tilespmem:s14], [sflag:$0x1] =	stream.indirect_vreg.gather [hbm4b:s3+s2], $0x80, v3, vm0, $0xb8;
	[tilespmem:$0x1EC80] =	vst v63  }
0x1d1: {  	v3 =	vld [tilespmem:$0x260];
	_ =	sdelay $0x4  }
0x1d2: {  	v14 =	vshll.u32 v3, $0x1  }
0x1d3: {  	v3 =	vand.u32 $0x7, v3;
	v4 =	vand.u32 $0xFFFFFFF0, v14  }
0x1d4: {  	v3 =	vor.u32 v3, v4  }
0x1d5: {  	v4 =	vperm.xlane v3, v0;
	_ =	sdelay $0x1  }
0x1d6: {  	v3 =	vperm.xlane v3, v2;
	v4 =	vadd.s32 v1, v4;
	_ =	sdelay $0x1  }
0x1d7: {  	v3 =	vadd.s32 v1, v3;
	_ =	sdelay $0x1  }
0x1d8: {  	s29 =	simm.s32 $0x8C80  }
0x1d9: {  	[tilespmem:s29], [sflag:$0x1] =	stream.indirect_vreg.gather [hbm4b:s3+s2], $0x80, v4, vm0, $0xb8;
	[tilespmem:$0x1EC80] =	vst v63  }
0x1da: {  	s26 =	simm.s32 $0x9480  }
0x1db: {  	[tilespmem:s26], [sflag:$0x1] =	stream.indirect_vreg.gather [hbm4b:s3+s2], $0x80, v3, vm0, $0xb8;
	[tilespmem:$0x1EC80] =	vst v63  }
0x1dc: {  	v3 =	vld [tilespmem:$0x270];
	_ =	sdelay $0x4  }
0x1dd: {  	v15 =	vshll.u32 v3, $0x1  }
0x1de: {  	v3 =	vand.u32 $0x7, v3;
	v4 =	vand.u32 $0xFFFFFFF0, v15  }
0x1df: {  	v3 =	vor.u32 v3, v4  }
0x1e0: {  	v4 =	vperm.xlane v3, v0;
	_ =	sdelay $0x1  }
0x1e1: {  	v3 =	vperm.xlane v3, v2;
	v4 =	vadd.s32 v1, v4;
	_ =	sdelay $0x1  }
0x1e2: {  	v3 =	vadd.s32 v1, v3;
	_ =	sdelay $0x1  }
0x1e3: {  	s30 =	simm.s32 $0x9C80  }
0x1e4: {  	[tilespmem:s30], [sflag:$0x1] =	stream.indirect_vreg.gather [hbm4b:s3+s2], $0x80, v4, vm0, $0xb8;
	[tilespmem:$0x1EC80] =	vst v63  }
0x1e5: {  	s13 =	simm.s32 $0xA480  }
0x1e6: {  	[tilespmem:s13], [sflag:$0x1] =	stream.indirect_vreg.gather [hbm4b:s3+s2], $0x80, v3, vm0, $0xb8;
	[tilespmem:$0x1EC80] =	vst v63  }
0x1e7: {  	_ =	swait.ge [sflag:s25], $0xA000  }
0x1e8: {  	[sflag:s25] =	ssyncset.done $0x0  }
0x1e9: {  	s1 =	simm.s32 $0x14C80;
	s20 =	rddreg [dreg:$0x6];
	[sflag:s25] =	ssyncadd.s32 $0xFFFF6000  }
0x1ea: {  	[hbm4b:s20+s2] =	stream.linear.scatter [tilespmem:s1], [sflag:$0x6], $0xA000, $0x38;
	[tilespmem:$0x1EC80] =	vst v63  }
0x1eb: {  	_ =	swait.ge [sflag:s24], $0xA000  }
0x1ec: {  	[sflag:s24] =	ssyncset.done $0x0  }
0x1ed: {  	[sflag:s24] =	ssyncadd.s32 $0xFFFF6000  }
0x1ee: {  	v3 =	vld [tilespmem:$0x280];
	_ =	sdelay $0x4  }
0x1ef: {  	v16 =	vshll.u32 v3, $0x1  }
0x1f0: {  	v3 =	vand.u32 $0x7, v3;
	v4 =	vand.u32 $0xFFFFFFF0, v16  }
0x1f1: {  	v3 =	vor.u32 v3, v4  }
0x1f2: {  	v4 =	vperm.xlane v3, v0;
	_ =	sdelay $0x1  }
0x1f3: {  	v3 =	vperm.xlane v3, v2;
	v4 =	vadd.s32 v1, v4;
	_ =	sdelay $0x1  }
0x1f4: {  	v3 =	vadd.s32 v1, v3;
	_ =	sdelay $0x2  }
0x1f5: {  	[tilespmem:s12], [sflag:$0x2] =	stream.indirect_vreg.gather [hbm4b:s3+s2], $0x80, v4, vm0, $0xb8;
	[tilespmem:$0x1EC80] =	vst v63  }
0x1f6: {  	s28 =	simm.s32 $0xB480  }
0x1f7: {  	[tilespmem:s28], [sflag:$0x2] =	stream.indirect_vreg.gather [hbm4b:s3+s2], $0x80, v3, vm0, $0xb8;
	[tilespmem:$0x1EC80] =	vst v63  }
0x1f8: {  	v3 =	vld [tilespmem:$0x290];
	_ =	sdelay $0x4  }
0x1f9: {  	v17 =	vshll.u32 v3, $0x1  }
0x1fa: {  	v3 =	vand.u32 $0x7, v3;
	v4 =	vand.u32 $0xFFFFFFF0, v17  }
0x1fb: {  	v3 =	vor.u32 v3, v4  }
0x1fc: {  	v4 =	vperm.xlane v3, v0;
	_ =	sdelay $0x1  }
0x1fd: {  	v3 =	vperm.xlane v3, v2;
	v4 =	vadd.s32 v1, v4;
	_ =	sdelay $0x1  }
0x1fe: {  	v3 =	vadd.s32 v1, v3;
	_ =	sdelay $0x1  }
0x1ff: {  	s4 =	simm.s32 $0xBC80  }
0x200: {  	[tilespmem:s4], [sflag:$0x2] =	stream.indirect_vreg.gather [hbm4b:s3+s2], $0x80, v4, vm0, $0xb8;
	[tilespmem:$0x1EC80] =	vst v63  }
0x201: {  	s5 =	simm.s32 $0xC480  }
0x202: {  	[tilespmem:s5], [sflag:$0x2] =	stream.indirect_vreg.gather [hbm4b:s3+s2], $0x80, v3, vm0, $0xb8;
	[tilespmem:$0x1EC80] =	vst v63  }
0x203: {  	v3 =	vld [tilespmem:$0x2A0];
	_ =	sdelay $0x4  }
0x204: {  	v18 =	vshll.u32 v3, $0x1  }
0x205: {  	v3 =	vand.u32 $0x7, v3;
	v4 =	vand.u32 $0xFFFFFFF0, v18  }
0x206: {  	v3 =	vor.u32 v3, v4  }
0x207: {  	v4 =	vperm.xlane v3, v0;
	_ =	sdelay $0x1  }
0x208: {  	v3 =	vperm.xlane v3, v2;
	v4 =	vadd.s32 v1, v4;
	_ =	sdelay $0x1  }
0x209: {  	v3 =	vadd.s32 v1, v3;
	_ =	sdelay $0x1  }
0x20a: {  	s5 =	simm.s32 $0xCC80  }
0x20b: {  	[tilespmem:s5], [sflag:$0x2] =	stream.indirect_vreg.gather [hbm4b:s3+s2], $0x80, v4, vm0, $0xb8;
	[tilespmem:$0x1EC80] =	vst v63  }
0x20c: {  	s7 =	simm.s32 $0xD480  }
0x20d: {  	[tilespmem:s7], [sflag:$0x2] =	stream.indirect_vreg.gather [hbm4b:s3+s2], $0x80, v3, vm0, $0xb8;
	[tilespmem:$0x1EC80] =	vst v63  }
0x20e: {  	v3 =	vld [tilespmem:$0x2B0];
	_ =	sdelay $0x4  }
0x20f: {  	v19 =	vshll.u32 v3, $0x1  }
0x210: {  	v3 =	vand.u32 $0x7, v3;
	v4 =	vand.u32 $0xFFFFFFF0, v19  }
0x211: {  	v3 =	vor.u32 v3, v4  }
0x212: {  	v4 =	vperm.xlane v3, v0;
	_ =	sdelay $0x1  }
0x213: {  	v3 =	vperm.xlane v3, v2;
	v4 =	vadd.s32 v1, v4;
	_ =	sdelay $0x1  }
0x214: {  	v3 =	vadd.s32 v1, v3;
	_ =	sdelay $0x1  }
0x215: {  	s20 =	simm.s32 $0xDC80  }
0x216: {  	[tilespmem:s20], [sflag:$0x2] =	stream.indirect_vreg.gather [hbm4b:s3+s2], $0x80, v4, vm0, $0xb8;
	[tilespmem:$0x1EC80] =	vst v63  }
0x217: {  	s8 =	simm.s32 $0xE480  }
0x218: {  	[tilespmem:s8], [sflag:$0x2] =	stream.indirect_vreg.gather [hbm4b:s3+s2], $0x80, v3, vm0, $0xb8;
	[tilespmem:$0x1EC80] =	vst v63  }
0x219: {  	v3 =	vld [tilespmem:$0x2C0];
	_ =	sdelay $0x4  }
0x21a: {  	v20 =	vshll.u32 v3, $0x1  }
0x21b: {  	v3 =	vand.u32 $0x7, v3;
	v4 =	vand.u32 $0xFFFFFFF0, v20  }
0x21c: {  	v3 =	vor.u32 v3, v4  }
0x21d: {  	v4 =	vperm.xlane v3, v0;
	_ =	sdelay $0x1  }
0x21e: {  	v3 =	vperm.xlane v3, v2;
	v4 =	vadd.s32 v1, v4;
	_ =	sdelay $0x1  }
0x21f: {  	v3 =	vadd.s32 v1, v3;
	_ =	sdelay $0x1  }
0x220: {  	s12 =	simm.s32 $0xEC80  }
0x221: {  	[tilespmem:s12], [sflag:$0x2] =	stream.indirect_vreg.gather [hbm4b:s3+s2], $0x80, v4, vm0, $0xb8;
	[tilespmem:$0x1EC80] =	vst v63  }
0x222: {  	s9 =	simm.s32 $0xF480  }
0x223: {  	[tilespmem:s9], [sflag:$0x2] =	stream.indirect_vreg.gather [hbm4b:s3+s2], $0x80, v3, vm0, $0xb8;
	[tilespmem:$0x1EC80] =	vst v63  }
0x224: {  	v3 =	vld [tilespmem:$0x2D0];
	_ =	sdelay $0x4  }
0x225: {  	v21 =	vshll.u32 v3, $0x1  }
0x226: {  	v3 =	vand.u32 $0x7, v3;
	v4 =	vand.u32 $0xFFFFFFF0, v21  }
0x227: {  	v3 =	vor.u32 v3, v4  }
0x228: {  	v4 =	vperm.xlane v3, v0;
	_ =	sdelay $0x1  }
0x229: {  	v3 =	vperm.xlane v3, v2;
	v4 =	vadd.s32 v1, v4;
	_ =	sdelay $0x1  }
0x22a: {  	v3 =	vadd.s32 v1, v3;
	_ =	sdelay $0x1  }
0x22b: {  	s13 =	simm.s32 $0xFC80  }
0x22c: {  	[tilespmem:s13], [sflag:$0x2] =	stream.indirect_vreg.gather [hbm4b:s3+s2], $0x80, v4, vm0, $0xb8;
	[tilespmem:$0x1EC80] =	vst v63  }
0x22d: {  	s10 =	simm.s32 $0x10480  }
0x22e: {  	[tilespmem:s10], [sflag:$0x2] =	stream.indirect_vreg.gather [hbm4b:s3+s2], $0x80, v3, vm0, $0xb8;
	[tilespmem:$0x1EC80] =	vst v63  }
0x22f: {  	v3 =	vld [tilespmem:$0x2E0];
	_ =	sdelay $0x4  }
0x230: {  	v22 =	vshll.u32 v3, $0x1  }
0x231: {  	v3 =	vand.u32 $0x7, v3;
	v4 =	vand.u32 $0xFFFFFFF0, v22  }
0x232: {  	v3 =	vor.u32 v3, v4  }
0x233: {  	v4 =	vperm.xlane v3, v0;
	_ =	sdelay $0x1  }
0x234: {  	v3 =	vperm.xlane v3, v2;
	v4 =	vadd.s32 v1, v4;
	_ =	sdelay $0x1  }
0x235: {  	v3 =	vadd.s32 v1, v3;
	_ =	sdelay $0x1  }
0x236: {  	s8 =	simm.s32 $0x10C80  }
0x237: {  	[tilespmem:s8], [sflag:$0x2] =	stream.indirect_vreg.gather [hbm4b:s3+s2], $0x80, v4, vm0, $0xb8;
	[tilespmem:$0x1EC80] =	vst v63  }
0x238: {  	s11 =	simm.s32 $0x11480  }
0x239: {  	[tilespmem:s11], [sflag:$0x2] =	stream.indirect_vreg.gather [hbm4b:s3+s2], $0x80, v3, vm0, $0xb8;
	[tilespmem:$0x1EC80] =	vst v63  }
0x23a: {  	v3 =	vld [tilespmem:$0x2F0];
	_ =	sdelay $0x4  }
0x23b: {  	v23 =	vshll.u32 v3, $0x1  }
0x23c: {  	v3 =	vand.u32 $0x7, v3;
	v4 =	vand.u32 $0xFFFFFFF0, v23  }
0x23d: {  	v3 =	vor.u32 v3, v4  }
0x23e: {  	v4 =	vperm.xlane v3, v0;
	_ =	sdelay $0x1  }
0x23f: {  	v3 =	vperm.xlane v3, v2;
	v4 =	vadd.s32 v1, v4;
	_ =	sdelay $0x1  }
0x240: {  	v3 =	vadd.s32 v1, v3;
	_ =	sdelay $0x1  }
0x241: {  	s9 =	simm.s32 $0x11C80  }
0x242: {  	[tilespmem:s9], [sflag:$0x2] =	stream.indirect_vreg.gather [hbm4b:s3+s2], $0x80, v4, vm0, $0xb8;
	[tilespmem:$0x1EC80] =	vst v63  }
0x243: {  	s12 =	simm.s32 $0x12480  }
0x244: {  	[tilespmem:s12], [sflag:$0x2] =	stream.indirect_vreg.gather [hbm4b:s3+s2], $0x80, v3, vm0, $0xb8;
	[tilespmem:$0x1EC80] =	vst v63  }
0x245: {  	v3 =	vld [tilespmem:$0x300];
	_ =	sdelay $0x4  }
0x246: {  	v24 =	vshll.u32 v3, $0x1  }
0x247: {  	v3 =	vand.u32 $0x7, v3;
	v4 =	vand.u32 $0xFFFFFFF0, v24  }
0x248: {  	v3 =	vor.u32 v3, v4  }
0x249: {  	v4 =	vperm.xlane v3, v0;
	_ =	sdelay $0x1  }
0x24a: {  	v3 =	vperm.xlane v3, v2;
	v4 =	vadd.s32 v1, v4;
	_ =	sdelay $0x1  }
0x24b: {  	v3 =	vadd.s32 v1, v3;
	_ =	sdelay $0x1  }
0x24c: {  	s10 =	simm.s32 $0x12C80  }
0x24d: {  	[tilespmem:s10], [sflag:$0x2] =	stream.indirect_vreg.gather [hbm4b:s3+s2], $0x80, v4, vm0, $0xb8;
	[tilespmem:$0x1EC80] =	vst v63  }
0x24e: {  	s13 =	simm.s32 $0x13480  }
0x24f: {  	[tilespmem:s13], [sflag:$0x2] =	stream.indirect_vreg.gather [hbm4b:s3+s2], $0x80, v3, vm0, $0xb8;
	[tilespmem:$0x1EC80] =	vst v63  }
0x250: {  	v3 =	vld [tilespmem:$0x310];
	_ =	sdelay $0x4  }
0x251: {  	v25 =	vshll.u32 v3, $0x1  }
0x252: {  	v3 =	vand.u32 $0x7, v3;
	v4 =	vand.u32 $0xFFFFFFF0, v25  }
0x253: {  	v3 =	vor.u32 v3, v4  }
0x254: {  	v4 =	vperm.xlane v3, v0;
	_ =	sdelay $0x1  }
0x255: {  	v3 =	vperm.xlane v3, v2;
	v4 =	vadd.s32 v1, v4;
	_ =	sdelay $0x1  }
0x256: {  	v3 =	vadd.s32 v1, v3;
	_ =	sdelay $0x1  }
0x257: {  	s11 =	simm.s32 $0x13C80  }
0x258: {  	[tilespmem:s11], [sflag:$0x2] =	stream.indirect_vreg.gather [hbm4b:s3+s2], $0x80, v4, vm0, $0xb8;
	[tilespmem:$0x1EC80] =	vst v63  }
0x259: {  	s28 =	simm.s32 $0x14480  }
0x25a: {  	[tilespmem:s28], [sflag:$0x2] =	stream.indirect_vreg.gather [hbm4b:s3+s2], $0x80, v3, vm0, $0xb8;
	[tilespmem:$0x1EC80] =	vst v63  }
0x25b: {  	_ =	swait.ge [sflag:s19], $0xA000  }
0x25c: {  	[sflag:s19] =	ssyncset.done $0x0  }
0x25d: {  	s23 =	simm.s32 $0xC80;
	s4 =	rddreg [dreg:$0x7];
	[sflag:s19] =	ssyncadd.s32 $0xFFFF6000  }
0x25e: {  	[hbm4b:s4+s2] =	stream.linear.scatter [tilespmem:s23], [sflag:$0x4], $0xA000, $0x38;
	[tilespmem:$0x1EC80] =	vst v63  }
0x25f: {  	s23 =	simm.s32 $0x6  }
0x260: {  	_ =	swait.ge [sflag:s23], $0xA000  }
0x261: {  	[sflag:s23] =	ssyncset.done $0x0  }
0x262: {  	[sflag:s23] =	ssyncadd.s32 $0xFFFF6000  }
0x263: {  	v3 =	vld [tilespmem:$0x320];
	_ =	sdelay $0x4  }
0x264: {  	v26 =	vshll.u32 v3, $0x1  }
0x265: {  	v3 =	vand.u32 $0x7, v3;
	v4 =	vand.u32 $0xFFFFFFF0, v26  }
0x266: {  	v3 =	vor.u32 v3, v4  }
0x267: {  	v4 =	vperm.xlane v3, v0;
	_ =	sdelay $0x1  }
0x268: {  	v3 =	vperm.xlane v3, v2;
	v4 =	vadd.s32 v1, v4;
	_ =	sdelay $0x1  }
0x269: {  	v3 =	vadd.s32 v1, v3;
	_ =	sdelay $0x1  }
0x26a: {  	s0 =	simm.s32 $0x14C80  }
0x26b: {  	[tilespmem:s0], [sflag:$0x3] =	stream.indirect_vreg.gather [hbm4b:s3+s2], $0x80, v4, vm0, $0xb8;
	[tilespmem:$0x1EC80] =	vst v63  }
0x26c: {  	s7 =	simm.s32 $0x15480  }
0x26d: {  	[tilespmem:s7], [sflag:$0x3] =	stream.indirect_vreg.gather [hbm4b:s3+s2], $0x80, v3, vm0, $0xb8;
	[tilespmem:$0x1EC80] =	vst v63  }
0x26e: {  	v3 =	vld [tilespmem:$0x330];
	_ =	sdelay $0x4  }
0x26f: {  	v27 =	vshll.u32 v3, $0x1  }
0x270: {  	v3 =	vand.u32 $0x7, v3;
	v4 =	vand.u32 $0xFFFFFFF0, v27  }
0x271: {  	v3 =	vor.u32 v3, v4  }
0x272: {  	v4 =	vperm.xlane v3, v0;
	_ =	sdelay $0x1  }
0x273: {  	v3 =	vperm.xlane v3, v2;
	v4 =	vadd.s32 v1, v4;
	_ =	sdelay $0x1  }
0x274: {  	v3 =	vadd.s32 v1, v3;
	_ =	sdelay $0x1  }
0x275: {  	s5 =	simm.s32 $0x15C80  }
0x276: {  	[tilespmem:s5], [sflag:$0x3] =	stream.indirect_vreg.gather [hbm4b:s3+s2], $0x80, v4, vm0, $0xb8;
	[tilespmem:$0x1EC80] =	vst v63  }
0x277: {  	s28 =	simm.s32 $0x16480  }
0x278: {  	[tilespmem:s28], [sflag:$0x3] =	stream.indirect_vreg.gather [hbm4b:s3+s2], $0x80, v3, vm0, $0xb8;
	[tilespmem:$0x1EC80] =	vst v63  }
0x279: {  	v3 =	vld [tilespmem:$0x340];
	_ =	sdelay $0x4  }
0x27a: {  	v28 =	vshll.u32 v3, $0x1  }
0x27b: {  	v3 =	vand.u32 $0x7, v3;
	v4 =	vand.u32 $0xFFFFFFF0, v28  }
0x27c: {  	v3 =	vor.u32 v3, v4  }
0x27d: {  	v4 =	vperm.xlane v3, v0;
	_ =	sdelay $0x1  }
0x27e: {  	v3 =	vperm.xlane v3, v2;
	v4 =	vadd.s32 v1, v4;
	_ =	sdelay $0x1  }
0x27f: {  	v3 =	vadd.s32 v1, v3;
	_ =	sdelay $0x1  }
0x280: {  	s5 =	simm.s32 $0x16C80  }
0x281: {  	[tilespmem:s5], [sflag:$0x3] =	stream.indirect_vreg.gather [hbm4b:s3+s2], $0x80, v4, vm0, $0xb8;
	[tilespmem:$0x1EC80] =	vst v63  }
0x282: {  	s28 =	simm.s32 $0x17480  }
0x283: {  	[tilespmem:s28], [sflag:$0x3] =	stream.indirect_vreg.gather [hbm4b:s3+s2], $0x80, v3, vm0, $0xb8;
	[tilespmem:$0x1EC80] =	vst v63  }
0x284: {  	v3 =	vld [tilespmem:$0x350];
	_ =	sdelay $0x4  }
0x285: {  	v29 =	vshll.u32 v3, $0x1  }
0x286: {  	v3 =	vand.u32 $0x7, v3;
	v4 =	vand.u32 $0xFFFFFFF0, v29  }
0x287: {  	v3 =	vor.u32 v3, v4  }
0x288: {  	v4 =	vperm.xlane v3, v0;
	_ =	sdelay $0x1  }
0x289: {  	v3 =	vperm.xlane v3, v2;
	v4 =	vadd.s32 v1, v4;
	_ =	sdelay $0x1  }
0x28a: {  	v3 =	vadd.s32 v1, v3;
	_ =	sdelay $0x1  }
0x28b: {  	s5 =	simm.s32 $0x17C80  }
0x28c: {  	[tilespmem:s5], [sflag:$0x3] =	stream.indirect_vreg.gather [hbm4b:s3+s2], $0x80, v4, vm0, $0xb8;
	[tilespmem:$0x1EC80] =	vst v63  }
0x28d: {  	s28 =	simm.s32 $0x18480  }
0x28e: {  	[tilespmem:s28], [sflag:$0x3] =	stream.indirect_vreg.gather [hbm4b:s3+s2], $0x80, v3, vm0, $0xb8;
	[tilespmem:$0x1EC80] =	vst v63  }
0x28f: {  	v3 =	vld [tilespmem:$0x360];
	_ =	sdelay $0x4  }
0x290: {  	v30 =	vshll.u32 v3, $0x1  }
0x291: {  	v3 =	vand.u32 $0x7, v3;
	v4 =	vand.u32 $0xFFFFFFF0, v30  }
0x292: {  	v3 =	vor.u32 v3, v4  }
0x293: {  	v4 =	vperm.xlane v3, v0;
	_ =	sdelay $0x1  }
0x294: {  	v3 =	vperm.xlane v3, v2;
	v4 =	vadd.s32 v1, v4;
	_ =	sdelay $0x1  }
0x295: {  	v3 =	vadd.s32 v1, v3;
	_ =	sdelay $0x1  }
0x296: {  	s5 =	simm.s32 $0x18C80  }
0x297: {  	[tilespmem:s5], [sflag:$0x3] =	stream.indirect_vreg.gather [hbm4b:s3+s2], $0x80, v4, vm0, $0xb8;
	[tilespmem:$0x1EC80] =	vst v63  }
0x298: {  	s28 =	simm.s32 $0x19480  }
0x299: {  	[tilespmem:s28], [sflag:$0x3] =	stream.indirect_vreg.gather [hbm4b:s3+s2], $0x80, v3, vm0, $0xb8;
	[tilespmem:$0x1EC80] =	vst v63  }
0x29a: {  	v3 =	vld [tilespmem:$0x370];
	_ =	sdelay $0x4  }
0x29b: {  	v31 =	vshll.u32 v3, $0x1  }
0x29c: {  	v3 =	vand.u32 $0x7, v3;
	v4 =	vand.u32 $0xFFFFFFF0, v31  }
0x29d: {  	v3 =	vor.u32 v3, v4  }
0x29e: {  	v4 =	vperm.xlane v3, v0;
	_ =	sdelay $0x1  }
0x29f: {  	v3 =	vperm.xlane v3, v2;
	v4 =	vadd.s32 v1, v4;
	_ =	sdelay $0x1  }
0x2a0: {  	v3 =	vadd.s32 v1, v3;
	_ =	sdelay $0x1  }
0x2a1: {  	s5 =	simm.s32 $0x19C80  }
0x2a2: {  	[tilespmem:s5], [sflag:$0x3] =	stream.indirect_vreg.gather [hbm4b:s3+s2], $0x80, v4, vm0, $0xb8;
	[tilespmem:$0x1EC80] =	vst v63  }
0x2a3: {  	s28 =	simm.s32 $0x1A480  }
0x2a4: {  	[tilespmem:s28], [sflag:$0x3] =	stream.indirect_vreg.gather [hbm4b:s3+s2], $0x80, v3, vm0, $0xb8;
	[tilespmem:$0x1EC80] =	vst v63  }
0x2a5: {  	v3 =	vld [tilespmem:$0x380];
	_ =	sdelay $0x4  }
0x2a6: {  	v32 =	vshll.u32 v3, $0x1  }
0x2a7: {  	v3 =	vand.u32 $0x7, v3;
	v4 =	vand.u32 $0xFFFFFFF0, v32  }
0x2a8: {  	v3 =	vor.u32 v3, v4  }
0x2a9: {  	v4 =	vperm.xlane v3, v0;
	_ =	sdelay $0x1  }
0x2aa: {  	v3 =	vperm.xlane v3, v2;
	v4 =	vadd.s32 v1, v4;
	_ =	sdelay $0x1  }
0x2ab: {  	v3 =	vadd.s32 v1, v3;
	_ =	sdelay $0x1  }
0x2ac: {  	s5 =	simm.s32 $0x1AC80  }
0x2ad: {  	[tilespmem:s5], [sflag:$0x3] =	stream.indirect_vreg.gather [hbm4b:s3+s2], $0x80, v4, vm0, $0xb8;
	[tilespmem:$0x1EC80] =	vst v63  }
0x2ae: {  	s28 =	simm.s32 $0x1B480  }
0x2af: {  	[tilespmem:s28], [sflag:$0x3] =	stream.indirect_vreg.gather [hbm4b:s3+s2], $0x80, v3, vm0, $0xb8;
	[tilespmem:$0x1EC80] =	vst v63  }
0x2b0: {  	v3 =	vld [tilespmem:$0x390];
	_ =	sdelay $0x4  }
0x2b1: {  	v33 =	vshll.u32 v3, $0x1  }
0x2b2: {  	v3 =	vand.u32 $0x7, v3;
	v4 =	vand.u32 $0xFFFFFFF0, v33  }
0x2b3: {  	v3 =	vor.u32 v3, v4  }
0x2b4: {  	v4 =	vperm.xlane v3, v0;
	_ =	sdelay $0x1  }
0x2b5: {  	v3 =	vperm.xlane v3, v2;
	v4 =	vadd.s32 v1, v4;
	_ =	sdelay $0x1  }
0x2b6: {  	v3 =	vadd.s32 v1, v3;
	_ =	sdelay $0x1  }
0x2b7: {  	s5 =	simm.s32 $0x1BC80  }
0x2b8: {  	[tilespmem:s5], [sflag:$0x3] =	stream.indirect_vreg.gather [hbm4b:s3+s2], $0x80, v4, vm0, $0xb8;
	[tilespmem:$0x1EC80] =	vst v63  }
0x2b9: {  	s28 =	simm.s32 $0x1C480  }
0x2ba: {  	[tilespmem:s28], [sflag:$0x3] =	stream.indirect_vreg.gather [hbm4b:s3+s2], $0x80, v3, vm0, $0xb8;
	[tilespmem:$0x1EC80] =	vst v63  }
0x2bb: {  	v3 =	vld [tilespmem:$0x3A0];
	_ =	sdelay $0x4  }
0x2bc: {  	v34 =	vshll.u32 v3, $0x1  }
0x2bd: {  	v3 =	vand.u32 $0x7, v3;
	v4 =	vand.u32 $0xFFFFFFF0, v34  }
0x2be: {  	v3 =	vor.u32 v3, v4  }
0x2bf: {  	v4 =	vperm.xlane v3, v0;
	_ =	sdelay $0x1  }
0x2c0: {  	v3 =	vperm.xlane v3, v2;
	v4 =	vadd.s32 v1, v4;
	_ =	sdelay $0x1  }
0x2c1: {  	v3 =	vadd.s32 v1, v3;
	_ =	sdelay $0x1  }
0x2c2: {  	s5 =	simm.s32 $0x1CC80  }
0x2c3: {  	[tilespmem:s5], [sflag:$0x3] =	stream.indirect_vreg.gather [hbm4b:s3+s2], $0x80, v4, vm0, $0xb8;
	[tilespmem:$0x1EC80] =	vst v63  }
0x2c4: {  	s28 =	simm.s32 $0x1D480  }
0x2c5: {  	[tilespmem:s28], [sflag:$0x3] =	stream.indirect_vreg.gather [hbm4b:s3+s2], $0x80, v3, vm0, $0xb8;
	[tilespmem:$0x1EC80] =	vst v63  }
0x2c6: {  	v3 =	vld [tilespmem:$0x3B0];
	_ =	sdelay $0x4  }
0x2c7: {  	v35 =	vshll.u32 v3, $0x1  }
0x2c8: {  	v3 =	vand.u32 $0x7, v3;
	v4 =	vand.u32 $0xFFFFFFF0, v35  }
0x2c9: {  	v3 =	vor.u32 v3, v4  }
0x2ca: {  	v4 =	vperm.xlane v3, v0;
	_ =	sdelay $0x1  }
0x2cb: {  	v3 =	vperm.xlane v3, v2;
	v4 =	vadd.s32 v1, v4;
	_ =	sdelay $0x1  }
0x2cc: {  	v3 =	vadd.s32 v1, v3;
	_ =	sdelay $0x1  }
0x2cd: {  	s5 =	simm.s32 $0x1DC80  }
0x2ce: {  	[tilespmem:s5], [sflag:$0x3] =	stream.indirect_vreg.gather [hbm4b:s3+s2], $0x80, v4, vm0, $0xb8;
	[tilespmem:$0x1EC80] =	vst v63  }
0x2cf: {  	s28 =	simm.s32 $0x1E480  }
0x2d0: {  	[tilespmem:s28], [sflag:$0x3] =	stream.indirect_vreg.gather [hbm4b:s3+s2], $0x80, v3, vm0, $0xb8;
	[tilespmem:$0x1EC80] =	vst v63  }
0x2d1: {  	_ =	swait.ge [sflag:s21], $0xA000  }
0x2d2: {  	[sflag:s21] =	ssyncset.done $0x0  }
0x2d3: {  	s6 =	simm.s32 $0xAC80;
	s5 =	rddreg [dreg:$0x8];
	[sflag:s21] =	ssyncadd.s32 $0xFFFF6000  }
0x2d4: {  	[hbm4b:s5+s2] =	stream.linear.scatter [tilespmem:s6], [sflag:$0x5], $0xA000, $0x38;
	[tilespmem:$0x1EC80] =	vst v63  }
0x2d5: {  	_ =	swait.ge [sflag:s22], $0xA000  }
0x2d6: {  	[sflag:s22] =	ssyncset.done $0x0  }
0x2d7: {  	[sflag:s22] =	ssyncadd.s32 $0xFFFF6000  }
0x2d8: {  	v3 =	vld [tilespmem:$0x3C0];
	_ =	sdelay $0x4  }
0x2d9: {  	v36 =	vshll.u32 v3, $0x1  }
0x2da: {  	v3 =	vand.u32 $0x7, v3;
	v4 =	vand.u32 $0xFFFFFFF0, v36  }
0x2db: {  	v3 =	vor.u32 v3, v4  }
0x2dc: {  	v4 =	vperm.xlane v3, v0;
	_ =	sdelay $0x1  }
0x2dd: {  	v3 =	vperm.xlane v3, v2;
	v4 =	vadd.s32 v1, v4;
	_ =	sdelay $0x1  }
0x2de: {  	v3 =	vadd.s32 v1, v3;
	_ =	sdelay $0x1  }
0x2df: {  	s1 =	simm.s32 $0xC80  }
0x2e0: {  	[tilespmem:s1], [sflag:$0x1] =	stream.indirect_vreg.gather [hbm4b:s3+s2], $0x80, v4, vm0, $0xb8;
	[tilespmem:$0x1EC80] =	vst v63  }
0x2e1: {  	s6 =	simm.s32 $0x1480  }
0x2e2: {  	[tilespmem:s6], [sflag:$0x1] =	stream.indirect_vreg.gather [hbm4b:s3+s2], $0x80, v3, vm0, $0xb8;
	[tilespmem:$0x1EC80] =	vst v63  }
0x2e3: {  	v3 =	vld [tilespmem:$0x3D0];
	_ =	sdelay $0x4  }
0x2e4: {  	v37 =	vshll.u32 v3, $0x1  }
0x2e5: {  	v3 =	vand.u32 $0x7, v3;
	v4 =	vand.u32 $0xFFFFFFF0, v37  }
0x2e6: {  	v3 =	vor.u32 v3, v4  }
0x2e7: {  	v4 =	vperm.xlane v3, v0;
	_ =	sdelay $0x1  }
0x2e8: {  	v3 =	vperm.xlane v3, v2;
	v4 =	vadd.s32 v1, v4;
	_ =	sdelay $0x1  }
0x2e9: {  	v3 =	vadd.s32 v1, v3;
	_ =	sdelay $0x1  }
0x2ea: {  	s6 =	simm.s32 $0x1C80  }
0x2eb: {  	[tilespmem:s6], [sflag:$0x1] =	stream.indirect_vreg.gather [hbm4b:s3+s2], $0x80, v4, vm0, $0xb8;
	[tilespmem:$0x1EC80] =	vst v63  }
0x2ec: {  	s28 =	simm.s32 $0x2480  }
0x2ed: {  	[tilespmem:s28], [sflag:$0x1] =	stream.indirect_vreg.gather [hbm4b:s3+s2], $0x80, v3, vm0, $0xb8;
	[tilespmem:$0x1EC80] =	vst v63  }
0x2ee: {  	v3 =	vld [tilespmem:$0x3E0];
	_ =	sdelay $0x4  }
0x2ef: {  	v38 =	vshll.u32 v3, $0x1  }
0x2f0: {  	v3 =	vand.u32 $0x7, v3;
	v4 =	vand.u32 $0xFFFFFFF0, v38  }
0x2f1: {  	v3 =	vor.u32 v3, v4  }
0x2f2: {  	v4 =	vperm.xlane v3, v0;
	_ =	sdelay $0x1  }
0x2f3: {  	v3 =	vperm.xlane v3, v2;
	v4 =	vadd.s32 v1, v4;
	_ =	sdelay $0x1  }
0x2f4: {  	v3 =	vadd.s32 v1, v3;
	_ =	sdelay $0x1  }
0x2f5: {  	s28 =	simm.s32 $0x2C80  }
0x2f6: {  	[tilespmem:s28], [sflag:$0x1] =	stream.indirect_vreg.gather [hbm4b:s3+s2], $0x80, v4, vm0, $0xb8;
	[tilespmem:$0x1EC80] =	vst v63  }
0x2f7: {  	s28 =	simm.s32 $0x3480  }
0x2f8: {  	[tilespmem:s28], [sflag:$0x1] =	stream.indirect_vreg.gather [hbm4b:s3+s2], $0x80, v3, vm0, $0xb8;
	[tilespmem:$0x1EC80] =	vst v63  }
0x2f9: {  	v3 =	vld [tilespmem:$0x3F0];
	_ =	sdelay $0x4  }
0x2fa: {  	v39 =	vshll.u32 v3, $0x1  }
0x2fb: {  	v3 =	vand.u32 $0x7, v3;
	v4 =	vand.u32 $0xFFFFFFF0, v39  }
0x2fc: {  	v3 =	vor.u32 v3, v4  }
0x2fd: {  	v4 =	vperm.xlane v3, v0;
	_ =	sdelay $0x1  }
0x2fe: {  	v3 =	vperm.xlane v3, v2;
	v4 =	vadd.s32 v1, v4;
	_ =	sdelay $0x1  }
0x2ff: {  	v3 =	vadd.s32 v1, v3;
	_ =	sdelay $0x1  }
0x300: {  	s28 =	simm.s32 $0x3C80  }
0x301: {  	[tilespmem:s28], [sflag:$0x1] =	stream.indirect_vreg.gather [hbm4b:s3+s2], $0x80, v4, vm0, $0xb8;
	[tilespmem:$0x1EC80] =	vst v63  }
0x302: {  	s28 =	simm.s32 $0x4480  }
0x303: {  	[tilespmem:s28], [sflag:$0x1] =	stream.indirect_vreg.gather [hbm4b:s3+s2], $0x80, v3, vm0, $0xb8;
	[tilespmem:$0x1EC80] =	vst v63  }
0x304: {  	v3 =	vld [tilespmem:$0x400];
	_ =	sdelay $0x4  }
0x305: {  	v40 =	vshll.u32 v3, $0x1  }
0x306: {  	v3 =	vand.u32 $0x7, v3;
	v4 =	vand.u32 $0xFFFFFFF0, v40  }
0x307: {  	v3 =	vor.u32 v3, v4  }
0x308: {  	v4 =	vperm.xlane v3, v0;
	_ =	sdelay $0x1  }
0x309: {  	v3 =	vperm.xlane v3, v2;
	v4 =	vadd.s32 v1, v4;
	_ =	sdelay $0x1  }
0x30a: {  	v3 =	vadd.s32 v1, v3;
	_ =	sdelay $0x2  }
0x30b: {  	[tilespmem:s15], [sflag:$0x1] =	stream.indirect_vreg.gather [hbm4b:s3+s2], $0x80, v4, vm0, $0xb8;
	[tilespmem:$0x1EC80] =	vst v63  }
0x30c: {  	s5 =	simm.s32 $0x5480  }
0x30d: {  	[tilespmem:s5], [sflag:$0x1] =	stream.indirect_vreg.gather [hbm4b:s3+s2], $0x80, v3, vm0, $0xb8;
	[tilespmem:$0x1EC80] =	vst v63  }
0x30e: {  	v3 =	vld [tilespmem:$0x410];
	_ =	sdelay $0x4  }
0x30f: {  	v41 =	vshll.u32 v3, $0x1  }
0x310: {  	v3 =	vand.u32 $0x7, v3;
	v4 =	vand.u32 $0xFFFFFFF0, v41  }
0x311: {  	v3 =	vor.u32 v3, v4  }
0x312: {  	v4 =	vperm.xlane v3, v0;
	_ =	sdelay $0x1  }
0x313: {  	v3 =	vperm.xlane v3, v2;
	v4 =	vadd.s32 v1, v4;
	_ =	sdelay $0x1  }
0x314: {  	v3 =	vadd.s32 v1, v3;
	_ =	sdelay $0x2  }
0x315: {  	[tilespmem:s16], [sflag:$0x1] =	stream.indirect_vreg.gather [hbm4b:s3+s2], $0x80, v4, vm0, $0xb8;
	[tilespmem:$0x1EC80] =	vst v63  }
0x316: {  	s15 =	simm.s32 $0x6480  }
0x317: {  	[tilespmem:s15], [sflag:$0x1] =	stream.indirect_vreg.gather [hbm4b:s3+s2], $0x80, v3, vm0, $0xb8;
	[tilespmem:$0x1EC80] =	vst v63  }
0x318: {  	v3 =	vld [tilespmem:$0x420];
	_ =	sdelay $0x4  }
0x319: {  	v42 =	vshll.u32 v3, $0x1  }
0x31a: {  	v3 =	vand.u32 $0x7, v3;
	v4 =	vand.u32 $0xFFFFFFF0, v42  }
0x31b: {  	v3 =	vor.u32 v3, v4  }
0x31c: {  	v4 =	vperm.xlane v3, v0;
	_ =	sdelay $0x1  }
0x31d: {  	v3 =	vperm.xlane v3, v2;
	v4 =	vadd.s32 v1, v4;
	_ =	sdelay $0x1  }
0x31e: {  	v3 =	vadd.s32 v1, v3;
	_ =	sdelay $0x2  }
0x31f: {  	[tilespmem:s17], [sflag:$0x1] =	stream.indirect_vreg.gather [hbm4b:s3+s2], $0x80, v4, vm0, $0xb8;
	[tilespmem:$0x1EC80] =	vst v63  }
0x320: {  	_ = 	snop  }
0x321: {  	[tilespmem:s31], [sflag:$0x1] =	stream.indirect_vreg.gather [hbm4b:s3+s2], $0x80, v3, vm0, $0xb8;
	[tilespmem:$0x1EC80] =	vst v63  }
0x322: {  	v3 =	vld [tilespmem:$0x430];
	_ =	sdelay $0x4  }
0x323: {  	v43 =	vshll.u32 v3, $0x1  }
0x324: {  	v3 =	vand.u32 $0x7, v3;
	v4 =	vand.u32 $0xFFFFFFF0, v43  }
0x325: {  	v3 =	vor.u32 v3, v4  }
0x326: {  	v4 =	vperm.xlane v3, v0;
	_ =	sdelay $0x1  }
0x327: {  	v3 =	vperm.xlane v3, v2;
	v4 =	vadd.s32 v1, v4;
	_ =	sdelay $0x1  }
0x328: {  	v3 =	vadd.s32 v1, v3;
	_ =	sdelay $0x2  }
0x329: {  	[tilespmem:s18], [sflag:$0x1] =	stream.indirect_vreg.gather [hbm4b:s3+s2], $0x80, v4, vm0, $0xb8;
	[tilespmem:$0x1EC80] =	vst v63  }
0x32a: {  	_ = 	snop  }
0x32b: {  	[tilespmem:s14], [sflag:$0x1] =	stream.indirect_vreg.gather [hbm4b:s3+s2], $0x80, v3, vm0, $0xb8;
	[tilespmem:$0x1EC80] =	vst v63  }
0x32c: {  	v3 =	vld [tilespmem:$0x440];
	_ =	sdelay $0x4  }
0x32d: {  	v44 =	vshll.u32 v3, $0x1  }
0x32e: {  	v3 =	vand.u32 $0x7, v3;
	v4 =	vand.u32 $0xFFFFFFF0, v44  }
0x32f: {  	v3 =	vor.u32 v3, v4  }
0x330: {  	v4 =	vperm.xlane v3, v0;
	_ =	sdelay $0x1  }
0x331: {  	v3 =	vperm.xlane v3, v2;
	v4 =	vadd.s32 v1, v4;
	_ =	sdelay $0x1  }
0x332: {  	v3 =	vadd.s32 v1, v3;
	_ =	sdelay $0x2  }
0x333: {  	[tilespmem:s29], [sflag:$0x1] =	stream.indirect_vreg.gather [hbm4b:s3+s2], $0x80, v4, vm0, $0xb8;
	[tilespmem:$0x1EC80] =	vst v63  }
0x334: {  	_ = 	snop  }
0x335: {  	[tilespmem:s26], [sflag:$0x1] =	stream.indirect_vreg.gather [hbm4b:s3+s2], $0x80, v3, vm0, $0xb8;
	[tilespmem:$0x1EC80] =	vst v63  }
0x336: {  	v3 =	vld [tilespmem:$0x450];
	_ =	sdelay $0x4  }
0x337: {  	v45 =	vshll.u32 v3, $0x1  }
0x338: {  	v3 =	vand.u32 $0x7, v3;
	v4 =	vand.u32 $0xFFFFFFF0, v45  }
0x339: {  	v3 =	vor.u32 v3, v4  }
0x33a: {  	v4 =	vperm.xlane v3, v0;
	_ =	sdelay $0x1  }
0x33b: {  	v3 =	vperm.xlane v3, v2;
	v4 =	vadd.s32 v1, v4;
	_ =	sdelay $0x1  }
0x33c: {  	v3 =	vadd.s32 v1, v3;
	_ =	sdelay $0x2  }
0x33d: {  	[tilespmem:s30], [sflag:$0x1] =	stream.indirect_vreg.gather [hbm4b:s3+s2], $0x80, v4, vm0, $0xb8;
	[tilespmem:$0x1EC80] =	vst v63  }
0x33e: {  	s28 =	simm.s32 $0xA480  }
0x33f: {  	[tilespmem:s28], [sflag:$0x1] =	stream.indirect_vreg.gather [hbm4b:s3+s2], $0x80, v3, vm0, $0xb8;
	[tilespmem:$0x1EC80] =	vst v63  }
0x340: {  	_ =	swait.ge [sflag:s25], $0xA000  }
0x341: {  	[sflag:s25] =	ssyncset.done $0x0  }
0x342: {  	s4 =	simm.s32 $0x14C80;
	s29 =	rddreg [dreg:$0x9];
	[sflag:s25] =	ssyncadd.s32 $0xFFFF6000  }
0x343: {  	[hbm4b:s29+s2] =	stream.linear.scatter [tilespmem:s4], [sflag:$0x6], $0xA000, $0x38;
	[tilespmem:$0x1EC80] =	vst v63  }
0x344: {  	_ =	swait.ge [sflag:s24], $0xA000  }
0x345: {  	[sflag:s24] =	ssyncset.done $0x0  }
0x346: {  	[sflag:s24] =	ssyncadd.s32 $0xFFFF6000  }
0x347: {  	v3 =	vld [tilespmem:$0x460];
	_ =	sdelay $0x4  }
0x348: {  	v46 =	vshll.u32 v3, $0x1  }
0x349: {  	v3 =	vand.u32 $0x7, v3;
	v4 =	vand.u32 $0xFFFFFFF0, v46  }
0x34a: {  	v3 =	vor.u32 v3, v4  }
0x34b: {  	v4 =	vperm.xlane v3, v0;
	_ =	sdelay $0x1  }
0x34c: {  	v3 =	vperm.xlane v3, v2;
	v4 =	vadd.s32 v1, v4;
	_ =	sdelay $0x1  }
0x34d: {  	v3 =	vadd.s32 v1, v3;
	_ =	sdelay $0x1  }
0x34e: {  	s0 =	simm.s32 $0xAC80  }
0x34f: {  	[tilespmem:s0], [sflag:$0x2] =	stream.indirect_vreg.gather [hbm4b:s3+s2], $0x80, v4, vm0, $0xb8;
	[tilespmem:$0x1EC80] =	vst v63  }
0x350: {  	s30 =	simm.s32 $0xB480  }
0x351: {  	[tilespmem:s30], [sflag:$0x2] =	stream.indirect_vreg.gather [hbm4b:s3+s2], $0x80, v3, vm0, $0xb8;
	[tilespmem:$0x1EC80] =	vst v63  }
0x352: {  	v3 =	vld [tilespmem:$0x470];
	_ =	sdelay $0x4  }
0x353: {  	v47 =	vshll.u32 v3, $0x1  }
0x354: {  	v3 =	vand.u32 $0x7, v3;
	v4 =	vand.u32 $0xFFFFFFF0, v47  }
0x355: {  	v3 =	vor.u32 v3, v4  }
0x356: {  	v4 =	vperm.xlane v3, v0;
	_ =	sdelay $0x1  }
0x357: {  	v3 =	vperm.xlane v3, v2;
	v4 =	vadd.s32 v1, v4;
	_ =	sdelay $0x1  }
0x358: {  	v3 =	vadd.s32 v1, v3;
	_ =	sdelay $0x1  }
0x359: {  	s31 =	simm.s32 $0xBC80  }
0x35a: {  	[tilespmem:s31], [sflag:$0x2] =	stream.indirect_vreg.gather [hbm4b:s3+s2], $0x80, v4, vm0, $0xb8;
	[tilespmem:$0x1EC80] =	vst v63  }
0x35b: {  	s4 =	simm.s32 $0xC480  }
0x35c: {  	[tilespmem:s4], [sflag:$0x2] =	stream.indirect_vreg.gather [hbm4b:s3+s2], $0x80, v3, vm0, $0xb8;
	[tilespmem:$0x1EC80] =	vst v63  }
0x35d: {  	v3 =	vld [tilespmem:$0x480];
	_ =	sdelay $0x4  }
0x35e: {  	v48 =	vshll.u32 v3, $0x1  }
0x35f: {  	v3 =	vand.u32 $0x7, v3;
	v4 =	vand.u32 $0xFFFFFFF0, v48  }
0x360: {  	v3 =	vor.u32 v3, v4  }
0x361: {  	v4 =	vperm.xlane v3, v0;
	_ =	sdelay $0x1  }
0x362: {  	v3 =	vperm.xlane v3, v2;
	v4 =	vadd.s32 v1, v4;
	_ =	sdelay $0x1  }
0x363: {  	v3 =	vadd.s32 v1, v3;
	_ =	sdelay $0x1  }
0x364: {  	s17 =	simm.s32 $0xCC80  }
0x365: {  	[tilespmem:s17], [sflag:$0x2] =	stream.indirect_vreg.gather [hbm4b:s3+s2], $0x80, v4, vm0, $0xb8;
	[tilespmem:$0x1EC80] =	vst v63  }
0x366: {  	s18 =	simm.s32 $0xD480  }
0x367: {  	[tilespmem:s18], [sflag:$0x2] =	stream.indirect_vreg.gather [hbm4b:s3+s2], $0x80, v3, vm0, $0xb8;
	[tilespmem:$0x1EC80] =	vst v63  }
0x368: {  	v3 =	vld [tilespmem:$0x490];
	_ =	sdelay $0x4  }
0x369: {  	v49 =	vshll.u32 v3, $0x1  }
0x36a: {  	v3 =	vand.u32 $0x7, v3;
	v4 =	vand.u32 $0xFFFFFFF0, v49  }
0x36b: {  	v3 =	vor.u32 v3, v4  }
0x36c: {  	v4 =	vperm.xlane v3, v0;
	_ =	sdelay $0x1  }
0x36d: {  	v3 =	vperm.xlane v3, v2;
	v4 =	vadd.s32 v1, v4;
	_ =	sdelay $0x1  }
0x36e: {  	v3 =	vadd.s32 v1, v3;
	_ =	sdelay $0x2  }
0x36f: {  	[tilespmem:s20], [sflag:$0x2] =	stream.indirect_vreg.gather [hbm4b:s3+s2], $0x80, v4, vm0, $0xb8;
	[tilespmem:$0x1EC80] =	vst v63  }
0x370: {  	s20 =	simm.s32 $0xE480  }
0x371: {  	[tilespmem:s20], [sflag:$0x2] =	stream.indirect_vreg.gather [hbm4b:s3+s2], $0x80, v3, vm0, $0xb8;
	[tilespmem:$0x1EC80] =	vst v63  }
0x372: {  	v3 =	vld [tilespmem:$0x4A0];
	_ =	sdelay $0x4  }
0x373: {  	v50 =	vshll.u32 v3, $0x1  }
0x374: {  	v3 =	vand.u32 $0x7, v3;
	v4 =	vand.u32 $0xFFFFFFF0, v50  }
0x375: {  	v3 =	vor.u32 v3, v4  }
0x376: {  	v4 =	vperm.xlane v3, v0;
	_ =	sdelay $0x1  }
0x377: {  	v3 =	vperm.xlane v3, v2;
	v4 =	vadd.s32 v1, v4;
	_ =	sdelay $0x1  }
0x378: {  	v3 =	vadd.s32 v1, v3;
	_ =	sdelay $0x1  }
0x379: {  	s28 =	simm.s32 $0xEC80  }
0x37a: {  	[tilespmem:s28], [sflag:$0x2] =	stream.indirect_vreg.gather [hbm4b:s3+s2], $0x80, v4, vm0, $0xb8;
	[tilespmem:$0x1EC80] =	vst v63  }
0x37b: {  	s30 =	simm.s32 $0xF480  }
0x37c: {  	[tilespmem:s30], [sflag:$0x2] =	stream.indirect_vreg.gather [hbm4b:s3+s2], $0x80, v3, vm0, $0xb8;
	[tilespmem:$0x1EC80] =	vst v63  }
0x37d: {  	v3 =	vld [tilespmem:$0x4B0];
	_ =	sdelay $0x4  }
0x37e: {  	v51 =	vshll.u32 v3, $0x1  }
0x37f: {  	v3 =	vand.u32 $0x7, v3;
	v4 =	vand.u32 $0xFFFFFFF0, v51  }
0x380: {  	v3 =	vor.u32 v3, v4  }
0x381: {  	v4 =	vperm.xlane v3, v0;
	_ =	sdelay $0x1  }
0x382: {  	v3 =	vperm.xlane v3, v2;
	v4 =	vadd.s32 v1, v4;
	_ =	sdelay $0x1  }
0x383: {  	v3 =	vadd.s32 v1, v3;
	_ =	sdelay $0x1  }
0x384: {  	s31 =	simm.s32 $0xFC80  }
0x385: {  	[tilespmem:s31], [sflag:$0x2] =	stream.indirect_vreg.gather [hbm4b:s3+s2], $0x80, v4, vm0, $0xb8;
	[tilespmem:$0x1EC80] =	vst v63  }
0x386: {  	s4 =	simm.s32 $0x10480  }
0x387: {  	[tilespmem:s4], [sflag:$0x2] =	stream.indirect_vreg.gather [hbm4b:s3+s2], $0x80, v3, vm0, $0xb8;
	[tilespmem:$0x1EC80] =	vst v63  }
0x388: {  	v3 =	vld [tilespmem:$0x4C0];
	_ =	sdelay $0x4  }
0x389: {  	v52 =	vshll.u32 v3, $0x1  }
0x38a: {  	v3 =	vand.u32 $0x7, v3;
	v4 =	vand.u32 $0xFFFFFFF0, v52  }
0x38b: {  	v3 =	vor.u32 v3, v4  }
0x38c: {  	v4 =	vperm.xlane v3, v0;
	_ =	sdelay $0x1  }
0x38d: {  	v3 =	vperm.xlane v3, v2;
	v4 =	vadd.s32 v1, v4;
	_ =	sdelay $0x1  }
0x38e: {  	v3 =	vadd.s32 v1, v3;
	_ =	sdelay $0x2  }
0x38f: {  	[tilespmem:s8], [sflag:$0x2] =	stream.indirect_vreg.gather [hbm4b:s3+s2], $0x80, v4, vm0, $0xb8;
	[tilespmem:$0x1EC80] =	vst v63  }
0x390: {  	s8 =	simm.s32 $0x11480  }
0x391: {  	[tilespmem:s8], [sflag:$0x2] =	stream.indirect_vreg.gather [hbm4b:s3+s2], $0x80, v3, vm0, $0xb8;
	[tilespmem:$0x1EC80] =	vst v63  }
0x392: {  	v3 =	vld [tilespmem:$0x4D0];
	_ =	sdelay $0x4  }
0x393: {  	v53 =	vshll.u32 v3, $0x1  }
0x394: {  	v3 =	vand.u32 $0x7, v3;
	v4 =	vand.u32 $0xFFFFFFF0, v53  }
0x395: {  	v3 =	vor.u32 v3, v4  }
0x396: {  	v4 =	vperm.xlane v3, v0;
	_ =	sdelay $0x1  }
0x397: {  	v3 =	vperm.xlane v3, v2;
	v4 =	vadd.s32 v1, v4;
	_ =	sdelay $0x1  }
0x398: {  	v3 =	vadd.s32 v1, v3;
	_ =	sdelay $0x2  }
0x399: {  	[tilespmem:s9], [sflag:$0x2] =	stream.indirect_vreg.gather [hbm4b:s3+s2], $0x80, v4, vm0, $0xb8;
	[tilespmem:$0x1EC80] =	vst v63  }
0x39a: {  	_ = 	snop  }
0x39b: {  	[tilespmem:s12], [sflag:$0x2] =	stream.indirect_vreg.gather [hbm4b:s3+s2], $0x80, v3, vm0, $0xb8;
	[tilespmem:$0x1EC80] =	vst v63  }
0x39c: {  	v3 =	vld [tilespmem:$0x4E0];
	_ =	sdelay $0x4  }
0x39d: {  	v54 =	vshll.u32 v3, $0x1  }
0x39e: {  	v3 =	vand.u32 $0x7, v3;
	v4 =	vand.u32 $0xFFFFFFF0, v54  }
0x39f: {  	v3 =	vor.u32 v3, v4  }
0x3a0: {  	v4 =	vperm.xlane v3, v0;
	_ =	sdelay $0x1  }
0x3a1: {  	v3 =	vperm.xlane v3, v2;
	v4 =	vadd.s32 v1, v4;
	_ =	sdelay $0x1  }
0x3a2: {  	v3 =	vadd.s32 v1, v3;
	_ =	sdelay $0x2  }
0x3a3: {  	[tilespmem:s10], [sflag:$0x2] =	stream.indirect_vreg.gather [hbm4b:s3+s2], $0x80, v4, vm0, $0xb8;
	[tilespmem:$0x1EC80] =	vst v63  }
0x3a4: {  	_ = 	snop  }
0x3a5: {  	[tilespmem:s13], [sflag:$0x2] =	stream.indirect_vreg.gather [hbm4b:s3+s2], $0x80, v3, vm0, $0xb8;
	[tilespmem:$0x1EC80] =	vst v63  }
0x3a6: {  	v3 =	vld [tilespmem:$0x4F0];
	_ =	sdelay $0x4  }
0x3a7: {  	v55 =	vshll.u32 v3, $0x1  }
0x3a8: {  	v3 =	vand.u32 $0x7, v3;
	v4 =	vand.u32 $0xFFFFFFF0, v55  }
0x3a9: {  	v3 =	vor.u32 v3, v4  }
0x3aa: {  	v4 =	vperm.xlane v3, v0;
	_ =	sdelay $0x1  }
0x3ab: {  	v3 =	vperm.xlane v3, v2;
	v4 =	vadd.s32 v1, v4;
	_ =	sdelay $0x1  }
0x3ac: {  	v3 =	vadd.s32 v1, v3;
	_ =	sdelay $0x2  }
0x3ad: {  	[tilespmem:s11], [sflag:$0x2] =	stream.indirect_vreg.gather [hbm4b:s3+s2], $0x80, v4, vm0, $0xb8;
	[tilespmem:$0x1EC80] =	vst v63  }
0x3ae: {  	s9 =	simm.s32 $0x14480  }
0x3af: {  	[tilespmem:s9], [sflag:$0x2] =	stream.indirect_vreg.gather [hbm4b:s3+s2], $0x80, v3, vm0, $0xb8;
	[tilespmem:$0x1EC80] =	vst v63  }
0x3b0: {  	_ =	swait.ge [sflag:s19], $0xA000  }
0x3b1: {  	[sflag:s19] =	ssyncset.done $0x0  }
0x3b2: {  	s1 =	simm.s32 $0xC80;
	s10 =	rddreg [dreg:$0xa];
	[sflag:s19] =	ssyncadd.s32 $0xFFFF6000  }
0x3b3: {  	[hbm4b:s10+s2] =	stream.linear.scatter [tilespmem:s1], [sflag:$0x4], $0xA000, $0x38;
	[tilespmem:$0x1EC80] =	vst v63  }
0x3b4: {  	_ =	swait.ge [sflag:s23], $0xA000  }
0x3b5: {  	[sflag:s23] =	ssyncset.done $0x0  }
0x3b6: {  	[sflag:s23] =	ssyncadd.s32 $0xFFFF6000  }
0x3b7: {  	v3 =	vld [tilespmem:$0x500];
	_ =	sdelay $0x4  }
0x3b8: {  	v56 =	vshll.u32 v3, $0x1  }
0x3b9: {  	v3 =	vand.u32 $0x7, v3;
	v4 =	vand.u32 $0xFFFFFFF0, v56  }
0x3ba: {  	v3 =	vor.u32 v3, v4  }
0x3bb: {  	v4 =	vperm.xlane v3, v0;
	_ =	sdelay $0x1  }
0x3bc: {  	v3 =	vperm.xlane v3, v2;
	v4 =	vadd.s32 v1, v4;
	_ =	sdelay $0x1  }
0x3bd: {  	v3 =	vadd.s32 v1, v3;
	_ =	sdelay $0x1  }
0x3be: {  	s16 =	simm.s32 $0x14C80  }
0x3bf: {  	[tilespmem:s16], [sflag:$0x3] =	stream.indirect_vreg.gather [hbm4b:s3+s2], $0x80, v4, vm0, $0xb8;
	[tilespmem:$0x1EC80] =	vst v63  }
0x3c0: {  	_ = 	snop  }
0x3c1: {  	[tilespmem:s7], [sflag:$0x3] =	stream.indirect_vreg.gather [hbm4b:s3+s2], $0x80, v3, vm0, $0xb8;
	[tilespmem:$0x1EC80] =	vst v63  }
0x3c2: {  	v3 =	vld [tilespmem:$0x510];
	_ =	sdelay $0x4  }
0x3c3: {  	v57 =	vshll.u32 v3, $0x1  }
0x3c4: {  	v3 =	vand.u32 $0x7, v3;
	v4 =	vand.u32 $0xFFFFFFF0, v57  }
0x3c5: {  	v3 =	vor.u32 v3, v4  }
0x3c6: {  	v4 =	vperm.xlane v3, v0;
	_ =	sdelay $0x1  }
0x3c7: {  	v3 =	vperm.xlane v3, v2;
	v4 =	vadd.s32 v1, v4;
	_ =	sdelay $0x1  }
0x3c8: {  	v3 =	vadd.s32 v1, v3;
	_ =	sdelay $0x1  }
0x3c9: {  	s11 =	simm.s32 $0x15C80  }
0x3ca: {  	[tilespmem:s11], [sflag:$0x3] =	stream.indirect_vreg.gather [hbm4b:s3+s2], $0x80, v4, vm0, $0xb8;
	[tilespmem:$0x1EC80] =	vst v63  }
0x3cb: {  	s28 =	simm.s32 $0x16480  }
0x3cc: {  	[tilespmem:s28], [sflag:$0x3] =	stream.indirect_vreg.gather [hbm4b:s3+s2], $0x80, v3, vm0, $0xb8;
	[tilespmem:$0x1EC80] =	vst v63  }
0x3cd: {  	v3 =	vld [tilespmem:$0x520];
	_ =	sdelay $0x4  }
0x3ce: {  	v58 =	vshll.u32 v3, $0x1  }
0x3cf: {  	v3 =	vand.u32 $0x7, v3;
	v4 =	vand.u32 $0xFFFFFFF0, v58  }
0x3d0: {  	v3 =	vor.u32 v3, v4  }
0x3d1: {  	v4 =	vperm.xlane v3, v0;
	_ =	sdelay $0x1  }
0x3d2: {  	v3 =	vperm.xlane v3, v2;
	v4 =	vadd.s32 v1, v4;
	_ =	sdelay $0x1  }
0x3d3: {  	v3 =	vadd.s32 v1, v3;
	_ =	sdelay $0x1  }
0x3d4: {  	s1 =	simm.s32 $0x16C80  }
0x3d5: {  	[tilespmem:s1], [sflag:$0x3] =	stream.indirect_vreg.gather [hbm4b:s3+s2], $0x80, v4, vm0, $0xb8;
	[tilespmem:$0x1EC80] =	vst v63  }
0x3d6: {  	s4 =	simm.s32 $0x17480  }
0x3d7: {  	[tilespmem:s4], [sflag:$0x3] =	stream.indirect_vreg.gather [hbm4b:s3+s2], $0x80, v3, vm0, $0xb8;
	[tilespmem:$0x1EC80] =	vst v63  }
0x3d8: {  	v3 =	vld [tilespmem:$0x530];
	_ =	sdelay $0x4  }
0x3d9: {  	v59 =	vshll.u32 v3, $0x1  }
0x3da: {  	v3 =	vand.u32 $0x7, v3;
	v4 =	vand.u32 $0xFFFFFFF0, v59  }
0x3db: {  	v3 =	vor.u32 v3, v4  }
0x3dc: {  	v4 =	vperm.xlane v3, v0;
	_ =	sdelay $0x1  }
0x3dd: {  	v3 =	vperm.xlane v3, v2;
	v4 =	vadd.s32 v1, v4;
	_ =	sdelay $0x1  }
0x3de: {  	v3 =	vadd.s32 v1, v3;
	_ =	sdelay $0x1  }
0x3df: {  	s7 =	simm.s32 $0x17C80  }
0x3e0: {  	[tilespmem:s7], [sflag:$0x3] =	stream.indirect_vreg.gather [hbm4b:s3+s2], $0x80, v4, vm0, $0xb8;
	[tilespmem:$0x1EC80] =	vst v63  }
0x3e1: {  	s8 =	simm.s32 $0x18480  }
0x3e2: {  	[tilespmem:s8], [sflag:$0x3] =	stream.indirect_vreg.gather [hbm4b:s3+s2], $0x80, v3, vm0, $0xb8;
	[tilespmem:$0x1EC80] =	vst v63  }
0x3e3: {  	v3 =	vld [tilespmem:$0x540];
	_ =	sdelay $0x4  }
0x3e4: {  	v60 =	vshll.u32 v3, $0x1  }
0x3e5: {  	v3 =	vand.u32 $0x7, v3;
	v4 =	vand.u32 $0xFFFFFFF0, v60  }
0x3e6: {  	v3 =	vor.u32 v3, v4  }
0x3e7: {  	v4 =	vperm.xlane v3, v0;
	_ =	sdelay $0x1  }
0x3e8: {  	v3 =	vperm.xlane v3, v2;
	v4 =	vadd.s32 v1, v4;
	_ =	sdelay $0x1  }
0x3e9: {  	v3 =	vadd.s32 v1, v3;
	_ =	sdelay $0x1  }
0x3ea: {  	s9 =	simm.s32 $0x18C80  }
0x3eb: {  	[tilespmem:s9], [sflag:$0x3] =	stream.indirect_vreg.gather [hbm4b:s3+s2], $0x80, v4, vm0, $0xb8;
	[tilespmem:$0x1EC80] =	vst v63  }
0x3ec: {  	s10 =	simm.s32 $0x19480  }
0x3ed: {  	[tilespmem:s10], [sflag:$0x3] =	stream.indirect_vreg.gather [hbm4b:s3+s2], $0x80, v3, vm0, $0xb8;
	[tilespmem:$0x1EC80] =	vst v63  }
0x3ee: {  	v3 =	vld [tilespmem:$0x550];
	_ =	sdelay $0x4  }
0x3ef: {  	v61 =	vshll.u32 v3, $0x1  }
0x3f0: {  	v3 =	vand.u32 $0x7, v3;
	v4 =	vand.u32 $0xFFFFFFF0, v61  }
0x3f1: {  	v3 =	vor.u32 v3, v4  }
0x3f2: {  	v4 =	vperm.xlane v3, v0;
	_ =	sdelay $0x1  }
0x3f3: {  	v3 =	vperm.xlane v3, v2;
	v4 =	vadd.s32 v1, v4;
	_ =	sdelay $0x1  }
0x3f4: {  	v3 =	vadd.s32 v1, v3;
	_ =	sdelay $0x1  }
0x3f5: {  	s11 =	simm.s32 $0x19C80  }
0x3f6: {  	[tilespmem:s11], [sflag:$0x3] =	stream.indirect_vreg.gather [hbm4b:s3+s2], $0x80, v4, vm0, $0xb8;
	[tilespmem:$0x1EC80] =	vst v63  }
0x3f7: {  	s28 =	simm.s32 $0x1A480  }
0x3f8: {  	[tilespmem:s28], [sflag:$0x3] =	stream.indirect_vreg.gather [hbm4b:s3+s2], $0x80, v3, vm0, $0xb8;
	[tilespmem:$0x1EC80] =	vst v63  }
0x3f9: {  	v3 =	vld [tilespmem:$0x560];
	_ =	sdelay $0x4  }
0x3fa: {  	v62 =	vshll.u32 v3, $0x1  }
0x3fb: {  	v3 =	vand.u32 $0x7, v3;
	v4 =	vand.u32 $0xFFFFFFF0, v62  }
0x3fc: {  	v3 =	vor.u32 v3, v4  }
0x3fd: {  	v4 =	vperm.xlane v3, v0;
	_ =	sdelay $0x1  }
0x3fe: {  	v3 =	vperm.xlane v3, v2;
	v4 =	vadd.s32 v1, v4;
	_ =	sdelay $0x1  }
0x3ff: {  	v3 =	vadd.s32 v1, v3;
	_ =	sdelay $0x1  }
0x400: {  	s1 =	simm.s32 $0x1AC80  }
0x401: {  	[tilespmem:s1], [sflag:$0x3] =	stream.indirect_vreg.gather [hbm4b:s3+s2], $0x80, v4, vm0, $0xb8;
	[tilespmem:$0x1EC80] =	vst v63  }
0x402: {  	s4 =	simm.s32 $0x1B480  }
0x403: {  	[tilespmem:s4], [sflag:$0x3] =	stream.indirect_vreg.gather [hbm4b:s3+s2], $0x80, v3, vm0, $0xb8;
	[tilespmem:$0x1EC80] =	vst v63  }
0x404: {  	v3 =	vld [tilespmem:$0x570];
	_ =	sdelay $0x4  }
0x405: {  	v63 =	vshll.u32 v3, $0x1  }
0x406: {  	v3 =	vand.u32 $0x7, v3;
	v4 =	vand.u32 $0xFFFFFFF0, v63  }
0x407: {  	v3 =	vor.u32 v3, v4  }
0x408: {  	v4 =	vperm.xlane v3, v0;
	_ =	sdelay $0x1  }
0x409: {  	v3 =	vperm.xlane v3, v2;
	v4 =	vadd.s32 v1, v4;
	_ =	sdelay $0x1  }
0x40a: {  	v3 =	vadd.s32 v1, v3;
	_ =	sdelay $0x1  }
0x40b: {  	s7 =	simm.s32 $0x1BC80  }
0x40c: {  	[tilespmem:s7], [sflag:$0x3] =	stream.indirect_vreg.gather [hbm4b:s3+s2], $0x80, v4, vm0, $0xb8;
	[tilespmem:$0x1EC80] =	vst v63  }
0x40d: {  	s8 =	simm.s32 $0x1C480  }
0x40e: {  	[tilespmem:s8], [sflag:$0x3] =	stream.indirect_vreg.gather [hbm4b:s3+s2], $0x80, v3, vm0, $0xb8;
	[tilespmem:$0x1EC80] =	vst v63  }
0x40f: {  	v3 =	vld [tilespmem:$0x580];
	_ =	sdelay $0x4  }
0x410: {  	v8 =	vshll.u32 v3, $0x1  }
0x411: {  	v3 =	vand.u32 $0x7, v3;
	v4 =	vand.u32 $0xFFFFFFF0, v8  }
0x412: {  	v3 =	vor.u32 v3, v4  }
0x413: {  	v4 =	vperm.xlane v3, v0;
	_ =	sdelay $0x1  }
0x414: {  	v3 =	vperm.xlane v3, v2;
	v4 =	vadd.s32 v1, v4;
	_ =	sdelay $0x1  }
0x415: {  	v3 =	vadd.s32 v1, v3;
	_ =	sdelay $0x1  }
0x416: {  	s9 =	simm.s32 $0x1CC80  }
0x417: {  	[tilespmem:s9], [sflag:$0x3] =	stream.indirect_vreg.gather [hbm4b:s3+s2], $0x80, v4, vm0, $0xb8;
	[tilespmem:$0x1EC80] =	vst v63  }
0x418: {  	s10 =	simm.s32 $0x1D480  }
0x419: {  	[tilespmem:s10], [sflag:$0x3] =	stream.indirect_vreg.gather [hbm4b:s3+s2], $0x80, v3, vm0, $0xb8;
	[tilespmem:$0x1EC80] =	vst v63  }
0x41a: {  	v3 =	vld [tilespmem:$0x590];
	_ =	sdelay $0x4  }
0x41b: {  	v9 =	vshll.u32 v3, $0x1  }
0x41c: {  	v3 =	vand.u32 $0x7, v3;
	v4 =	vand.u32 $0xFFFFFFF0, v9  }
0x41d: {  	v3 =	vor.u32 v3, v4  }
0x41e: {  	v4 =	vperm.xlane v3, v0;
	_ =	sdelay $0x1  }
0x41f: {  	v3 =	vperm.xlane v3, v2;
	v4 =	vadd.s32 v1, v4;
	_ =	sdelay $0x1  }
0x420: {  	v3 =	vadd.s32 v1, v3;
	_ =	sdelay $0x1  }
0x421: {  	s11 =	simm.s32 $0x1DC80  }
0x422: {  	[tilespmem:s11], [sflag:$0x3] =	stream.indirect_vreg.gather [hbm4b:s3+s2], $0x80, v4, vm0, $0xb8;
	[tilespmem:$0x1EC80] =	vst v63  }
0x423: {  	s28 =	simm.s32 $0x1E480  }
0x424: {  	[tilespmem:s28], [sflag:$0x3] =	stream.indirect_vreg.gather [hbm4b:s3+s2], $0x80, v3, vm0, $0xb8;
	[tilespmem:$0x1EC80] =	vst v63  }
0x425: {  	_ =	swait.ge [sflag:s21], $0xA000  }
0x426: {  	[sflag:s21] =	ssyncset.done $0x0  }
0x427: {  	s14 =	simm.s32 $0xAC80;
	s1 =	rddreg [dreg:$0xb];
	[sflag:s21] =	ssyncadd.s32 $0xFFFF6000  }
0x428: {  	[hbm4b:s1+s2] =	stream.linear.scatter [tilespmem:s14], [sflag:$0x5], $0xA000, $0x38;
	[tilespmem:$0x1EC80] =	vst v63  }
0x429: {  	_ =	swait.ge [sflag:s22], $0xA000  }
0x42a: {  	[sflag:s22] =	ssyncset.done $0x0  }
0x42b: {  	[sflag:s22] =	ssyncadd.s32 $0xFFFF6000  }
0x42c: {  	v3 =	vld [tilespmem:$0x5A0];
	_ =	sdelay $0x4  }
0x42d: {  	v10 =	vshll.u32 v3, $0x1  }
0x42e: {  	v3 =	vand.u32 $0x7, v3;
	v4 =	vand.u32 $0xFFFFFFF0, v10  }
0x42f: {  	v3 =	vor.u32 v3, v4  }
0x430: {  	v4 =	vperm.xlane v3, v0;
	_ =	sdelay $0x1  }
0x431: {  	v3 =	vperm.xlane v3, v2;
	v4 =	vadd.s32 v1, v4;
	_ =	sdelay $0x1  }
0x432: {  	v3 =	vadd.s32 v1, v3;
	_ =	sdelay $0x1  }
0x433: {  	s12 =	simm.s32 $0xC80  }
0x434: {  	[tilespmem:s12], [sflag:$0x1] =	stream.indirect_vreg.gather [hbm4b:s3+s2], $0x80, v4, vm0, $0xb8;
	[tilespmem:$0x1EC80] =	vst v63  }
0x435: {  	s4 =	simm.s32 $0x1480  }
0x436: {  	[tilespmem:s4], [sflag:$0x1] =	stream.indirect_vreg.gather [hbm4b:s3+s2], $0x80, v3, vm0, $0xb8;
	[tilespmem:$0x1EC80] =	vst v63  }
0x437: {  	v3 =	vld [tilespmem:$0x5B0];
	_ =	sdelay $0x4  }
0x438: {  	v11 =	vshll.u32 v3, $0x1  }
0x439: {  	v3 =	vand.u32 $0x7, v3;
	v4 =	vand.u32 $0xFFFFFFF0, v11  }
0x43a: {  	v3 =	vor.u32 v3, v4  }
0x43b: {  	v4 =	vperm.xlane v3, v0;
	_ =	sdelay $0x1  }
0x43c: {  	v3 =	vperm.xlane v3, v2;
	v4 =	vadd.s32 v1, v4;
	_ =	sdelay $0x1  }
0x43d: {  	v3 =	vadd.s32 v1, v3;
	_ =	sdelay $0x2  }
0x43e: {  	[tilespmem:s6], [sflag:$0x1] =	stream.indirect_vreg.gather [hbm4b:s3+s2], $0x80, v4, vm0, $0xb8;
	[tilespmem:$0x1EC80] =	vst v63  }
0x43f: {  	s7 =	simm.s32 $0x2480  }
0x440: {  	[tilespmem:s7], [sflag:$0x1] =	stream.indirect_vreg.gather [hbm4b:s3+s2], $0x80, v3, vm0, $0xb8;
	[tilespmem:$0x1EC80] =	vst v63  }
0x441: {  	v3 =	vld [tilespmem:$0x5C0];
	_ =	sdelay $0x4  }
0x442: {  	v12 =	vshll.u32 v3, $0x1  }
0x443: {  	v3 =	vand.u32 $0x7, v3;
	v4 =	vand.u32 $0xFFFFFFF0, v12  }
0x444: {  	v3 =	vor.u32 v3, v4  }
0x445: {  	v4 =	vperm.xlane v3, v0;
	_ =	sdelay $0x1  }
0x446: {  	v3 =	vperm.xlane v3, v2;
	v4 =	vadd.s32 v1, v4;
	_ =	sdelay $0x1  }
0x447: {  	v3 =	vadd.s32 v1, v3;
	_ =	sdelay $0x1  }
0x448: {  	s8 =	simm.s32 $0x2C80  }
0x449: {  	[tilespmem:s8], [sflag:$0x1] =	stream.indirect_vreg.gather [hbm4b:s3+s2], $0x80, v4, vm0, $0xb8;
	[tilespmem:$0x1EC80] =	vst v63  }
0x44a: {  	s9 =	simm.s32 $0x3480  }
0x44b: {  	[tilespmem:s9], [sflag:$0x1] =	stream.indirect_vreg.gather [hbm4b:s3+s2], $0x80, v3, vm0, $0xb8;
	[tilespmem:$0x1EC80] =	vst v63  }
0x44c: {  	v3 =	vld [tilespmem:$0x5D0];
	_ =	sdelay $0x4  }
0x44d: {  	v13 =	vshll.u32 v3, $0x1  }
0x44e: {  	v3 =	vand.u32 $0x7, v3;
	v4 =	vand.u32 $0xFFFFFFF0, v13  }
0x44f: {  	v3 =	vor.u32 v3, v4  }
0x450: {  	v4 =	vperm.xlane v3, v0;
	_ =	sdelay $0x1  }
0x451: {  	v3 =	vperm.xlane v3, v2;
	v4 =	vadd.s32 v1, v4;
	_ =	sdelay $0x1  }
0x452: {  	v3 =	vadd.s32 v1, v3;
	_ =	sdelay $0x1  }
0x453: {  	s10 =	simm.s32 $0x3C80  }
0x454: {  	[tilespmem:s10], [sflag:$0x1] =	stream.indirect_vreg.gather [hbm4b:s3+s2], $0x80, v4, vm0, $0xb8;
	[tilespmem:$0x1EC80] =	vst v63  }
0x455: {  	s11 =	simm.s32 $0x4480  }
0x456: {  	[tilespmem:s11], [sflag:$0x1] =	stream.indirect_vreg.gather [hbm4b:s3+s2], $0x80, v3, vm0, $0xb8;
	[tilespmem:$0x1EC80] =	vst v63  }
0x457: {  	v3 =	vld [tilespmem:$0x5E0];
	_ =	sdelay $0x4  }
0x458: {  	v14 =	vshll.u32 v3, $0x1  }
0x459: {  	v3 =	vand.u32 $0x7, v3;
	v4 =	vand.u32 $0xFFFFFFF0, v14  }
0x45a: {  	v3 =	vor.u32 v3, v4  }
0x45b: {  	v4 =	vperm.xlane v3, v0;
	_ =	sdelay $0x1  }
0x45c: {  	v3 =	vperm.xlane v3, v2;
	v4 =	vadd.s32 v1, v4;
	_ =	sdelay $0x1  }
0x45d: {  	v3 =	vadd.s32 v1, v3;
	_ =	sdelay $0x1  }
0x45e: {  	s0 =	simm.s32 $0x4C80  }
0x45f: {  	[tilespmem:s0], [sflag:$0x1] =	stream.indirect_vreg.gather [hbm4b:s3+s2], $0x80, v4, vm0, $0xb8;
	[tilespmem:$0x1EC80] =	vst v63  }
0x460: {  	_ = 	snop  }
0x461: {  	[tilespmem:s5], [sflag:$0x1] =	stream.indirect_vreg.gather [hbm4b:s3+s2], $0x80, v3, vm0, $0xb8;
	[tilespmem:$0x1EC80] =	vst v63  }
0x462: {  	v3 =	vld [tilespmem:$0x5F0];
	_ =	sdelay $0x4  }
0x463: {  	v15 =	vshll.u32 v3, $0x1  }
0x464: {  	v3 =	vand.u32 $0x7, v3;
	v4 =	vand.u32 $0xFFFFFFF0, v15  }
0x465: {  	v3 =	vor.u32 v3, v4  }
0x466: {  	v4 =	vperm.xlane v3, v0;
	_ =	sdelay $0x1  }
0x467: {  	v3 =	vperm.xlane v3, v2;
	v4 =	vadd.s32 v1, v4;
	_ =	sdelay $0x1  }
0x468: {  	v3 =	vadd.s32 v1, v3;
	_ =	sdelay $0x1  }
0x469: {  	s5 =	simm.s32 $0x5C80  }
0x46a: {  	[tilespmem:s5], [sflag:$0x1] =	stream.indirect_vreg.gather [hbm4b:s3+s2], $0x80, v4, vm0, $0xb8;
	[tilespmem:$0x1EC80] =	vst v63  }
0x46b: {  	_ = 	snop  }
0x46c: {  	[tilespmem:s15], [sflag:$0x1] =	stream.indirect_vreg.gather [hbm4b:s3+s2], $0x80, v3, vm0, $0xb8;
	[tilespmem:$0x1EC80] =	vst v63  }
0x46d: {  	v3 =	vld [tilespmem:$0x600];
	_ =	sdelay $0x4  }
0x46e: {  	v16 =	vshll.u32 v3, $0x1  }
0x46f: {  	v3 =	vand.u32 $0x7, v3;
	v4 =	vand.u32 $0xFFFFFFF0, v16  }
0x470: {  	v3 =	vor.u32 v3, v4  }
0x471: {  	v4 =	vperm.xlane v3, v0;
	_ =	sdelay $0x1  }
0x472: {  	v3 =	vperm.xlane v3, v2;
	v4 =	vadd.s32 v1, v4;
	_ =	sdelay $0x1  }
0x473: {  	v3 =	vadd.s32 v1, v3;
	_ =	sdelay $0x1  }
0x474: {  	s1 =	simm.s32 $0x6C80  }
0x475: {  	[tilespmem:s1], [sflag:$0x1] =	stream.indirect_vreg.gather [hbm4b:s3+s2], $0x80, v4, vm0, $0xb8;
	[tilespmem:$0x1EC80] =	vst v63  }
0x476: {  	s8 =	simm.s32 $0x7480  }
0x477: {  	[tilespmem:s8], [sflag:$0x1] =	stream.indirect_vreg.gather [hbm4b:s3+s2], $0x80, v3, vm0, $0xb8;
	[tilespmem:$0x1EC80] =	vst v63  }
0x478: {  	v3 =	vld [tilespmem:$0x610];
	_ =	sdelay $0x4  }
0x479: {  	v17 =	vshll.u32 v3, $0x1  }
0x47a: {  	v3 =	vand.u32 $0x7, v3;
	v4 =	vand.u32 $0xFFFFFFF0, v17  }
0x47b: {  	v3 =	vor.u32 v3, v4  }
0x47c: {  	v4 =	vperm.xlane v3, v0;
	_ =	sdelay $0x1  }
0x47d: {  	v3 =	vperm.xlane v3, v2;
	v4 =	vadd.s32 v1, v4;
	_ =	sdelay $0x1  }
0x47e: {  	v3 =	vadd.s32 v1, v3;
	_ =	sdelay $0x1  }
0x47f: {  	s4 =	simm.s32 $0x7C80  }
0x480: {  	[tilespmem:s4], [sflag:$0x1] =	stream.indirect_vreg.gather [hbm4b:s3+s2], $0x80, v4, vm0, $0xb8;
	[tilespmem:$0x1EC80] =	vst v63  }
0x481: {  	s9 =	simm.s32 $0x8480  }
0x482: {  	[tilespmem:s9], [sflag:$0x1] =	stream.indirect_vreg.gather [hbm4b:s3+s2], $0x80, v3, vm0, $0xb8;
	[tilespmem:$0x1EC80] =	vst v63  }
0x483: {  	v3 =	vld [tilespmem:$0x620];
	_ =	sdelay $0x4  }
0x484: {  	v18 =	vshll.u32 v3, $0x1  }
0x485: {  	v3 =	vand.u32 $0x7, v3;
	v4 =	vand.u32 $0xFFFFFFF0, v18  }
0x486: {  	v3 =	vor.u32 v3, v4  }
0x487: {  	v4 =	vperm.xlane v3, v0;
	_ =	sdelay $0x1  }
0x488: {  	v3 =	vperm.xlane v3, v2;
	v4 =	vadd.s32 v1, v4;
	_ =	sdelay $0x1  }
0x489: {  	v3 =	vadd.s32 v1, v3;
	_ =	sdelay $0x1  }
0x48a: {  	s6 =	simm.s32 $0x8C80  }
0x48b: {  	[tilespmem:s6], [sflag:$0x1] =	stream.indirect_vreg.gather [hbm4b:s3+s2], $0x80, v4, vm0, $0xb8;
	[tilespmem:$0x1EC80] =	vst v63  }
0x48c: {  	s10 =	simm.s32 $0x9480  }
0x48d: {  	[tilespmem:s10], [sflag:$0x1] =	stream.indirect_vreg.gather [hbm4b:s3+s2], $0x80, v3, vm0, $0xb8;
	[tilespmem:$0x1EC80] =	vst v63  }
0x48e: {  	v3 =	vld [tilespmem:$0x630];
	_ =	sdelay $0x4  }
0x48f: {  	v19 =	vshll.u32 v3, $0x1  }
0x490: {  	v3 =	vand.u32 $0x7, v3;
	v4 =	vand.u32 $0xFFFFFFF0, v19  }
0x491: {  	v3 =	vor.u32 v3, v4  }
0x492: {  	v4 =	vperm.xlane v3, v0;
	_ =	sdelay $0x1  }
0x493: {  	v3 =	vperm.xlane v3, v2;
	v4 =	vadd.s32 v1, v4;
	_ =	sdelay $0x1  }
0x494: {  	v3 =	vadd.s32 v1, v3;
	_ =	sdelay $0x1  }
0x495: {  	s7 =	simm.s32 $0x9C80  }
0x496: {  	[tilespmem:s7], [sflag:$0x1] =	stream.indirect_vreg.gather [hbm4b:s3+s2], $0x80, v4, vm0, $0xb8;
	[tilespmem:$0x1EC80] =	vst v63  }
0x497: {  	s11 =	simm.s32 $0xA480  }
0x498: {  	[tilespmem:s11], [sflag:$0x1] =	stream.indirect_vreg.gather [hbm4b:s3+s2], $0x80, v3, vm0, $0xb8;
	[tilespmem:$0x1EC80] =	vst v63  }
0x499: {  	_ =	swait.ge [sflag:s25], $0xA000  }
0x49a: {  	[sflag:s25] =	ssyncset.done $0x0  }
0x49b: {  	s28 =	rddreg [dreg:$0xc];
	[sflag:s25] =	ssyncadd.s32 $0xFFFF6000  }
0x49c: {  	[hbm4b:s28+s2] =	stream.linear.scatter [tilespmem:s16], [sflag:$0x6], $0xA000, $0x38;
	[tilespmem:$0x1EC80] =	vst v63  }
0x49d: {  	_ =	swait.ge [sflag:s24], $0xA000  }
0x49e: {  	[sflag:s24] =	ssyncset.done $0x0  }
0x49f: {  	[sflag:s24] =	ssyncadd.s32 $0xFFFF6000  }
0x4a0: {  	v3 =	vld [tilespmem:$0x640];
	_ =	sdelay $0x4  }
0x4a1: {  	v20 =	vshll.u32 v3, $0x1  }
0x4a2: {  	v3 =	vand.u32 $0x7, v3;
	v4 =	vand.u32 $0xFFFFFFF0, v20  }
0x4a3: {  	v3 =	vor.u32 v3, v4  }
0x4a4: {  	v4 =	vperm.xlane v3, v0;
	_ =	sdelay $0x1  }
0x4a5: {  	v3 =	vperm.xlane v3, v2;
	v4 =	vadd.s32 v1, v4;
	_ =	sdelay $0x1  }
0x4a6: {  	v3 =	vadd.s32 v1, v3;
	_ =	sdelay $0x2  }
0x4a7: {  	[tilespmem:s14], [sflag:$0x2] =	stream.indirect_vreg.gather [hbm4b:s3+s2], $0x80, v4, vm0, $0xb8;
	[tilespmem:$0x1EC80] =	vst v63  }
0x4a8: {  	s28 =	simm.s32 $0xB480  }
0x4a9: {  	[tilespmem:s28], [sflag:$0x2] =	stream.indirect_vreg.gather [hbm4b:s3+s2], $0x80, v3, vm0, $0xb8;
	[tilespmem:$0x1EC80] =	vst v63  }
0x4aa: {  	v3 =	vld [tilespmem:$0x650];
	_ =	sdelay $0x4  }
0x4ab: {  	v21 =	vshll.u32 v3, $0x1  }
0x4ac: {  	v3 =	vand.u32 $0x7, v3;
	v4 =	vand.u32 $0xFFFFFFF0, v21  }
0x4ad: {  	v3 =	vor.u32 v3, v4  }
0x4ae: {  	v4 =	vperm.xlane v3, v0;
	_ =	sdelay $0x1  }
0x4af: {  	v3 =	vperm.xlane v3, v2;
	v4 =	vadd.s32 v1, v4;
	_ =	sdelay $0x1  }
0x4b0: {  	v3 =	vadd.s32 v1, v3;
	_ =	sdelay $0x1  }
0x4b1: {  	s26 =	simm.s32 $0xBC80  }
0x4b2: {  	[tilespmem:s26], [sflag:$0x2] =	stream.indirect_vreg.gather [hbm4b:s3+s2], $0x80, v4, vm0, $0xb8;
	[tilespmem:$0x1EC80] =	vst v63  }
0x4b3: {  	s28 =	simm.s32 $0xC480  }
0x4b4: {  	[tilespmem:s28], [sflag:$0x2] =	stream.indirect_vreg.gather [hbm4b:s3+s2], $0x80, v3, vm0, $0xb8;
	[tilespmem:$0x1EC80] =	vst v63  }
0x4b5: {  	v3 =	vld [tilespmem:$0x660];
	_ =	sdelay $0x4  }
0x4b6: {  	v22 =	vshll.u32 v3, $0x1  }
0x4b7: {  	v3 =	vand.u32 $0x7, v3;
	v4 =	vand.u32 $0xFFFFFFF0, v22  }
0x4b8: {  	v3 =	vor.u32 v3, v4  }
0x4b9: {  	v4 =	vperm.xlane v3, v0;
	_ =	sdelay $0x1  }
0x4ba: {  	v3 =	vperm.xlane v3, v2;
	v4 =	vadd.s32 v1, v4;
	_ =	sdelay $0x1  }
0x4bb: {  	v3 =	vadd.s32 v1, v3;
	_ =	sdelay $0x1  }
0x4bc: {  	s29 =	simm.s32 $0xCC80  }
0x4bd: {  	[tilespmem:s29], [sflag:$0x2] =	stream.indirect_vreg.gather [hbm4b:s3+s2], $0x80, v4, vm0, $0xb8;
	[tilespmem:$0x1EC80] =	vst v63  }
0x4be: {  	s28 =	simm.s32 $0xD480  }
0x4bf: {  	[tilespmem:s28], [sflag:$0x2] =	stream.indirect_vreg.gather [hbm4b:s3+s2], $0x80, v3, vm0, $0xb8;
	[tilespmem:$0x1EC80] =	vst v63  }
0x4c0: {  	v3 =	vld [tilespmem:$0x670];
	_ =	sdelay $0x4  }
0x4c1: {  	v23 =	vshll.u32 v3, $0x1  }
0x4c2: {  	v3 =	vand.u32 $0x7, v3;
	v4 =	vand.u32 $0xFFFFFFF0, v23  }
0x4c3: {  	v3 =	vor.u32 v3, v4  }
0x4c4: {  	v4 =	vperm.xlane v3, v0;
	_ =	sdelay $0x1  }
0x4c5: {  	v3 =	vperm.xlane v3, v2;
	v4 =	vadd.s32 v1, v4;
	_ =	sdelay $0x1  }
0x4c6: {  	v3 =	vadd.s32 v1, v3;
	_ =	sdelay $0x1  }
0x4c7: {  	s17 =	simm.s32 $0xDC80  }
0x4c8: {  	[tilespmem:s17], [sflag:$0x2] =	stream.indirect_vreg.gather [hbm4b:s3+s2], $0x80, v4, vm0, $0xb8;
	[tilespmem:$0x1EC80] =	vst v63  }
0x4c9: {  	s28 =	simm.s32 $0xE480  }
0x4ca: {  	[tilespmem:s28], [sflag:$0x2] =	stream.indirect_vreg.gather [hbm4b:s3+s2], $0x80, v3, vm0, $0xb8;
	[tilespmem:$0x1EC80] =	vst v63  }
0x4cb: {  	v3 =	vld [tilespmem:$0x680];
	_ =	sdelay $0x4  }
0x4cc: {  	v24 =	vshll.u32 v3, $0x1  }
0x4cd: {  	v3 =	vand.u32 $0x7, v3;
	v4 =	vand.u32 $0xFFFFFFF0, v24  }
0x4ce: {  	v3 =	vor.u32 v3, v4  }
0x4cf: {  	v4 =	vperm.xlane v3, v0;
	_ =	sdelay $0x1  }
0x4d0: {  	v3 =	vperm.xlane v3, v2;
	v4 =	vadd.s32 v1, v4;
	_ =	sdelay $0x1  }
0x4d1: {  	v3 =	vadd.s32 v1, v3;
	_ =	sdelay $0x1  }
0x4d2: {  	s18 =	simm.s32 $0xEC80  }
0x4d3: {  	[tilespmem:s18], [sflag:$0x2] =	stream.indirect_vreg.gather [hbm4b:s3+s2], $0x80, v4, vm0, $0xb8;
	[tilespmem:$0x1EC80] =	vst v63  }
0x4d4: {  	s28 =	simm.s32 $0xF480  }
0x4d5: {  	[tilespmem:s28], [sflag:$0x2] =	stream.indirect_vreg.gather [hbm4b:s3+s2], $0x80, v3, vm0, $0xb8;
	[tilespmem:$0x1EC80] =	vst v63  }
0x4d6: {  	v3 =	vld [tilespmem:$0x690];
	_ =	sdelay $0x4  }
0x4d7: {  	v25 =	vshll.u32 v3, $0x1  }
0x4d8: {  	v3 =	vand.u32 $0x7, v3;
	v4 =	vand.u32 $0xFFFFFFF0, v25  }
0x4d9: {  	v3 =	vor.u32 v3, v4  }
0x4da: {  	v4 =	vperm.xlane v3, v0;
	_ =	sdelay $0x1  }
0x4db: {  	v3 =	vperm.xlane v3, v2;
	v4 =	vadd.s32 v1, v4;
	_ =	sdelay $0x1  }
0x4dc: {  	v3 =	vadd.s32 v1, v3;
	_ =	sdelay $0x1  }
0x4dd: {  	s20 =	simm.s32 $0xFC80  }
0x4de: {  	[tilespmem:s20], [sflag:$0x2] =	stream.indirect_vreg.gather [hbm4b:s3+s2], $0x80, v4, vm0, $0xb8;
	[tilespmem:$0x1EC80] =	vst v63  }
0x4df: {  	s28 =	simm.s32 $0x10480  }
0x4e0: {  	[tilespmem:s28], [sflag:$0x2] =	stream.indirect_vreg.gather [hbm4b:s3+s2], $0x80, v3, vm0, $0xb8;
	[tilespmem:$0x1EC80] =	vst v63  }
0x4e1: {  	v3 =	vld [tilespmem:$0x6A0];
	_ =	sdelay $0x4  }
0x4e2: {  	v26 =	vshll.u32 v3, $0x1  }
0x4e3: {  	v3 =	vand.u32 $0x7, v3;
	v4 =	vand.u32 $0xFFFFFFF0, v26  }
0x4e4: {  	v3 =	vor.u32 v3, v4  }
0x4e5: {  	v4 =	vperm.xlane v3, v0;
	_ =	sdelay $0x1  }
0x4e6: {  	v3 =	vperm.xlane v3, v2;
	v4 =	vadd.s32 v1, v4;
	_ =	sdelay $0x1  }
0x4e7: {  	v3 =	vadd.s32 v1, v3;
	_ =	sdelay $0x1  }
0x4e8: {  	s30 =	simm.s32 $0x10C80  }
0x4e9: {  	[tilespmem:s30], [sflag:$0x2] =	stream.indirect_vreg.gather [hbm4b:s3+s2], $0x80, v4, vm0, $0xb8;
	[tilespmem:$0x1EC80] =	vst v63  }
0x4ea: {  	s28 =	simm.s32 $0x11480  }
0x4eb: {  	[tilespmem:s28], [sflag:$0x2] =	stream.indirect_vreg.gather [hbm4b:s3+s2], $0x80, v3, vm0, $0xb8;
	[tilespmem:$0x1EC80] =	vst v63  }
0x4ec: {  	v3 =	vld [tilespmem:$0x6B0];
	_ =	sdelay $0x4  }
0x4ed: {  	v27 =	vshll.u32 v3, $0x1  }
0x4ee: {  	v3 =	vand.u32 $0x7, v3;
	v4 =	vand.u32 $0xFFFFFFF0, v27  }
0x4ef: {  	v3 =	vor.u32 v3, v4  }
0x4f0: {  	v4 =	vperm.xlane v3, v0;
	_ =	sdelay $0x1  }
0x4f1: {  	v3 =	vperm.xlane v3, v2;
	v4 =	vadd.s32 v1, v4;
	_ =	sdelay $0x1  }
0x4f2: {  	v3 =	vadd.s32 v1, v3;
	_ =	sdelay $0x1  }
0x4f3: {  	s31 =	simm.s32 $0x11C80  }
0x4f4: {  	[tilespmem:s31], [sflag:$0x2] =	stream.indirect_vreg.gather [hbm4b:s3+s2], $0x80, v4, vm0, $0xb8;
	[tilespmem:$0x1EC80] =	vst v63  }
0x4f5: {  	s28 =	simm.s32 $0x12480  }
0x4f6: {  	[tilespmem:s28], [sflag:$0x2] =	stream.indirect_vreg.gather [hbm4b:s3+s2], $0x80, v3, vm0, $0xb8;
	[tilespmem:$0x1EC80] =	vst v63  }
0x4f7: {  	v3 =	vld [tilespmem:$0x6C0];
	_ =	sdelay $0x4  }
0x4f8: {  	v28 =	vshll.u32 v3, $0x1  }
0x4f9: {  	v3 =	vand.u32 $0x7, v3;
	v4 =	vand.u32 $0xFFFFFFF0, v28  }
0x4fa: {  	v3 =	vor.u32 v3, v4  }
0x4fb: {  	v4 =	vperm.xlane v3, v0;
	_ =	sdelay $0x1  }
0x4fc: {  	v3 =	vperm.xlane v3, v2;
	v4 =	vadd.s32 v1, v4;
	_ =	sdelay $0x1  }
0x4fd: {  	v3 =	vadd.s32 v1, v3;
	_ =	sdelay $0x1  }
0x4fe: {  	s28 =	simm.s32 $0x12C80  }
0x4ff: {  	[tilespmem:s28], [sflag:$0x2] =	stream.indirect_vreg.gather [hbm4b:s3+s2], $0x80, v4, vm0, $0xb8;
	[tilespmem:$0x1EC80] =	vst v63  }
0x500: {  	s13 =	simm.s32 $0x13480  }
0x501: {  	[tilespmem:s13], [sflag:$0x2] =	stream.indirect_vreg.gather [hbm4b:s3+s2], $0x80, v3, vm0, $0xb8;
	[tilespmem:$0x1EC80] =	vst v63  }
0x502: {  	v3 =	vld [tilespmem:$0x6D0];
	_ =	sdelay $0x4  }
0x503: {  	v29 =	vshll.u32 v3, $0x1  }
0x504: {  	v3 =	vand.u32 $0x7, v3;
	v4 =	vand.u32 $0xFFFFFFF0, v29  }
0x505: {  	v3 =	vor.u32 v3, v4  }
0x506: {  	v4 =	vperm.xlane v3, v0;
	_ =	sdelay $0x1  }
0x507: {  	v3 =	vperm.xlane v3, v2;
	v4 =	vadd.s32 v1, v4;
	_ =	sdelay $0x1  }
0x508: {  	v3 =	vadd.s32 v1, v3;
	_ =	sdelay $0x1  }
0x509: {  	s28 =	simm.s32 $0x13C80  }
0x50a: {  	[tilespmem:s28], [sflag:$0x2] =	stream.indirect_vreg.gather [hbm4b:s3+s2], $0x80, v4, vm0, $0xb8;
	[tilespmem:$0x1EC80] =	vst v63  }
0x50b: {  	s28 =	simm.s32 $0x14480  }
0x50c: {  	[tilespmem:s28], [sflag:$0x2] =	stream.indirect_vreg.gather [hbm4b:s3+s2], $0x80, v3, vm0, $0xb8;
	[tilespmem:$0x1EC80] =	vst v63  }
0x50d: {  	_ =	swait.ge [sflag:s19], $0xA000  }
0x50e: {  	[sflag:s19] =	ssyncset.done $0x0  }
0x50f: {  	s28 =	rddreg [dreg:$0xd];
	[sflag:s19] =	ssyncadd.s32 $0xFFFF6000  }
0x510: {  	[hbm4b:s28+s2] =	stream.linear.scatter [tilespmem:s12], [sflag:$0x4], $0xA000, $0x38;
	[tilespmem:$0x1EC80] =	vst v63  }
0x511: {  	_ =	swait.ge [sflag:s23], $0xA000  }
0x512: {  	[sflag:s23] =	ssyncset.done $0x0  }
0x513: {  	[sflag:s23] =	ssyncadd.s32 $0xFFFF6000  }
0x514: {  	v3 =	vld [tilespmem:$0x6E0];
	_ =	sdelay $0x4  }
0x515: {  	v30 =	vshll.u32 v3, $0x1  }
0x516: {  	v3 =	vand.u32 $0x7, v3;
	v4 =	vand.u32 $0xFFFFFFF0, v30  }
0x517: {  	v3 =	vor.u32 v3, v4  }
0x518: {  	v4 =	vperm.xlane v3, v0;
	_ =	sdelay $0x1  }
0x519: {  	v3 =	vperm.xlane v3, v2;
	v4 =	vadd.s32 v1, v4;
	_ =	sdelay $0x1  }
0x51a: {  	v3 =	vadd.s32 v1, v3;
	_ =	sdelay $0x2  }
0x51b: {  	[tilespmem:s16], [sflag:$0x3] =	stream.indirect_vreg.gather [hbm4b:s3+s2], $0x80, v4, vm0, $0xb8;
	[tilespmem:$0x1EC80] =	vst v63  }
0x51c: {  	s28 =	simm.s32 $0x15480  }
0x51d: {  	[tilespmem:s28], [sflag:$0x3] =	stream.indirect_vreg.gather [hbm4b:s3+s2], $0x80, v3, vm0, $0xb8;
	[tilespmem:$0x1EC80] =	vst v63  }
0x51e: {  	v3 =	vld [tilespmem:$0x6F0];
	_ =	sdelay $0x4  }
0x51f: {  	v31 =	vshll.u32 v3, $0x1  }
0x520: {  	v3 =	vand.u32 $0x7, v3;
	v4 =	vand.u32 $0xFFFFFFF0, v31  }
0x521: {  	v3 =	vor.u32 v3, v4  }
0x522: {  	v4 =	vperm.xlane v3, v0;
	_ =	sdelay $0x1  }
0x523: {  	v3 =	vperm.xlane v3, v2;
	v4 =	vadd.s32 v1, v4;
	_ =	sdelay $0x1  }
0x524: {  	v3 =	vadd.s32 v1, v3;
	_ =	sdelay $0x1  }
0x525: {  	s28 =	simm.s32 $0x15C80  }
0x526: {  	[tilespmem:s28], [sflag:$0x3] =	stream.indirect_vreg.gather [hbm4b:s3+s2], $0x80, v4, vm0, $0xb8;
	[tilespmem:$0x1EC80] =	vst v63  }
0x527: {  	s28 =	simm.s32 $0x16480  }
0x528: {  	[tilespmem:s28], [sflag:$0x3] =	stream.indirect_vreg.gather [hbm4b:s3+s2], $0x80, v3, vm0, $0xb8;
	[tilespmem:$0x1EC80] =	vst v63  }
0x529: {  	v3 =	vld [tilespmem:$0x700];
	_ =	sdelay $0x4  }
0x52a: {  	v32 =	vshll.u32 v3, $0x1  }
0x52b: {  	v3 =	vand.u32 $0x7, v3;
	v4 =	vand.u32 $0xFFFFFFF0, v32  }
0x52c: {  	v3 =	vor.u32 v3, v4  }
0x52d: {  	v4 =	vperm.xlane v3, v0;
	_ =	sdelay $0x1  }
0x52e: {  	v3 =	vperm.xlane v3, v2;
	v4 =	vadd.s32 v1, v4;
	_ =	sdelay $0x1  }
0x52f: {  	v3 =	vadd.s32 v1, v3;
	_ =	sdelay $0x1  }
0x530: {  	s28 =	simm.s32 $0x16C80  }
0x531: {  	[tilespmem:s28], [sflag:$0x3] =	stream.indirect_vreg.gather [hbm4b:s3+s2], $0x80, v4, vm0, $0xb8;
	[tilespmem:$0x1EC80] =	vst v63  }
0x532: {  	s28 =	simm.s32 $0x17480  }
0x533: {  	[tilespmem:s28], [sflag:$0x3] =	stream.indirect_vreg.gather [hbm4b:s3+s2], $0x80, v3, vm0, $0xb8;
	[tilespmem:$0x1EC80] =	vst v63  }
0x534: {  	v3 =	vld [tilespmem:$0x710];
	_ =	sdelay $0x4  }
0x535: {  	v33 =	vshll.u32 v3, $0x1  }
0x536: {  	v3 =	vand.u32 $0x7, v3;
	v4 =	vand.u32 $0xFFFFFFF0, v33  }
0x537: {  	v3 =	vor.u32 v3, v4  }
0x538: {  	v4 =	vperm.xlane v3, v0;
	_ =	sdelay $0x1  }
0x539: {  	v3 =	vperm.xlane v3, v2;
	v4 =	vadd.s32 v1, v4;
	_ =	sdelay $0x1  }
0x53a: {  	v3 =	vadd.s32 v1, v3;
	_ =	sdelay $0x1  }
0x53b: {  	s28 =	simm.s32 $0x17C80  }
0x53c: {  	[tilespmem:s28], [sflag:$0x3] =	stream.indirect_vreg.gather [hbm4b:s3+s2], $0x80, v4, vm0, $0xb8;
	[tilespmem:$0x1EC80] =	vst v63  }
0x53d: {  	s28 =	simm.s32 $0x18480  }
0x53e: {  	[tilespmem:s28], [sflag:$0x3] =	stream.indirect_vreg.gather [hbm4b:s3+s2], $0x80, v3, vm0, $0xb8;
	[tilespmem:$0x1EC80] =	vst v63  }
0x53f: {  	v3 =	vld [tilespmem:$0x720];
	_ =	sdelay $0x4  }
0x540: {  	v34 =	vshll.u32 v3, $0x1  }
0x541: {  	v3 =	vand.u32 $0x7, v3;
	v4 =	vand.u32 $0xFFFFFFF0, v34  }
0x542: {  	v3 =	vor.u32 v3, v4  }
0x543: {  	v4 =	vperm.xlane v3, v0;
	_ =	sdelay $0x1  }
0x544: {  	v3 =	vperm.xlane v3, v2;
	v4 =	vadd.s32 v1, v4;
	_ =	sdelay $0x1  }
0x545: {  	v3 =	vadd.s32 v1, v3;
	_ =	sdelay $0x1  }
0x546: {  	s28 =	simm.s32 $0x18C80  }
0x547: {  	[tilespmem:s28], [sflag:$0x3] =	stream.indirect_vreg.gather [hbm4b:s3+s2], $0x80, v4, vm0, $0xb8;
	[tilespmem:$0x1EC80] =	vst v63  }
0x548: {  	s28 =	simm.s32 $0x19480  }
0x549: {  	[tilespmem:s28], [sflag:$0x3] =	stream.indirect_vreg.gather [hbm4b:s3+s2], $0x80, v3, vm0, $0xb8;
	[tilespmem:$0x1EC80] =	vst v63  }
0x54a: {  	v3 =	vld [tilespmem:$0x730];
	_ =	sdelay $0x4  }
0x54b: {  	v35 =	vshll.u32 v3, $0x1  }
0x54c: {  	v3 =	vand.u32 $0x7, v3;
	v4 =	vand.u32 $0xFFFFFFF0, v35  }
0x54d: {  	v3 =	vor.u32 v3, v4  }
0x54e: {  	v4 =	vperm.xlane v3, v0;
	_ =	sdelay $0x1  }
0x54f: {  	v3 =	vperm.xlane v3, v2;
	v4 =	vadd.s32 v1, v4;
	_ =	sdelay $0x1  }
0x550: {  	v3 =	vadd.s32 v1, v3;
	_ =	sdelay $0x1  }
0x551: {  	s28 =	simm.s32 $0x19C80  }
0x552: {  	[tilespmem:s28], [sflag:$0x3] =	stream.indirect_vreg.gather [hbm4b:s3+s2], $0x80, v4, vm0, $0xb8;
	[tilespmem:$0x1EC80] =	vst v63  }
0x553: {  	s28 =	simm.s32 $0x1A480  }
0x554: {  	[tilespmem:s28], [sflag:$0x3] =	stream.indirect_vreg.gather [hbm4b:s3+s2], $0x80, v3, vm0, $0xb8;
	[tilespmem:$0x1EC80] =	vst v63  }
0x555: {  	v3 =	vld [tilespmem:$0x740];
	_ =	sdelay $0x4  }
0x556: {  	v36 =	vshll.u32 v3, $0x1  }
0x557: {  	v3 =	vand.u32 $0x7, v3;
	v4 =	vand.u32 $0xFFFFFFF0, v36  }
0x558: {  	v3 =	vor.u32 v3, v4  }
0x559: {  	v4 =	vperm.xlane v3, v0;
	_ =	sdelay $0x1  }
0x55a: {  	v3 =	vperm.xlane v3, v2;
	v4 =	vadd.s32 v1, v4;
	_ =	sdelay $0x1  }
0x55b: {  	v3 =	vadd.s32 v1, v3;
	_ =	sdelay $0x1  }
0x55c: {  	s28 =	simm.s32 $0x1AC80  }
0x55d: {  	[tilespmem:s28], [sflag:$0x3] =	stream.indirect_vreg.gather [hbm4b:s3+s2], $0x80, v4, vm0, $0xb8;
	[tilespmem:$0x1EC80] =	vst v63  }
0x55e: {  	s28 =	simm.s32 $0x1B480  }
0x55f: {  	[tilespmem:s28], [sflag:$0x3] =	stream.indirect_vreg.gather [hbm4b:s3+s2], $0x80, v3, vm0, $0xb8;
	[tilespmem:$0x1EC80] =	vst v63  }
0x560: {  	v3 =	vld [tilespmem:$0x750];
	_ =	sdelay $0x4  }
0x561: {  	v37 =	vshll.u32 v3, $0x1  }
0x562: {  	v3 =	vand.u32 $0x7, v3;
	v4 =	vand.u32 $0xFFFFFFF0, v37  }
0x563: {  	v3 =	vor.u32 v3, v4  }
0x564: {  	v4 =	vperm.xlane v3, v0;
	_ =	sdelay $0x1  }
0x565: {  	v3 =	vperm.xlane v3, v2;
	v4 =	vadd.s32 v1, v4;
	_ =	sdelay $0x1  }
0x566: {  	v3 =	vadd.s32 v1, v3;
	_ =	sdelay $0x1  }
0x567: {  	s28 =	simm.s32 $0x1BC80  }
0x568: {  	[tilespmem:s28], [sflag:$0x3] =	stream.indirect_vreg.gather [hbm4b:s3+s2], $0x80, v4, vm0, $0xb8;
	[tilespmem:$0x1EC80] =	vst v63  }
0x569: {  	s28 =	simm.s32 $0x1C480  }
0x56a: {  	[tilespmem:s28], [sflag:$0x3] =	stream.indirect_vreg.gather [hbm4b:s3+s2], $0x80, v3, vm0, $0xb8;
	[tilespmem:$0x1EC80] =	vst v63  }
0x56b: {  	v3 =	vld [tilespmem:$0x760];
	_ =	sdelay $0x4  }
0x56c: {  	v38 =	vshll.u32 v3, $0x1  }
0x56d: {  	v3 =	vand.u32 $0x7, v3;
	v4 =	vand.u32 $0xFFFFFFF0, v38  }
0x56e: {  	v3 =	vor.u32 v3, v4  }
0x56f: {  	v4 =	vperm.xlane v3, v0;
	_ =	sdelay $0x1  }
0x570: {  	v3 =	vperm.xlane v3, v2;
	v4 =	vadd.s32 v1, v4;
	_ =	sdelay $0x1  }
0x571: {  	v3 =	vadd.s32 v1, v3;
	_ =	sdelay $0x1  }
0x572: {  	s28 =	simm.s32 $0x1CC80  }
0x573: {  	[tilespmem:s28], [sflag:$0x3] =	stream.indirect_vreg.gather [hbm4b:s3+s2], $0x80, v4, vm0, $0xb8;
	[tilespmem:$0x1EC80] =	vst v63  }
0x574: {  	s28 =	simm.s32 $0x1D480  }
0x575: {  	[tilespmem:s28], [sflag:$0x3] =	stream.indirect_vreg.gather [hbm4b:s3+s2], $0x80, v3, vm0, $0xb8;
	[tilespmem:$0x1EC80] =	vst v63  }
0x576: {  	v3 =	vld [tilespmem:$0x770];
	_ =	sdelay $0x4  }
0x577: {  	v39 =	vshll.u32 v3, $0x1  }
0x578: {  	v3 =	vand.u32 $0x7, v3;
	v4 =	vand.u32 $0xFFFFFFF0, v39  }
0x579: {  	v3 =	vor.u32 v3, v4  }
0x57a: {  	v4 =	vperm.xlane v3, v0;
	_ =	sdelay $0x1  }
0x57b: {  	v3 =	vperm.xlane v3, v2;
	v4 =	vadd.s32 v1, v4;
	_ =	sdelay $0x1  }
0x57c: {  	v3 =	vadd.s32 v1, v3;
	_ =	sdelay $0x1  }
0x57d: {  	s28 =	simm.s32 $0x1DC80  }
0x57e: {  	[tilespmem:s28], [sflag:$0x3] =	stream.indirect_vreg.gather [hbm4b:s3+s2], $0x80, v4, vm0, $0xb8;
	[tilespmem:$0x1EC80] =	vst v63  }
0x57f: {  	s28 =	simm.s32 $0x1E480  }
0x580: {  	[tilespmem:s28], [sflag:$0x3] =	stream.indirect_vreg.gather [hbm4b:s3+s2], $0x80, v3, vm0, $0xb8;
	[tilespmem:$0x1EC80] =	vst v63  }
0x581: {  	_ =	swait.ge [sflag:s21], $0xA000  }
0x582: {  	[sflag:s21] =	ssyncset.done $0x0  }
0x583: {  	s28 =	rddreg [dreg:$0xe];
	[sflag:s21] =	ssyncadd.s32 $0xFFFF6000  }
0x584: {  	[hbm4b:s28+s2] =	stream.linear.scatter [tilespmem:s14], [sflag:$0x5], $0xA000, $0x38;
	[tilespmem:$0x1EC80] =	vst v63  }
0x585: {  	_ =	swait.ge [sflag:s22], $0xA000  }
0x586: {  	[sflag:s22] =	ssyncset.done $0x0  }
0x587: {  	[sflag:s22] =	ssyncadd.s32 $0xFFFF6000  }
0x588: {  	v3 =	vld [tilespmem:$0x780];
	_ =	sdelay $0x4  }
0x589: {  	v40 =	vshll.u32 v3, $0x1  }
0x58a: {  	v3 =	vand.u32 $0x7, v3;
	v4 =	vand.u32 $0xFFFFFFF0, v40  }
0x58b: {  	v3 =	vor.u32 v3, v4  }
0x58c: {  	v4 =	vperm.xlane v3, v0;
	_ =	sdelay $0x1  }
0x58d: {  	v3 =	vperm.xlane v3, v2;
	v4 =	vadd.s32 v1, v4;
	_ =	sdelay $0x1  }
0x58e: {  	v3 =	vadd.s32 v1, v3;
	_ =	sdelay $0x2  }
0x58f: {  	[tilespmem:s12], [sflag:$0x1] =	stream.indirect_vreg.gather [hbm4b:s3+s2], $0x80, v4, vm0, $0xb8;
	[tilespmem:$0x1EC80] =	vst v63  }
0x590: {  	s28 =	simm.s32 $0x1480  }
0x591: {  	[tilespmem:s28], [sflag:$0x1] =	stream.indirect_vreg.gather [hbm4b:s3+s2], $0x80, v3, vm0, $0xb8;
	[tilespmem:$0x1EC80] =	vst v63  }
0x592: {  	v3 =	vld [tilespmem:$0x790];
	_ =	sdelay $0x4  }
0x593: {  	v41 =	vshll.u32 v3, $0x1  }
0x594: {  	v3 =	vand.u32 $0x7, v3;
	v4 =	vand.u32 $0xFFFFFFF0, v41  }
0x595: {  	v3 =	vor.u32 v3, v4  }
0x596: {  	v4 =	vperm.xlane v3, v0;
	_ =	sdelay $0x1  }
0x597: {  	v3 =	vperm.xlane v3, v2;
	v4 =	vadd.s32 v1, v4;
	_ =	sdelay $0x1  }
0x598: {  	v3 =	vadd.s32 v1, v3;
	_ =	sdelay $0x1  }
0x599: {  	s28 =	simm.s32 $0x1C80  }
0x59a: {  	[tilespmem:s28], [sflag:$0x1] =	stream.indirect_vreg.gather [hbm4b:s3+s2], $0x80, v4, vm0, $0xb8;
	[tilespmem:$0x1EC80] =	vst v63  }
0x59b: {  	s28 =	simm.s32 $0x2480  }
0x59c: {  	[tilespmem:s28], [sflag:$0x1] =	stream.indirect_vreg.gather [hbm4b:s3+s2], $0x80, v3, vm0, $0xb8;
	[tilespmem:$0x1EC80] =	vst v63  }
0x59d: {  	v3 =	vld [tilespmem:$0x7A0];
	_ =	sdelay $0x4  }
0x59e: {  	v42 =	vshll.u32 v3, $0x1  }
0x59f: {  	v3 =	vand.u32 $0x7, v3;
	v4 =	vand.u32 $0xFFFFFFF0, v42  }
0x5a0: {  	v3 =	vor.u32 v3, v4  }
0x5a1: {  	v4 =	vperm.xlane v3, v0;
	_ =	sdelay $0x1  }
0x5a2: {  	v3 =	vperm.xlane v3, v2;
	v4 =	vadd.s32 v1, v4;
	_ =	sdelay $0x1  }
0x5a3: {  	v3 =	vadd.s32 v1, v3;
	_ =	sdelay $0x1  }
0x5a4: {  	s28 =	simm.s32 $0x2C80  }
0x5a5: {  	[tilespmem:s28], [sflag:$0x1] =	stream.indirect_vreg.gather [hbm4b:s3+s2], $0x80, v4, vm0, $0xb8;
	[tilespmem:$0x1EC80] =	vst v63  }
0x5a6: {  	s28 =	simm.s32 $0x3480  }
0x5a7: {  	[tilespmem:s28], [sflag:$0x1] =	stream.indirect_vreg.gather [hbm4b:s3+s2], $0x80, v3, vm0, $0xb8;
	[tilespmem:$0x1EC80] =	vst v63  }
0x5a8: {  	v3 =	vld [tilespmem:$0x7B0];
	_ =	sdelay $0x4  }
0x5a9: {  	v43 =	vshll.u32 v3, $0x1  }
0x5aa: {  	v3 =	vand.u32 $0x7, v3;
	v4 =	vand.u32 $0xFFFFFFF0, v43  }
0x5ab: {  	v3 =	vor.u32 v3, v4  }
0x5ac: {  	v4 =	vperm.xlane v3, v0;
	_ =	sdelay $0x1  }
0x5ad: {  	v3 =	vperm.xlane v3, v2;
	v4 =	vadd.s32 v1, v4;
	_ =	sdelay $0x1  }
0x5ae: {  	v3 =	vadd.s32 v1, v3;
	_ =	sdelay $0x1  }
0x5af: {  	s28 =	simm.s32 $0x3C80  }
0x5b0: {  	[tilespmem:s28], [sflag:$0x1] =	stream.indirect_vreg.gather [hbm4b:s3+s2], $0x80, v4, vm0, $0xb8;
	[tilespmem:$0x1EC80] =	vst v63  }
0x5b1: {  	s28 =	simm.s32 $0x4480  }
0x5b2: {  	[tilespmem:s28], [sflag:$0x1] =	stream.indirect_vreg.gather [hbm4b:s3+s2], $0x80, v3, vm0, $0xb8;
	[tilespmem:$0x1EC80] =	vst v63  }
0x5b3: {  	v3 =	vld [tilespmem:$0x7C0];
	_ =	sdelay $0x4  }
0x5b4: {  	v44 =	vshll.u32 v3, $0x1  }
0x5b5: {  	v3 =	vand.u32 $0x7, v3;
	v4 =	vand.u32 $0xFFFFFFF0, v44  }
0x5b6: {  	v3 =	vor.u32 v3, v4  }
0x5b7: {  	v4 =	vperm.xlane v3, v0;
	_ =	sdelay $0x1  }
0x5b8: {  	v3 =	vperm.xlane v3, v2;
	v4 =	vadd.s32 v1, v4;
	_ =	sdelay $0x1  }
0x5b9: {  	v3 =	vadd.s32 v1, v3;
	_ =	sdelay $0x2  }
0x5ba: {  	[tilespmem:s0], [sflag:$0x1] =	stream.indirect_vreg.gather [hbm4b:s3+s2], $0x80, v4, vm0, $0xb8;
	[tilespmem:$0x1EC80] =	vst v63  }
0x5bb: {  	s28 =	simm.s32 $0x5480  }
0x5bc: {  	[tilespmem:s28], [sflag:$0x1] =	stream.indirect_vreg.gather [hbm4b:s3+s2], $0x80, v3, vm0, $0xb8;
	[tilespmem:$0x1EC80] =	vst v63  }
0x5bd: {  	v3 =	vld [tilespmem:$0x7D0];
	_ =	sdelay $0x4  }
0x5be: {  	v45 =	vshll.u32 v3, $0x1  }
0x5bf: {  	v3 =	vand.u32 $0x7, v3;
	v4 =	vand.u32 $0xFFFFFFF0, v45  }
0x5c0: {  	v3 =	vor.u32 v3, v4  }
0x5c1: {  	v4 =	vperm.xlane v3, v0;
	_ =	sdelay $0x1  }
0x5c2: {  	v3 =	vperm.xlane v3, v2;
	v4 =	vadd.s32 v1, v4;
	_ =	sdelay $0x1  }
0x5c3: {  	v3 =	vadd.s32 v1, v3;
	_ =	sdelay $0x2  }
0x5c4: {  	[tilespmem:s5], [sflag:$0x1] =	stream.indirect_vreg.gather [hbm4b:s3+s2], $0x80, v4, vm0, $0xb8;
	[tilespmem:$0x1EC80] =	vst v63  }
0x5c5: {  	s15 =	simm.s32 $0x6480  }
0x5c6: {  	[tilespmem:s15], [sflag:$0x1] =	stream.indirect_vreg.gather [hbm4b:s3+s2], $0x80, v3, vm0, $0xb8;
	[tilespmem:$0x1EC80] =	vst v63  }
0x5c7: {  	v3 =	vld [tilespmem:$0x7E0];
	_ =	sdelay $0x4  }
0x5c8: {  	v46 =	vshll.u32 v3, $0x1  }
0x5c9: {  	v3 =	vand.u32 $0x7, v3;
	v4 =	vand.u32 $0xFFFFFFF0, v46  }
0x5ca: {  	v3 =	vor.u32 v3, v4  }
0x5cb: {  	v4 =	vperm.xlane v3, v0;
	_ =	sdelay $0x1  }
0x5cc: {  	v3 =	vperm.xlane v3, v2;
	v4 =	vadd.s32 v1, v4;
	_ =	sdelay $0x1  }
0x5cd: {  	v3 =	vadd.s32 v1, v3;
	_ =	sdelay $0x2  }
0x5ce: {  	[tilespmem:s1], [sflag:$0x1] =	stream.indirect_vreg.gather [hbm4b:s3+s2], $0x80, v4, vm0, $0xb8;
	[tilespmem:$0x1EC80] =	vst v63  }
0x5cf: {  	_ = 	snop  }
0x5d0: {  	[tilespmem:s8], [sflag:$0x1] =	stream.indirect_vreg.gather [hbm4b:s3+s2], $0x80, v3, vm0, $0xb8;
	[tilespmem:$0x1EC80] =	vst v63  }
0x5d1: {  	v3 =	vld [tilespmem:$0x7F0];
	_ =	sdelay $0x4  }
0x5d2: {  	v47 =	vshll.u32 v3, $0x1  }
0x5d3: {  	v3 =	vand.u32 $0x7, v3;
	v4 =	vand.u32 $0xFFFFFFF0, v47  }
0x5d4: {  	v3 =	vor.u32 v3, v4  }
0x5d5: {  	v4 =	vperm.xlane v3, v0;
	_ =	sdelay $0x1  }
0x5d6: {  	v3 =	vperm.xlane v3, v2;
	v4 =	vadd.s32 v1, v4;
	_ =	sdelay $0x1  }
0x5d7: {  	v3 =	vadd.s32 v1, v3;
	_ =	sdelay $0x2  }
0x5d8: {  	[tilespmem:s4], [sflag:$0x1] =	stream.indirect_vreg.gather [hbm4b:s3+s2], $0x80, v4, vm0, $0xb8;
	[tilespmem:$0x1EC80] =	vst v63  }
0x5d9: {  	_ = 	snop  }
0x5da: {  	[tilespmem:s9], [sflag:$0x1] =	stream.indirect_vreg.gather [hbm4b:s3+s2], $0x80, v3, vm0, $0xb8;
	[tilespmem:$0x1EC80] =	vst v63  }
0x5db: {  	v3 =	vld [tilespmem:$0x800];
	_ =	sdelay $0x4  }
0x5dc: {  	v48 =	vshll.u32 v3, $0x1  }
0x5dd: {  	v3 =	vand.u32 $0x7, v3;
	v4 =	vand.u32 $0xFFFFFFF0, v48  }
0x5de: {  	v3 =	vor.u32 v3, v4  }
0x5df: {  	v4 =	vperm.xlane v3, v0;
	_ =	sdelay $0x1  }
0x5e0: {  	v3 =	vperm.xlane v3, v2;
	v4 =	vadd.s32 v1, v4;
	_ =	sdelay $0x1  }
0x5e1: {  	v3 =	vadd.s32 v1, v3;
	_ =	sdelay $0x2  }
0x5e2: {  	[tilespmem:s6], [sflag:$0x1] =	stream.indirect_vreg.gather [hbm4b:s3+s2], $0x80, v4, vm0, $0xb8;
	[tilespmem:$0x1EC80] =	vst v63  }
0x5e3: {  	_ = 	snop  }
0x5e4: {  	[tilespmem:s10], [sflag:$0x1] =	stream.indirect_vreg.gather [hbm4b:s3+s2], $0x80, v3, vm0, $0xb8;
	[tilespmem:$0x1EC80] =	vst v63  }
0x5e5: {  	v3 =	vld [tilespmem:$0x810];
	_ =	sdelay $0x4  }
0x5e6: {  	v49 =	vshll.u32 v3, $0x1  }
0x5e7: {  	v3 =	vand.u32 $0x7, v3;
	v4 =	vand.u32 $0xFFFFFFF0, v49  }
0x5e8: {  	v3 =	vor.u32 v3, v4  }
0x5e9: {  	v4 =	vperm.xlane v3, v0;
	_ =	sdelay $0x1  }
0x5ea: {  	v3 =	vperm.xlane v3, v2;
	v4 =	vadd.s32 v1, v4;
	_ =	sdelay $0x1  }
0x5eb: {  	v3 =	vadd.s32 v1, v3;
	_ =	sdelay $0x2  }
0x5ec: {  	[tilespmem:s7], [sflag:$0x1] =	stream.indirect_vreg.gather [hbm4b:s3+s2], $0x80, v4, vm0, $0xb8;
	[tilespmem:$0x1EC80] =	vst v63  }
0x5ed: {  	_ = 	snop  }
0x5ee: {  	[tilespmem:s11], [sflag:$0x1] =	stream.indirect_vreg.gather [hbm4b:s3+s2], $0x80, v3, vm0, $0xb8;
	[tilespmem:$0x1EC80] =	vst v63  }
0x5ef: {  	_ =	swait.ge [sflag:s25], $0xA000  }
0x5f0: {  	[sflag:s25] =	ssyncset.done $0x0  }
0x5f1: {  	s1 =	rddreg [dreg:$0xf];
	[sflag:s25] =	ssyncadd.s32 $0xFFFF6000  }
0x5f2: {  	[hbm4b:s1+s2] =	stream.linear.scatter [tilespmem:s16], [sflag:$0x6], $0xA000, $0x38;
	[tilespmem:$0x1EC80] =	vst v63  }
0x5f3: {  	_ =	swait.ge [sflag:s24], $0xA000  }
0x5f4: {  	[sflag:s24] =	ssyncset.done $0x0  }
0x5f5: {  	[sflag:s24] =	ssyncadd.s32 $0xFFFF6000  }
0x5f6: {  	v3 =	vld [tilespmem:$0x820];
	_ =	sdelay $0x4  }
0x5f7: {  	v50 =	vshll.u32 v3, $0x1  }
0x5f8: {  	v3 =	vand.u32 $0x7, v3;
	v4 =	vand.u32 $0xFFFFFFF0, v50  }
0x5f9: {  	v3 =	vor.u32 v3, v4  }
0x5fa: {  	v4 =	vperm.xlane v3, v0;
	_ =	sdelay $0x1  }
0x5fb: {  	v3 =	vperm.xlane v3, v2;
	v4 =	vadd.s32 v1, v4;
	_ =	sdelay $0x1  }
0x5fc: {  	v3 =	vadd.s32 v1, v3;
	_ =	sdelay $0x2  }
0x5fd: {  	[tilespmem:s14], [sflag:$0x2] =	stream.indirect_vreg.gather [hbm4b:s3+s2], $0x80, v4, vm0, $0xb8;
	[tilespmem:$0x1EC80] =	vst v63  }
0x5fe: {  	s28 =	simm.s32 $0xB480  }
0x5ff: {  	[tilespmem:s28], [sflag:$0x2] =	stream.indirect_vreg.gather [hbm4b:s3+s2], $0x80, v3, vm0, $0xb8;
	[tilespmem:$0x1EC80] =	vst v63  }
0x600: {  	v3 =	vld [tilespmem:$0x830];
	_ =	sdelay $0x4  }
0x601: {  	v51 =	vshll.u32 v3, $0x1  }
0x602: {  	v3 =	vand.u32 $0x7, v3;
	v4 =	vand.u32 $0xFFFFFFF0, v51  }
0x603: {  	v3 =	vor.u32 v3, v4  }
0x604: {  	v4 =	vperm.xlane v3, v0;
	_ =	sdelay $0x1  }
0x605: {  	v3 =	vperm.xlane v3, v2;
	v4 =	vadd.s32 v1, v4;
	_ =	sdelay $0x1  }
0x606: {  	v3 =	vadd.s32 v1, v3;
	_ =	sdelay $0x1  }
0x607: {  	s26 =	simm.s32 $0xBC80  }
0x608: {  	[tilespmem:s26], [sflag:$0x2] =	stream.indirect_vreg.gather [hbm4b:s3+s2], $0x80, v4, vm0, $0xb8;
	[tilespmem:$0x1EC80] =	vst v63  }
0x609: {  	s28 =	simm.s32 $0xC480  }
0x60a: {  	[tilespmem:s28], [sflag:$0x2] =	stream.indirect_vreg.gather [hbm4b:s3+s2], $0x80, v3, vm0, $0xb8;
	[tilespmem:$0x1EC80] =	vst v63  }
0x60b: {  	v3 =	vld [tilespmem:$0x840];
	_ =	sdelay $0x4  }
0x60c: {  	v52 =	vshll.u32 v3, $0x1  }
0x60d: {  	v3 =	vand.u32 $0x7, v3;
	v4 =	vand.u32 $0xFFFFFFF0, v52  }
0x60e: {  	v3 =	vor.u32 v3, v4  }
0x60f: {  	v4 =	vperm.xlane v3, v0;
	_ =	sdelay $0x1  }
0x610: {  	v3 =	vperm.xlane v3, v2;
	v4 =	vadd.s32 v1, v4;
	_ =	sdelay $0x1  }
0x611: {  	v3 =	vadd.s32 v1, v3;
	_ =	sdelay $0x1  }
0x612: {  	s29 =	simm.s32 $0xCC80  }
0x613: {  	[tilespmem:s29], [sflag:$0x2] =	stream.indirect_vreg.gather [hbm4b:s3+s2], $0x80, v4, vm0, $0xb8;
	[tilespmem:$0x1EC80] =	vst v63  }
0x614: {  	s29 =	simm.s32 $0xD480  }
0x615: {  	[tilespmem:s29], [sflag:$0x2] =	stream.indirect_vreg.gather [hbm4b:s3+s2], $0x80, v3, vm0, $0xb8;
	[tilespmem:$0x1EC80] =	vst v63  }
0x616: {  	v3 =	vld [tilespmem:$0x850];
	_ =	sdelay $0x4  }
0x617: {  	v53 =	vshll.u32 v3, $0x1  }
0x618: {  	v3 =	vand.u32 $0x7, v3;
	v4 =	vand.u32 $0xFFFFFFF0, v53  }
0x619: {  	v3 =	vor.u32 v3, v4  }
0x61a: {  	v4 =	vperm.xlane v3, v0;
	_ =	sdelay $0x1  }
0x61b: {  	v3 =	vperm.xlane v3, v2;
	v4 =	vadd.s32 v1, v4;
	_ =	sdelay $0x1  }
0x61c: {  	v3 =	vadd.s32 v1, v3;
	_ =	sdelay $0x1  }
0x61d: {  	s17 =	simm.s32 $0xDC80  }
0x61e: {  	[tilespmem:s17], [sflag:$0x2] =	stream.indirect_vreg.gather [hbm4b:s3+s2], $0x80, v4, vm0, $0xb8;
	[tilespmem:$0x1EC80] =	vst v63  }
0x61f: {  	s17 =	simm.s32 $0xE480  }
0x620: {  	[tilespmem:s17], [sflag:$0x2] =	stream.indirect_vreg.gather [hbm4b:s3+s2], $0x80, v3, vm0, $0xb8;
	[tilespmem:$0x1EC80] =	vst v63  }
0x621: {  	v3 =	vld [tilespmem:$0x860];
	_ =	sdelay $0x4  }
0x622: {  	v54 =	vshll.u32 v3, $0x1  }
0x623: {  	v3 =	vand.u32 $0x7, v3;
	v4 =	vand.u32 $0xFFFFFFF0, v54  }
0x624: {  	v3 =	vor.u32 v3, v4  }
0x625: {  	v4 =	vperm.xlane v3, v0;
	_ =	sdelay $0x1  }
0x626: {  	v3 =	vperm.xlane v3, v2;
	v4 =	vadd.s32 v1, v4;
	_ =	sdelay $0x1  }
0x627: {  	v3 =	vadd.s32 v1, v3;
	_ =	sdelay $0x1  }
0x628: {  	s18 =	simm.s32 $0xEC80  }
0x629: {  	[tilespmem:s18], [sflag:$0x2] =	stream.indirect_vreg.gather [hbm4b:s3+s2], $0x80, v4, vm0, $0xb8;
	[tilespmem:$0x1EC80] =	vst v63  }
0x62a: {  	s18 =	simm.s32 $0xF480  }
0x62b: {  	[tilespmem:s18], [sflag:$0x2] =	stream.indirect_vreg.gather [hbm4b:s3+s2], $0x80, v3, vm0, $0xb8;
	[tilespmem:$0x1EC80] =	vst v63  }
0x62c: {  	v3 =	vld [tilespmem:$0x870];
	_ =	sdelay $0x4  }
0x62d: {  	v55 =	vshll.u32 v3, $0x1  }
0x62e: {  	v3 =	vand.u32 $0x7, v3;
	v4 =	vand.u32 $0xFFFFFFF0, v55  }
0x62f: {  	v3 =	vor.u32 v3, v4  }
0x630: {  	v4 =	vperm.xlane v3, v0;
	_ =	sdelay $0x1  }
0x631: {  	v3 =	vperm.xlane v3, v2;
	v4 =	vadd.s32 v1, v4;
	_ =	sdelay $0x1  }
0x632: {  	v3 =	vadd.s32 v1, v3;
	_ =	sdelay $0x1  }
0x633: {  	s20 =	simm.s32 $0xFC80  }
0x634: {  	[tilespmem:s20], [sflag:$0x2] =	stream.indirect_vreg.gather [hbm4b:s3+s2], $0x80, v4, vm0, $0xb8;
	[tilespmem:$0x1EC80] =	vst v63  }
0x635: {  	s20 =	simm.s32 $0x10480  }
0x636: {  	[tilespmem:s20], [sflag:$0x2] =	stream.indirect_vreg.gather [hbm4b:s3+s2], $0x80, v3, vm0, $0xb8;
	[tilespmem:$0x1EC80] =	vst v63  }
0x637: {  	v3 =	vld [tilespmem:$0x880];
	_ =	sdelay $0x4  }
0x638: {  	v56 =	vshll.u32 v3, $0x1  }
0x639: {  	v3 =	vand.u32 $0x7, v3;
	v4 =	vand.u32 $0xFFFFFFF0, v56  }
0x63a: {  	v3 =	vor.u32 v3, v4  }
0x63b: {  	v4 =	vperm.xlane v3, v0;
	_ =	sdelay $0x1  }
0x63c: {  	v3 =	vperm.xlane v3, v2;
	v4 =	vadd.s32 v1, v4;
	_ =	sdelay $0x1  }
0x63d: {  	v3 =	vadd.s32 v1, v3;
	_ =	sdelay $0x1  }
0x63e: {  	s30 =	simm.s32 $0x10C80  }
0x63f: {  	[tilespmem:s30], [sflag:$0x2] =	stream.indirect_vreg.gather [hbm4b:s3+s2], $0x80, v4, vm0, $0xb8;
	[tilespmem:$0x1EC80] =	vst v63  }
0x640: {  	s26 =	simm.s32 $0x11480  }
0x641: {  	[tilespmem:s26], [sflag:$0x2] =	stream.indirect_vreg.gather [hbm4b:s3+s2], $0x80, v3, vm0, $0xb8;
	[tilespmem:$0x1EC80] =	vst v63  }
0x642: {  	v3 =	vld [tilespmem:$0x890];
	_ =	sdelay $0x4  }
0x643: {  	v57 =	vshll.u32 v3, $0x1  }
0x644: {  	v3 =	vand.u32 $0x7, v3;
	v4 =	vand.u32 $0xFFFFFFF0, v57  }
0x645: {  	v3 =	vor.u32 v3, v4  }
0x646: {  	v4 =	vperm.xlane v3, v0;
	_ =	sdelay $0x1  }
0x647: {  	v3 =	vperm.xlane v3, v2;
	v4 =	vadd.s32 v1, v4;
	_ =	sdelay $0x1  }
0x648: {  	v3 =	vadd.s32 v1, v3;
	_ =	sdelay $0x1  }
0x649: {  	s31 =	simm.s32 $0x11C80  }
0x64a: {  	[tilespmem:s31], [sflag:$0x2] =	stream.indirect_vreg.gather [hbm4b:s3+s2], $0x80, v4, vm0, $0xb8;
	[tilespmem:$0x1EC80] =	vst v63  }
0x64b: {  	s28 =	simm.s32 $0x12480  }
0x64c: {  	[tilespmem:s28], [sflag:$0x2] =	stream.indirect_vreg.gather [hbm4b:s3+s2], $0x80, v3, vm0, $0xb8;
	[tilespmem:$0x1EC80] =	vst v63  }
0x64d: {  	v3 =	vld [tilespmem:$0x8A0];
	_ =	sdelay $0x4  }
0x64e: {  	v58 =	vshll.u32 v3, $0x1  }
0x64f: {  	v3 =	vand.u32 $0x7, v3;
	v4 =	vand.u32 $0xFFFFFFF0, v58  }
0x650: {  	v3 =	vor.u32 v3, v4  }
0x651: {  	v4 =	vperm.xlane v3, v0;
	_ =	sdelay $0x1  }
0x652: {  	v3 =	vperm.xlane v3, v2;
	v4 =	vadd.s32 v1, v4;
	_ =	sdelay $0x1  }
0x653: {  	v3 =	vadd.s32 v1, v3;
	_ =	sdelay $0x1  }
0x654: {  	s29 =	simm.s32 $0x12C80  }
0x655: {  	[tilespmem:s29], [sflag:$0x2] =	stream.indirect_vreg.gather [hbm4b:s3+s2], $0x80, v4, vm0, $0xb8;
	[tilespmem:$0x1EC80] =	vst v63  }
0x656: {  	s30 =	simm.s32 $0x13480  }
0x657: {  	[tilespmem:s30], [sflag:$0x2] =	stream.indirect_vreg.gather [hbm4b:s3+s2], $0x80, v3, vm0, $0xb8;
	[tilespmem:$0x1EC80] =	vst v63  }
0x658: {  	v3 =	vld [tilespmem:$0x8B0];
	_ =	sdelay $0x4  }
0x659: {  	v59 =	vshll.u32 v3, $0x1  }
0x65a: {  	v3 =	vand.u32 $0x7, v3;
	v4 =	vand.u32 $0xFFFFFFF0, v59  }
0x65b: {  	v3 =	vor.u32 v3, v4  }
0x65c: {  	v4 =	vperm.xlane v3, v0;
	_ =	sdelay $0x1  }
0x65d: {  	v3 =	vperm.xlane v3, v2;
	v4 =	vadd.s32 v1, v4;
	_ =	sdelay $0x1  }
0x65e: {  	v3 =	vadd.s32 v1, v3;
	_ =	sdelay $0x1  }
0x65f: {  	s13 =	simm.s32 $0x13C80  }
0x660: {  	[tilespmem:s13], [sflag:$0x2] =	stream.indirect_vreg.gather [hbm4b:s3+s2], $0x80, v4, vm0, $0xb8;
	[tilespmem:$0x1EC80] =	vst v63  }
0x661: {  	s31 =	simm.s32 $0x14480  }
0x662: {  	[tilespmem:s31], [sflag:$0x2] =	stream.indirect_vreg.gather [hbm4b:s3+s2], $0x80, v3, vm0, $0xb8;
	[tilespmem:$0x1EC80] =	vst v63  }
0x663: {  	_ =	swait.ge [sflag:s19], $0xA000  }
0x664: {  	[sflag:s19] =	ssyncset.done $0x0  }
0x665: {  	s1 =	rddreg [dreg:$0x10];
	[sflag:s19] =	ssyncadd.s32 $0xFFFF6000  }
0x666: {  	[hbm4b:s1+s2] =	stream.linear.scatter [tilespmem:s12], [sflag:$0x4], $0xA000, $0x38;
	[tilespmem:$0x1EC80] =	vst v63  }
0x667: {  	_ =	swait.ge [sflag:s23], $0xA000  }
0x668: {  	[sflag:s23] =	ssyncset.done $0x0  }
0x669: {  	[sflag:s23] =	ssyncadd.s32 $0xFFFF6000  }
0x66a: {  	v3 =	vld [tilespmem:$0x8C0];
	_ =	sdelay $0x4  }
0x66b: {  	v60 =	vshll.u32 v3, $0x1  }
0x66c: {  	v3 =	vand.u32 $0x7, v3;
	v4 =	vand.u32 $0xFFFFFFF0, v60  }
0x66d: {  	v3 =	vor.u32 v3, v4  }
0x66e: {  	v4 =	vperm.xlane v3, v0;
	_ =	sdelay $0x1  }
0x66f: {  	v3 =	vperm.xlane v3, v2;
	v4 =	vadd.s32 v1, v4;
	_ =	sdelay $0x1  }
0x670: {  	v3 =	vadd.s32 v1, v3;
	_ =	sdelay $0x2  }
0x671: {  	[tilespmem:s16], [sflag:$0x3] =	stream.indirect_vreg.gather [hbm4b:s3+s2], $0x80, v4, vm0, $0xb8;
	[tilespmem:$0x1EC80] =	vst v63  }
0x672: {  	s13 =	simm.s32 $0x15480  }
0x673: {  	[tilespmem:s13], [sflag:$0x3] =	stream.indirect_vreg.gather [hbm4b:s3+s2], $0x80, v3, vm0, $0xb8;
	[tilespmem:$0x1EC80] =	vst v63  }
0x674: {  	v3 =	vld [tilespmem:$0x8D0];
	_ =	sdelay $0x4  }
0x675: {  	v61 =	vshll.u32 v3, $0x1  }
0x676: {  	v3 =	vand.u32 $0x7, v3;
	v4 =	vand.u32 $0xFFFFFFF0, v61  }
0x677: {  	v3 =	vor.u32 v3, v4  }
0x678: {  	v4 =	vperm.xlane v3, v0;
	_ =	sdelay $0x1  }
0x679: {  	v3 =	vperm.xlane v3, v2;
	v4 =	vadd.s32 v1, v4;
	_ =	sdelay $0x1  }
0x67a: {  	v3 =	vadd.s32 v1, v3;
	_ =	sdelay $0x1  }
0x67b: {  	s17 =	simm.s32 $0x15C80  }
0x67c: {  	[tilespmem:s17], [sflag:$0x3] =	stream.indirect_vreg.gather [hbm4b:s3+s2], $0x80, v4, vm0, $0xb8;
	[tilespmem:$0x1EC80] =	vst v63  }
0x67d: {  	s18 =	simm.s32 $0x16480  }
0x67e: {  	[tilespmem:s18], [sflag:$0x3] =	stream.indirect_vreg.gather [hbm4b:s3+s2], $0x80, v3, vm0, $0xb8;
	[tilespmem:$0x1EC80] =	vst v63  }
0x67f: {  	v3 =	vld [tilespmem:$0x8E0];
	_ =	sdelay $0x4  }
0x680: {  	v62 =	vshll.u32 v3, $0x1  }
0x681: {  	v3 =	vand.u32 $0x7, v3;
	v4 =	vand.u32 $0xFFFFFFF0, v62  }
0x682: {  	v3 =	vor.u32 v3, v4  }
0x683: {  	v4 =	vperm.xlane v3, v0;
	_ =	sdelay $0x1  }
0x684: {  	v3 =	vperm.xlane v3, v2;
	v4 =	vadd.s32 v1, v4;
	_ =	sdelay $0x1  }
0x685: {  	v3 =	vadd.s32 v1, v3;
	_ =	sdelay $0x1  }
0x686: {  	s20 =	simm.s32 $0x16C80  }
0x687: {  	[tilespmem:s20], [sflag:$0x3] =	stream.indirect_vreg.gather [hbm4b:s3+s2], $0x80, v4, vm0, $0xb8;
	[tilespmem:$0x1EC80] =	vst v63  }
0x688: {  	s26 =	simm.s32 $0x17480  }
0x689: {  	[tilespmem:s26], [sflag:$0x3] =	stream.indirect_vreg.gather [hbm4b:s3+s2], $0x80, v3, vm0, $0xb8;
	[tilespmem:$0x1EC80] =	vst v63  }
0x68a: {  	v3 =	vld [tilespmem:$0x8F0];
	_ =	sdelay $0x4  }
0x68b: {  	v63 =	vshll.u32 v3, $0x1  }
0x68c: {  	v3 =	vand.u32 $0x7, v3;
	v4 =	vand.u32 $0xFFFFFFF0, v63  }
0x68d: {  	v3 =	vor.u32 v3, v4  }
0x68e: {  	v4 =	vperm.xlane v3, v0;
	_ =	sdelay $0x1  }
0x68f: {  	v3 =	vperm.xlane v3, v2;
	v4 =	vadd.s32 v1, v4;
	_ =	sdelay $0x1  }
0x690: {  	v3 =	vadd.s32 v1, v3;
	_ =	sdelay $0x1  }
0x691: {  	s28 =	simm.s32 $0x17C80  }
0x692: {  	[tilespmem:s28], [sflag:$0x3] =	stream.indirect_vreg.gather [hbm4b:s3+s2], $0x80, v4, vm0, $0xb8;
	[tilespmem:$0x1EC80] =	vst v63  }
0x693: {  	s29 =	simm.s32 $0x18480  }
0x694: {  	[tilespmem:s29], [sflag:$0x3] =	stream.indirect_vreg.gather [hbm4b:s3+s2], $0x80, v3, vm0, $0xb8;
	[tilespmem:$0x1EC80] =	vst v63  }
0x695: {  	v3 =	vld [tilespmem:$0x900];
	_ =	sdelay $0x4  }
0x696: {  	v8 =	vshll.u32 v3, $0x1  }
0x697: {  	v3 =	vand.u32 $0x7, v3;
	v4 =	vand.u32 $0xFFFFFFF0, v8  }
0x698: {  	v3 =	vor.u32 v3, v4  }
0x699: {  	v4 =	vperm.xlane v3, v0;
	_ =	sdelay $0x1  }
0x69a: {  	v3 =	vperm.xlane v3, v2;
	v4 =	vadd.s32 v1, v4;
	_ =	sdelay $0x1  }
0x69b: {  	v3 =	vadd.s32 v1, v3;
	_ =	sdelay $0x1  }
0x69c: {  	s30 =	simm.s32 $0x18C80  }
0x69d: {  	[tilespmem:s30], [sflag:$0x3] =	stream.indirect_vreg.gather [hbm4b:s3+s2], $0x80, v4, vm0, $0xb8;
	[tilespmem:$0x1EC80] =	vst v63  }
0x69e: {  	s31 =	simm.s32 $0x19480  }
0x69f: {  	[tilespmem:s31], [sflag:$0x3] =	stream.indirect_vreg.gather [hbm4b:s3+s2], $0x80, v3, vm0, $0xb8;
	[tilespmem:$0x1EC80] =	vst v63  }
0x6a0: {  	v3 =	vld [tilespmem:$0x910];
	_ =	sdelay $0x4  }
0x6a1: {  	v9 =	vshll.u32 v3, $0x1  }
0x6a2: {  	v3 =	vand.u32 $0x7, v3;
	v4 =	vand.u32 $0xFFFFFFF0, v9  }
0x6a3: {  	v3 =	vor.u32 v3, v4  }
0x6a4: {  	v4 =	vperm.xlane v3, v0;
	_ =	sdelay $0x1  }
0x6a5: {  	v3 =	vperm.xlane v3, v2;
	v4 =	vadd.s32 v1, v4;
	_ =	sdelay $0x1  }
0x6a6: {  	v3 =	vadd.s32 v1, v3;
	_ =	sdelay $0x1  }
0x6a7: {  	s26 =	simm.s32 $0x19C80  }
0x6a8: {  	[tilespmem:s26], [sflag:$0x3] =	stream.indirect_vreg.gather [hbm4b:s3+s2], $0x80, v4, vm0, $0xb8;
	[tilespmem:$0x1EC80] =	vst v63  }
0x6a9: {  	s28 =	simm.s32 $0x1A480  }
0x6aa: {  	[tilespmem:s28], [sflag:$0x3] =	stream.indirect_vreg.gather [hbm4b:s3+s2], $0x80, v3, vm0, $0xb8;
	[tilespmem:$0x1EC80] =	vst v63  }
0x6ab: {  	v3 =	vld [tilespmem:$0x920];
	_ =	sdelay $0x4  }
0x6ac: {  	v10 =	vshll.u32 v3, $0x1  }
0x6ad: {  	v3 =	vand.u32 $0x7, v3;
	v4 =	vand.u32 $0xFFFFFFF0, v10  }
0x6ae: {  	v3 =	vor.u32 v3, v4  }
0x6af: {  	v4 =	vperm.xlane v3, v0;
	_ =	sdelay $0x1  }
0x6b0: {  	v3 =	vperm.xlane v3, v2;
	v4 =	vadd.s32 v1, v4;
	_ =	sdelay $0x1  }
0x6b1: {  	v3 =	vadd.s32 v1, v3;
	_ =	sdelay $0x1  }
0x6b2: {  	s29 =	simm.s32 $0x1AC80  }
0x6b3: {  	[tilespmem:s29], [sflag:$0x3] =	stream.indirect_vreg.gather [hbm4b:s3+s2], $0x80, v4, vm0, $0xb8;
	[tilespmem:$0x1EC80] =	vst v63  }
0x6b4: {  	s30 =	simm.s32 $0x1B480  }
0x6b5: {  	[tilespmem:s30], [sflag:$0x3] =	stream.indirect_vreg.gather [hbm4b:s3+s2], $0x80, v3, vm0, $0xb8;
	[tilespmem:$0x1EC80] =	vst v63  }
0x6b6: {  	v3 =	vld [tilespmem:$0x930];
	_ =	sdelay $0x4  }
0x6b7: {  	v11 =	vshll.u32 v3, $0x1  }
0x6b8: {  	v3 =	vand.u32 $0x7, v3;
	v4 =	vand.u32 $0xFFFFFFF0, v11  }
0x6b9: {  	v3 =	vor.u32 v3, v4  }
0x6ba: {  	v4 =	vperm.xlane v3, v0;
	_ =	sdelay $0x1  }
0x6bb: {  	v3 =	vperm.xlane v3, v2;
	v4 =	vadd.s32 v1, v4;
	_ =	sdelay $0x1  }
0x6bc: {  	v3 =	vadd.s32 v1, v3;
	_ =	sdelay $0x1  }
0x6bd: {  	s31 =	simm.s32 $0x1BC80  }
0x6be: {  	[tilespmem:s31], [sflag:$0x3] =	stream.indirect_vreg.gather [hbm4b:s3+s2], $0x80, v4, vm0, $0xb8;
	[tilespmem:$0x1EC80] =	vst v63  }
0x6bf: {  	s28 =	simm.s32 $0x1C480  }
0x6c0: {  	[tilespmem:s28], [sflag:$0x3] =	stream.indirect_vreg.gather [hbm4b:s3+s2], $0x80, v3, vm0, $0xb8;
	[tilespmem:$0x1EC80] =	vst v63  }
0x6c1: {  	v3 =	vld [tilespmem:$0x940];
	_ =	sdelay $0x4  }
0x6c2: {  	v12 =	vshll.u32 v3, $0x1  }
0x6c3: {  	v3 =	vand.u32 $0x7, v3;
	v4 =	vand.u32 $0xFFFFFFF0, v12  }
0x6c4: {  	v3 =	vor.u32 v3, v4  }
0x6c5: {  	v4 =	vperm.xlane v3, v0;
	_ =	sdelay $0x1  }
0x6c6: {  	v3 =	vperm.xlane v3, v2;
	v4 =	vadd.s32 v1, v4;
	_ =	sdelay $0x1  }
0x6c7: {  	v3 =	vadd.s32 v1, v3;
	_ =	sdelay $0x1  }
0x6c8: {  	s31 =	simm.s32 $0x1CC80  }
0x6c9: {  	[tilespmem:s31], [sflag:$0x3] =	stream.indirect_vreg.gather [hbm4b:s3+s2], $0x80, v4, vm0, $0xb8;
	[tilespmem:$0x1EC80] =	vst v63  }
0x6ca: {  	s28 =	simm.s32 $0x1D480  }
0x6cb: {  	[tilespmem:s28], [sflag:$0x3] =	stream.indirect_vreg.gather [hbm4b:s3+s2], $0x80, v3, vm0, $0xb8;
	[tilespmem:$0x1EC80] =	vst v63  }
0x6cc: {  	v3 =	vld [tilespmem:$0x950];
	_ =	sdelay $0x4  }
0x6cd: {  	v13 =	vshll.u32 v3, $0x1  }
0x6ce: {  	v3 =	vand.u32 $0x7, v3;
	v4 =	vand.u32 $0xFFFFFFF0, v13  }
0x6cf: {  	v3 =	vor.u32 v3, v4  }
0x6d0: {  	v4 =	vperm.xlane v3, v0;
	_ =	sdelay $0x1  }
0x6d1: {  	v3 =	vperm.xlane v3, v2;
	v4 =	vadd.s32 v1, v4;
	_ =	sdelay $0x1  }
0x6d2: {  	v3 =	vadd.s32 v1, v3;
	_ =	sdelay $0x1  }
0x6d3: {  	s28 =	simm.s32 $0x1DC80  }
0x6d4: {  	[tilespmem:s28], [sflag:$0x3] =	stream.indirect_vreg.gather [hbm4b:s3+s2], $0x80, v4, vm0, $0xb8;
	[tilespmem:$0x1EC80] =	vst v63  }
0x6d5: {  	s28 =	simm.s32 $0x1E480  }
0x6d6: {  	[tilespmem:s28], [sflag:$0x3] =	stream.indirect_vreg.gather [hbm4b:s3+s2], $0x80, v3, vm0, $0xb8;
	[tilespmem:$0x1EC80] =	vst v63  }
0x6d7: {  	_ =	swait.ge [sflag:s21], $0xA000  }
0x6d8: {  	[sflag:s21] =	ssyncset.done $0x0  }
0x6d9: {  	s1 =	rddreg [dreg:$0x11];
	[sflag:s21] =	ssyncadd.s32 $0xFFFF6000  }
0x6da: {  	[hbm4b:s1+s2] =	stream.linear.scatter [tilespmem:s14], [sflag:$0x5], $0xA000, $0x38;
	[tilespmem:$0x1EC80] =	vst v63  }
0x6db: {  	_ =	swait.ge [sflag:s22], $0xA000  }
0x6dc: {  	[sflag:s22] =	ssyncset.done $0x0  }
0x6dd: {  	[sflag:s22] =	ssyncadd.s32 $0xFFFF6000  }
0x6de: {  	v3 =	vld [tilespmem:$0x960];
	_ =	sdelay $0x4  }
0x6df: {  	v14 =	vshll.u32 v3, $0x1  }
0x6e0: {  	v3 =	vand.u32 $0x7, v3;
	v4 =	vand.u32 $0xFFFFFFF0, v14  }
0x6e1: {  	v3 =	vor.u32 v3, v4  }
0x6e2: {  	v4 =	vperm.xlane v3, v0;
	_ =	sdelay $0x1  }
0x6e3: {  	v3 =	vperm.xlane v3, v2;
	v4 =	vadd.s32 v1, v4;
	_ =	sdelay $0x1  }
0x6e4: {  	v3 =	vadd.s32 v1, v3;
	_ =	sdelay $0x2  }
0x6e5: {  	[tilespmem:s12], [sflag:$0x1] =	stream.indirect_vreg.gather [hbm4b:s3+s2], $0x80, v4, vm0, $0xb8;
	[tilespmem:$0x1EC80] =	vst v63  }
0x6e6: {  	s28 =	simm.s32 $0x1480  }
0x6e7: {  	[tilespmem:s28], [sflag:$0x1] =	stream.indirect_vreg.gather [hbm4b:s3+s2], $0x80, v3, vm0, $0xb8;
	[tilespmem:$0x1EC80] =	vst v63  }
0x6e8: {  	v3 =	vld [tilespmem:$0x970];
	_ =	sdelay $0x4  }
0x6e9: {  	v15 =	vshll.u32 v3, $0x1  }
0x6ea: {  	v3 =	vand.u32 $0x7, v3;
	v4 =	vand.u32 $0xFFFFFFF0, v15  }
0x6eb: {  	v3 =	vor.u32 v3, v4  }
0x6ec: {  	v4 =	vperm.xlane v3, v0;
	_ =	sdelay $0x1  }
0x6ed: {  	v3 =	vperm.xlane v3, v2;
	v4 =	vadd.s32 v1, v4;
	_ =	sdelay $0x1  }
0x6ee: {  	v3 =	vadd.s32 v1, v3;
	_ =	sdelay $0x1  }
0x6ef: {  	s28 =	simm.s32 $0x1C80  }
0x6f0: {  	[tilespmem:s28], [sflag:$0x1] =	stream.indirect_vreg.gather [hbm4b:s3+s2], $0x80, v4, vm0, $0xb8;
	[tilespmem:$0x1EC80] =	vst v63  }
0x6f1: {  	s28 =	simm.s32 $0x2480  }
0x6f2: {  	[tilespmem:s28], [sflag:$0x1] =	stream.indirect_vreg.gather [hbm4b:s3+s2], $0x80, v3, vm0, $0xb8;
	[tilespmem:$0x1EC80] =	vst v63  }
0x6f3: {  	v3 =	vld [tilespmem:$0x980];
	_ =	sdelay $0x4  }
0x6f4: {  	v16 =	vshll.u32 v3, $0x1  }
0x6f5: {  	v3 =	vand.u32 $0x7, v3;
	v4 =	vand.u32 $0xFFFFFFF0, v16  }
0x6f6: {  	v3 =	vor.u32 v3, v4  }
0x6f7: {  	v4 =	vperm.xlane v3, v0;
	_ =	sdelay $0x1  }
0x6f8: {  	v3 =	vperm.xlane v3, v2;
	v4 =	vadd.s32 v1, v4;
	_ =	sdelay $0x1  }
0x6f9: {  	v3 =	vadd.s32 v1, v3;
	_ =	sdelay $0x1  }
0x6fa: {  	s28 =	simm.s32 $0x2C80  }
0x6fb: {  	[tilespmem:s28], [sflag:$0x1] =	stream.indirect_vreg.gather [hbm4b:s3+s2], $0x80, v4, vm0, $0xb8;
	[tilespmem:$0x1EC80] =	vst v63  }
0x6fc: {  	s28 =	simm.s32 $0x3480  }
0x6fd: {  	[tilespmem:s28], [sflag:$0x1] =	stream.indirect_vreg.gather [hbm4b:s3+s2], $0x80, v3, vm0, $0xb8;
	[tilespmem:$0x1EC80] =	vst v63  }
0x6fe: {  	v3 =	vld [tilespmem:$0x990];
	_ =	sdelay $0x4  }
0x6ff: {  	v17 =	vshll.u32 v3, $0x1  }
0x700: {  	v3 =	vand.u32 $0x7, v3;
	v4 =	vand.u32 $0xFFFFFFF0, v17  }
0x701: {  	v3 =	vor.u32 v3, v4  }
0x702: {  	v4 =	vperm.xlane v3, v0;
	_ =	sdelay $0x1  }
0x703: {  	v3 =	vperm.xlane v3, v2;
	v4 =	vadd.s32 v1, v4;
	_ =	sdelay $0x1  }
0x704: {  	v3 =	vadd.s32 v1, v3;
	_ =	sdelay $0x1  }
0x705: {  	s28 =	simm.s32 $0x3C80  }
0x706: {  	[tilespmem:s28], [sflag:$0x1] =	stream.indirect_vreg.gather [hbm4b:s3+s2], $0x80, v4, vm0, $0xb8;
	[tilespmem:$0x1EC80] =	vst v63  }
0x707: {  	s28 =	simm.s32 $0x4480  }
0x708: {  	[tilespmem:s28], [sflag:$0x1] =	stream.indirect_vreg.gather [hbm4b:s3+s2], $0x80, v3, vm0, $0xb8;
	[tilespmem:$0x1EC80] =	vst v63  }
0x709: {  	v3 =	vld [tilespmem:$0x9A0];
	_ =	sdelay $0x4  }
0x70a: {  	v18 =	vshll.u32 v3, $0x1  }
0x70b: {  	v3 =	vand.u32 $0x7, v3;
	v4 =	vand.u32 $0xFFFFFFF0, v18  }
0x70c: {  	v3 =	vor.u32 v3, v4  }
0x70d: {  	v4 =	vperm.xlane v3, v0;
	_ =	sdelay $0x1  }
0x70e: {  	v3 =	vperm.xlane v3, v2;
	v4 =	vadd.s32 v1, v4;
	_ =	sdelay $0x1  }
0x70f: {  	v3 =	vadd.s32 v1, v3;
	_ =	sdelay $0x1  }
0x710: {  	s0 =	simm.s32 $0x4C80  }
0x711: {  	[tilespmem:s0], [sflag:$0x1] =	stream.indirect_vreg.gather [hbm4b:s3+s2], $0x80, v4, vm0, $0xb8;
	[tilespmem:$0x1EC80] =	vst v63  }
0x712: {  	s28 =	simm.s32 $0x5480  }
0x713: {  	[tilespmem:s28], [sflag:$0x1] =	stream.indirect_vreg.gather [hbm4b:s3+s2], $0x80, v3, vm0, $0xb8;
	[tilespmem:$0x1EC80] =	vst v63  }
0x714: {  	v3 =	vld [tilespmem:$0x9B0];
	_ =	sdelay $0x4  }
0x715: {  	v19 =	vshll.u32 v3, $0x1  }
0x716: {  	v3 =	vand.u32 $0x7, v3;
	v4 =	vand.u32 $0xFFFFFFF0, v19  }
0x717: {  	v3 =	vor.u32 v3, v4  }
0x718: {  	v4 =	vperm.xlane v3, v0;
	_ =	sdelay $0x1  }
0x719: {  	v3 =	vperm.xlane v3, v2;
	v4 =	vadd.s32 v1, v4;
	_ =	sdelay $0x1  }
0x71a: {  	v3 =	vadd.s32 v1, v3;
	_ =	sdelay $0x1  }
0x71b: {  	s5 =	simm.s32 $0x5C80  }
0x71c: {  	[tilespmem:s5], [sflag:$0x1] =	stream.indirect_vreg.gather [hbm4b:s3+s2], $0x80, v4, vm0, $0xb8;
	[tilespmem:$0x1EC80] =	vst v63  }
0x71d: {  	s28 =	simm.s32 $0x6480  }
0x71e: {  	[tilespmem:s28], [sflag:$0x1] =	stream.indirect_vreg.gather [hbm4b:s3+s2], $0x80, v3, vm0, $0xb8;
	[tilespmem:$0x1EC80] =	vst v63  }
0x71f: {  	v3 =	vld [tilespmem:$0x9C0];
	_ =	sdelay $0x4  }
0x720: {  	v20 =	vshll.u32 v3, $0x1  }
0x721: {  	v3 =	vand.u32 $0x7, v3;
	v4 =	vand.u32 $0xFFFFFFF0, v20  }
0x722: {  	v3 =	vor.u32 v3, v4  }
0x723: {  	v4 =	vperm.xlane v3, v0;
	_ =	sdelay $0x1  }
0x724: {  	v3 =	vperm.xlane v3, v2;
	v4 =	vadd.s32 v1, v4;
	_ =	sdelay $0x1  }
0x725: {  	v3 =	vadd.s32 v1, v3;
	_ =	sdelay $0x1  }
0x726: {  	s15 =	simm.s32 $0x6C80  }
0x727: {  	[tilespmem:s15], [sflag:$0x1] =	stream.indirect_vreg.gather [hbm4b:s3+s2], $0x80, v4, vm0, $0xb8;
	[tilespmem:$0x1EC80] =	vst v63  }
0x728: {  	s8 =	simm.s32 $0x7480  }
0x729: {  	[tilespmem:s8], [sflag:$0x1] =	stream.indirect_vreg.gather [hbm4b:s3+s2], $0x80, v3, vm0, $0xb8;
	[tilespmem:$0x1EC80] =	vst v63  }
0x72a: {  	v3 =	vld [tilespmem:$0x9D0];
	_ =	sdelay $0x4  }
0x72b: {  	v21 =	vshll.u32 v3, $0x1  }
0x72c: {  	v3 =	vand.u32 $0x7, v3;
	v4 =	vand.u32 $0xFFFFFFF0, v21  }
0x72d: {  	v3 =	vor.u32 v3, v4  }
0x72e: {  	v4 =	vperm.xlane v3, v0;
	_ =	sdelay $0x1  }
0x72f: {  	v3 =	vperm.xlane v3, v2;
	v4 =	vadd.s32 v1, v4;
	_ =	sdelay $0x1  }
0x730: {  	v3 =	vadd.s32 v1, v3;
	_ =	sdelay $0x1  }
0x731: {  	s4 =	simm.s32 $0x7C80  }
0x732: {  	[tilespmem:s4], [sflag:$0x1] =	stream.indirect_vreg.gather [hbm4b:s3+s2], $0x80, v4, vm0, $0xb8;
	[tilespmem:$0x1EC80] =	vst v63  }
0x733: {  	s9 =	simm.s32 $0x8480  }
0x734: {  	[tilespmem:s9], [sflag:$0x1] =	stream.indirect_vreg.gather [hbm4b:s3+s2], $0x80, v3, vm0, $0xb8;
	[tilespmem:$0x1EC80] =	vst v63  }
0x735: {  	v3 =	vld [tilespmem:$0x9E0];
	_ =	sdelay $0x4  }
0x736: {  	v22 =	vshll.u32 v3, $0x1  }
0x737: {  	v3 =	vand.u32 $0x7, v3;
	v4 =	vand.u32 $0xFFFFFFF0, v22  }
0x738: {  	v3 =	vor.u32 v3, v4  }
0x739: {  	v4 =	vperm.xlane v3, v0;
	_ =	sdelay $0x1  }
0x73a: {  	v3 =	vperm.xlane v3, v2;
	v4 =	vadd.s32 v1, v4;
	_ =	sdelay $0x1  }
0x73b: {  	v3 =	vadd.s32 v1, v3;
	_ =	sdelay $0x1  }
0x73c: {  	s6 =	simm.s32 $0x8C80  }
0x73d: {  	[tilespmem:s6], [sflag:$0x1] =	stream.indirect_vreg.gather [hbm4b:s3+s2], $0x80, v4, vm0, $0xb8;
	[tilespmem:$0x1EC80] =	vst v63  }
0x73e: {  	s10 =	simm.s32 $0x9480  }
0x73f: {  	[tilespmem:s10], [sflag:$0x1] =	stream.indirect_vreg.gather [hbm4b:s3+s2], $0x80, v3, vm0, $0xb8;
	[tilespmem:$0x1EC80] =	vst v63  }
0x740: {  	v3 =	vld [tilespmem:$0x9F0];
	_ =	sdelay $0x4  }
0x741: {  	v23 =	vshll.u32 v3, $0x1  }
0x742: {  	v3 =	vand.u32 $0x7, v3;
	v4 =	vand.u32 $0xFFFFFFF0, v23  }
0x743: {  	v3 =	vor.u32 v3, v4  }
0x744: {  	v4 =	vperm.xlane v3, v0;
	_ =	sdelay $0x1  }
0x745: {  	v3 =	vperm.xlane v3, v2;
	v4 =	vadd.s32 v1, v4;
	_ =	sdelay $0x1  }
0x746: {  	v3 =	vadd.s32 v1, v3;
	_ =	sdelay $0x1  }
0x747: {  	s7 =	simm.s32 $0x9C80  }
0x748: {  	[tilespmem:s7], [sflag:$0x1] =	stream.indirect_vreg.gather [hbm4b:s3+s2], $0x80, v4, vm0, $0xb8;
	[tilespmem:$0x1EC80] =	vst v63  }
0x749: {  	s11 =	simm.s32 $0xA480  }
0x74a: {  	[tilespmem:s11], [sflag:$0x1] =	stream.indirect_vreg.gather [hbm4b:s3+s2], $0x80, v3, vm0, $0xb8;
	[tilespmem:$0x1EC80] =	vst v63  }
0x74b: {  	_ =	swait.ge [sflag:s25], $0xA000  }
0x74c: {  	[sflag:s25] =	ssyncset.done $0x0  }
0x74d: {  	s11 =	rddreg [dreg:$0x12];
	[sflag:s25] =	ssyncadd.s32 $0xFFFF6000  }
0x74e: {  	[hbm4b:s11+s2] =	stream.linear.scatter [tilespmem:s16], [sflag:$0x6], $0xA000, $0x38;
	[tilespmem:$0x1EC80] =	vst v63  }
0x74f: {  	_ =	swait.ge [sflag:s24], $0xA000  }
0x750: {  	[sflag:s24] =	ssyncset.done $0x0  }
0x751: {  	[sflag:s24] =	ssyncadd.s32 $0xFFFF6000  }
0x752: {  	v3 =	vld [tilespmem:$0xA00];
	_ =	sdelay $0x4  }
0x753: {  	v24 =	vshll.u32 v3, $0x1  }
0x754: {  	v3 =	vand.u32 $0x7, v3;
	v4 =	vand.u32 $0xFFFFFFF0, v24  }
0x755: {  	v3 =	vor.u32 v3, v4  }
0x756: {  	v4 =	vperm.xlane v3, v0;
	_ =	sdelay $0x1  }
0x757: {  	v3 =	vperm.xlane v3, v2;
	v4 =	vadd.s32 v1, v4;
	_ =	sdelay $0x1  }
0x758: {  	v3 =	vadd.s32 v1, v3;
	_ =	sdelay $0x2  }
0x759: {  	[tilespmem:s14], [sflag:$0x2] =	stream.indirect_vreg.gather [hbm4b:s3+s2], $0x80, v4, vm0, $0xb8;
	[tilespmem:$0x1EC80] =	vst v63  }
0x75a: {  	s28 =	simm.s32 $0xB480  }
0x75b: {  	[tilespmem:s28], [sflag:$0x2] =	stream.indirect_vreg.gather [hbm4b:s3+s2], $0x80, v3, vm0, $0xb8;
	[tilespmem:$0x1EC80] =	vst v63  }
0x75c: {  	v3 =	vld [tilespmem:$0xA10];
	_ =	sdelay $0x4  }
0x75d: {  	v25 =	vshll.u32 v3, $0x1  }
0x75e: {  	v3 =	vand.u32 $0x7, v3;
	v4 =	vand.u32 $0xFFFFFFF0, v25  }
0x75f: {  	v3 =	vor.u32 v3, v4  }
0x760: {  	v4 =	vperm.xlane v3, v0;
	_ =	sdelay $0x1  }
0x761: {  	v3 =	vperm.xlane v3, v2;
	v4 =	vadd.s32 v1, v4;
	_ =	sdelay $0x1  }
0x762: {  	v3 =	vadd.s32 v1, v3;
	_ =	sdelay $0x1  }
0x763: {  	s28 =	simm.s32 $0xBC80  }
0x764: {  	[tilespmem:s28], [sflag:$0x2] =	stream.indirect_vreg.gather [hbm4b:s3+s2], $0x80, v4, vm0, $0xb8;
	[tilespmem:$0x1EC80] =	vst v63  }
0x765: {  	s28 =	simm.s32 $0xC480  }
0x766: {  	[tilespmem:s28], [sflag:$0x2] =	stream.indirect_vreg.gather [hbm4b:s3+s2], $0x80, v3, vm0, $0xb8;
	[tilespmem:$0x1EC80] =	vst v63  }
0x767: {  	v3 =	vld [tilespmem:$0xA20];
	_ =	sdelay $0x4  }
0x768: {  	v26 =	vshll.u32 v3, $0x1  }
0x769: {  	v3 =	vand.u32 $0x7, v3;
	v4 =	vand.u32 $0xFFFFFFF0, v26  }
0x76a: {  	v3 =	vor.u32 v3, v4  }
0x76b: {  	v4 =	vperm.xlane v3, v0;
	_ =	sdelay $0x1  }
0x76c: {  	v3 =	vperm.xlane v3, v2;
	v4 =	vadd.s32 v1, v4;
	_ =	sdelay $0x1  }
0x76d: {  	v3 =	vadd.s32 v1, v3;
	_ =	sdelay $0x1  }
0x76e: {  	s28 =	simm.s32 $0xCC80  }
0x76f: {  	[tilespmem:s28], [sflag:$0x2] =	stream.indirect_vreg.gather [hbm4b:s3+s2], $0x80, v4, vm0, $0xb8;
	[tilespmem:$0x1EC80] =	vst v63  }
0x770: {  	s28 =	simm.s32 $0xD480  }
0x771: {  	[tilespmem:s28], [sflag:$0x2] =	stream.indirect_vreg.gather [hbm4b:s3+s2], $0x80, v3, vm0, $0xb8;
	[tilespmem:$0x1EC80] =	vst v63  }
0x772: {  	v3 =	vld [tilespmem:$0xA30];
	_ =	sdelay $0x4  }
0x773: {  	v27 =	vshll.u32 v3, $0x1  }
0x774: {  	v3 =	vand.u32 $0x7, v3;
	v4 =	vand.u32 $0xFFFFFFF0, v27  }
0x775: {  	v3 =	vor.u32 v3, v4  }
0x776: {  	v4 =	vperm.xlane v3, v0;
	_ =	sdelay $0x1  }
0x777: {  	v3 =	vperm.xlane v3, v2;
	v4 =	vadd.s32 v1, v4;
	_ =	sdelay $0x1  }
0x778: {  	v3 =	vadd.s32 v1, v3;
	_ =	sdelay $0x1  }
0x779: {  	s28 =	simm.s32 $0xDC80  }
0x77a: {  	[tilespmem:s28], [sflag:$0x2] =	stream.indirect_vreg.gather [hbm4b:s3+s2], $0x80, v4, vm0, $0xb8;
	[tilespmem:$0x1EC80] =	vst v63  }
0x77b: {  	s28 =	simm.s32 $0xE480  }
0x77c: {  	[tilespmem:s28], [sflag:$0x2] =	stream.indirect_vreg.gather [hbm4b:s3+s2], $0x80, v3, vm0, $0xb8;
	[tilespmem:$0x1EC80] =	vst v63  }
0x77d: {  	v3 =	vld [tilespmem:$0xA40];
	_ =	sdelay $0x4  }
0x77e: {  	v28 =	vshll.u32 v3, $0x1  }
0x77f: {  	v3 =	vand.u32 $0x7, v3;
	v4 =	vand.u32 $0xFFFFFFF0, v28  }
0x780: {  	v3 =	vor.u32 v3, v4  }
0x781: {  	v4 =	vperm.xlane v3, v0;
	_ =	sdelay $0x1  }
0x782: {  	v3 =	vperm.xlane v3, v2;
	v4 =	vadd.s32 v1, v4;
	_ =	sdelay $0x1  }
0x783: {  	v3 =	vadd.s32 v1, v3;
	_ =	sdelay $0x1  }
0x784: {  	s28 =	simm.s32 $0xEC80  }
0x785: {  	[tilespmem:s28], [sflag:$0x2] =	stream.indirect_vreg.gather [hbm4b:s3+s2], $0x80, v4, vm0, $0xb8;
	[tilespmem:$0x1EC80] =	vst v63  }
0x786: {  	s28 =	simm.s32 $0xF480  }
0x787: {  	[tilespmem:s28], [sflag:$0x2] =	stream.indirect_vreg.gather [hbm4b:s3+s2], $0x80, v3, vm0, $0xb8;
	[tilespmem:$0x1EC80] =	vst v63  }
0x788: {  	v3 =	vld [tilespmem:$0xA50];
	_ =	sdelay $0x4  }
0x789: {  	v29 =	vshll.u32 v3, $0x1  }
0x78a: {  	v3 =	vand.u32 $0x7, v3;
	v4 =	vand.u32 $0xFFFFFFF0, v29  }
0x78b: {  	v3 =	vor.u32 v3, v4  }
0x78c: {  	v4 =	vperm.xlane v3, v0;
	_ =	sdelay $0x1  }
0x78d: {  	v3 =	vperm.xlane v3, v2;
	v4 =	vadd.s32 v1, v4;
	_ =	sdelay $0x1  }
0x78e: {  	v3 =	vadd.s32 v1, v3;
	_ =	sdelay $0x1  }
0x78f: {  	s28 =	simm.s32 $0xFC80  }
0x790: {  	[tilespmem:s28], [sflag:$0x2] =	stream.indirect_vreg.gather [hbm4b:s3+s2], $0x80, v4, vm0, $0xb8;
	[tilespmem:$0x1EC80] =	vst v63  }
0x791: {  	s28 =	simm.s32 $0x10480  }
0x792: {  	[tilespmem:s28], [sflag:$0x2] =	stream.indirect_vreg.gather [hbm4b:s3+s2], $0x80, v3, vm0, $0xb8;
	[tilespmem:$0x1EC80] =	vst v63  }
0x793: {  	v3 =	vld [tilespmem:$0xA60];
	_ =	sdelay $0x4  }
0x794: {  	v30 =	vshll.u32 v3, $0x1  }
0x795: {  	v3 =	vand.u32 $0x7, v3;
	v4 =	vand.u32 $0xFFFFFFF0, v30  }
0x796: {  	v3 =	vor.u32 v3, v4  }
0x797: {  	v4 =	vperm.xlane v3, v0;
	_ =	sdelay $0x1  }
0x798: {  	v3 =	vperm.xlane v3, v2;
	v4 =	vadd.s32 v1, v4;
	_ =	sdelay $0x1  }
0x799: {  	v3 =	vadd.s32 v1, v3;
	_ =	sdelay $0x1  }
0x79a: {  	s28 =	simm.s32 $0x10C80  }
0x79b: {  	[tilespmem:s28], [sflag:$0x2] =	stream.indirect_vreg.gather [hbm4b:s3+s2], $0x80, v4, vm0, $0xb8;
	[tilespmem:$0x1EC80] =	vst v63  }
0x79c: {  	s28 =	simm.s32 $0x11480  }
0x79d: {  	[tilespmem:s28], [sflag:$0x2] =	stream.indirect_vreg.gather [hbm4b:s3+s2], $0x80, v3, vm0, $0xb8;
	[tilespmem:$0x1EC80] =	vst v63  }
0x79e: {  	v3 =	vld [tilespmem:$0xA70];
	_ =	sdelay $0x4  }
0x79f: {  	v31 =	vshll.u32 v3, $0x1  }
0x7a0: {  	v3 =	vand.u32 $0x7, v3;
	v4 =	vand.u32 $0xFFFFFFF0, v31  }
0x7a1: {  	v3 =	vor.u32 v3, v4  }
0x7a2: {  	v4 =	vperm.xlane v3, v0;
	_ =	sdelay $0x1  }
0x7a3: {  	v3 =	vperm.xlane v3, v2;
	v4 =	vadd.s32 v1, v4;
	_ =	sdelay $0x1  }
0x7a4: {  	v3 =	vadd.s32 v1, v3;
	_ =	sdelay $0x1  }
0x7a5: {  	s28 =	simm.s32 $0x11C80  }
0x7a6: {  	[tilespmem:s28], [sflag:$0x2] =	stream.indirect_vreg.gather [hbm4b:s3+s2], $0x80, v4, vm0, $0xb8;
	[tilespmem:$0x1EC80] =	vst v63  }
0x7a7: {  	s28 =	simm.s32 $0x12480  }
0x7a8: {  	[tilespmem:s28], [sflag:$0x2] =	stream.indirect_vreg.gather [hbm4b:s3+s2], $0x80, v3, vm0, $0xb8;
	[tilespmem:$0x1EC80] =	vst v63  }
0x7a9: {  	v3 =	vld [tilespmem:$0xA80];
	_ =	sdelay $0x4  }
0x7aa: {  	v32 =	vshll.u32 v3, $0x1  }
0x7ab: {  	v3 =	vand.u32 $0x7, v3;
	v4 =	vand.u32 $0xFFFFFFF0, v32  }
0x7ac: {  	v3 =	vor.u32 v3, v4  }
0x7ad: {  	v4 =	vperm.xlane v3, v0;
	_ =	sdelay $0x1  }
0x7ae: {  	v3 =	vperm.xlane v3, v2;
	v4 =	vadd.s32 v1, v4;
	_ =	sdelay $0x1  }
0x7af: {  	v3 =	vadd.s32 v1, v3;
	_ =	sdelay $0x1  }
0x7b0: {  	s28 =	simm.s32 $0x12C80  }
0x7b1: {  	[tilespmem:s28], [sflag:$0x2] =	stream.indirect_vreg.gather [hbm4b:s3+s2], $0x80, v4, vm0, $0xb8;
	[tilespmem:$0x1EC80] =	vst v63  }
0x7b2: {  	s28 =	simm.s32 $0x13480  }
0x7b3: {  	[tilespmem:s28], [sflag:$0x2] =	stream.indirect_vreg.gather [hbm4b:s3+s2], $0x80, v3, vm0, $0xb8;
	[tilespmem:$0x1EC80] =	vst v63  }
0x7b4: {  	v3 =	vld [tilespmem:$0xA90];
	_ =	sdelay $0x4  }
0x7b5: {  	v33 =	vshll.u32 v3, $0x1  }
0x7b6: {  	v3 =	vand.u32 $0x7, v3;
	v4 =	vand.u32 $0xFFFFFFF0, v33  }
0x7b7: {  	v3 =	vor.u32 v3, v4  }
0x7b8: {  	v4 =	vperm.xlane v3, v0;
	_ =	sdelay $0x1  }
0x7b9: {  	v3 =	vperm.xlane v3, v2;
	v4 =	vadd.s32 v1, v4;
	_ =	sdelay $0x1  }
0x7ba: {  	v3 =	vadd.s32 v1, v3;
	_ =	sdelay $0x1  }
0x7bb: {  	s28 =	simm.s32 $0x13C80  }
0x7bc: {  	[tilespmem:s28], [sflag:$0x2] =	stream.indirect_vreg.gather [hbm4b:s3+s2], $0x80, v4, vm0, $0xb8;
	[tilespmem:$0x1EC80] =	vst v63  }
0x7bd: {  	s28 =	simm.s32 $0x14480  }
0x7be: {  	[tilespmem:s28], [sflag:$0x2] =	stream.indirect_vreg.gather [hbm4b:s3+s2], $0x80, v3, vm0, $0xb8;
	[tilespmem:$0x1EC80] =	vst v63  }
0x7bf: {  	_ =	swait.ge [sflag:s19], $0xA000  }
0x7c0: {  	[sflag:s19] =	ssyncset.done $0x0  }
0x7c1: {  	s28 =	rddreg [dreg:$0x13];
	[sflag:s19] =	ssyncadd.s32 $0xFFFF6000  }
0x7c2: {  	[hbm4b:s28+s2] =	stream.linear.scatter [tilespmem:s12], [sflag:$0x4], $0xA000, $0x38;
	[tilespmem:$0x1EC80] =	vst v63  }
0x7c3: {  	_ =	swait.ge [sflag:s23], $0xA000  }
0x7c4: {  	[sflag:s23] =	ssyncset.done $0x0  }
0x7c5: {  	[sflag:s23] =	ssyncadd.s32 $0xFFFF6000  }
0x7c6: {  	v3 =	vld [tilespmem:$0xAA0];
	_ =	sdelay $0x4  }
0x7c7: {  	v34 =	vshll.u32 v3, $0x1  }
0x7c8: {  	v3 =	vand.u32 $0x7, v3;
	v4 =	vand.u32 $0xFFFFFFF0, v34  }
0x7c9: {  	v3 =	vor.u32 v3, v4  }
0x7ca: {  	v4 =	vperm.xlane v3, v0;
	_ =	sdelay $0x1  }
0x7cb: {  	v3 =	vperm.xlane v3, v2;
	v4 =	vadd.s32 v1, v4;
	_ =	sdelay $0x1  }
0x7cc: {  	v3 =	vadd.s32 v1, v3;
	_ =	sdelay $0x2  }
0x7cd: {  	[tilespmem:s16], [sflag:$0x3] =	stream.indirect_vreg.gather [hbm4b:s3+s2], $0x80, v4, vm0, $0xb8;
	[tilespmem:$0x1EC80] =	vst v63  }
0x7ce: {  	s28 =	simm.s32 $0x15480  }
0x7cf: {  	[tilespmem:s28], [sflag:$0x3] =	stream.indirect_vreg.gather [hbm4b:s3+s2], $0x80, v3, vm0, $0xb8;
	[tilespmem:$0x1EC80] =	vst v63  }
0x7d0: {  	v3 =	vld [tilespmem:$0xAB0];
	_ =	sdelay $0x4  }
0x7d1: {  	v35 =	vshll.u32 v3, $0x1  }
0x7d2: {  	v3 =	vand.u32 $0x7, v3;
	v4 =	vand.u32 $0xFFFFFFF0, v35  }
0x7d3: {  	v3 =	vor.u32 v3, v4  }
0x7d4: {  	v4 =	vperm.xlane v3, v0;
	_ =	sdelay $0x1  }
0x7d5: {  	v3 =	vperm.xlane v3, v2;
	v4 =	vadd.s32 v1, v4;
	_ =	sdelay $0x1  }
0x7d6: {  	v3 =	vadd.s32 v1, v3;
	_ =	sdelay $0x1  }
0x7d7: {  	s13 =	simm.s32 $0x15C80  }
0x7d8: {  	[tilespmem:s13], [sflag:$0x3] =	stream.indirect_vreg.gather [hbm4b:s3+s2], $0x80, v4, vm0, $0xb8;
	[tilespmem:$0x1EC80] =	vst v63  }
0x7d9: {  	s28 =	simm.s32 $0x16480  }
0x7da: {  	[tilespmem:s28], [sflag:$0x3] =	stream.indirect_vreg.gather [hbm4b:s3+s2], $0x80, v3, vm0, $0xb8;
	[tilespmem:$0x1EC80] =	vst v63  }
0x7db: {  	v3 =	vld [tilespmem:$0xAC0];
	_ =	sdelay $0x4  }
0x7dc: {  	v36 =	vshll.u32 v3, $0x1  }
0x7dd: {  	v3 =	vand.u32 $0x7, v3;
	v4 =	vand.u32 $0xFFFFFFF0, v36  }
0x7de: {  	v3 =	vor.u32 v3, v4  }
0x7df: {  	v4 =	vperm.xlane v3, v0;
	_ =	sdelay $0x1  }
0x7e0: {  	v3 =	vperm.xlane v3, v2;
	v4 =	vadd.s32 v1, v4;
	_ =	sdelay $0x1  }
0x7e1: {  	v3 =	vadd.s32 v1, v3;
	_ =	sdelay $0x1  }
0x7e2: {  	s17 =	simm.s32 $0x16C80  }
0x7e3: {  	[tilespmem:s17], [sflag:$0x3] =	stream.indirect_vreg.gather [hbm4b:s3+s2], $0x80, v4, vm0, $0xb8;
	[tilespmem:$0x1EC80] =	vst v63  }
0x7e4: {  	s17 =	simm.s32 $0x17480  }
0x7e5: {  	[tilespmem:s17], [sflag:$0x3] =	stream.indirect_vreg.gather [hbm4b:s3+s2], $0x80, v3, vm0, $0xb8;
	[tilespmem:$0x1EC80] =	vst v63  }
0x7e6: {  	v3 =	vld [tilespmem:$0xAD0];
	_ =	sdelay $0x4  }
0x7e7: {  	v37 =	vshll.u32 v3, $0x1  }
0x7e8: {  	v3 =	vand.u32 $0x7, v3;
	v4 =	vand.u32 $0xFFFFFFF0, v37  }
0x7e9: {  	v3 =	vor.u32 v3, v4  }
0x7ea: {  	v4 =	vperm.xlane v3, v0;
	_ =	sdelay $0x1  }
0x7eb: {  	v3 =	vperm.xlane v3, v2;
	v4 =	vadd.s32 v1, v4;
	_ =	sdelay $0x1  }
0x7ec: {  	v3 =	vadd.s32 v1, v3;
	_ =	sdelay $0x1  }
0x7ed: {  	s18 =	simm.s32 $0x17C80  }
0x7ee: {  	[tilespmem:s18], [sflag:$0x3] =	stream.indirect_vreg.gather [hbm4b:s3+s2], $0x80, v4, vm0, $0xb8;
	[tilespmem:$0x1EC80] =	vst v63  }
0x7ef: {  	s18 =	simm.s32 $0x18480  }
0x7f0: {  	[tilespmem:s18], [sflag:$0x3] =	stream.indirect_vreg.gather [hbm4b:s3+s2], $0x80, v3, vm0, $0xb8;
	[tilespmem:$0x1EC80] =	vst v63  }
0x7f1: {  	v3 =	vld [tilespmem:$0xAE0];
	_ =	sdelay $0x4  }
0x7f2: {  	v38 =	vshll.u32 v3, $0x1  }
0x7f3: {  	v3 =	vand.u32 $0x7, v3;
	v4 =	vand.u32 $0xFFFFFFF0, v38  }
0x7f4: {  	v3 =	vor.u32 v3, v4  }
0x7f5: {  	v4 =	vperm.xlane v3, v0;
	_ =	sdelay $0x1  }
0x7f6: {  	v3 =	vperm.xlane v3, v2;
	v4 =	vadd.s32 v1, v4;
	_ =	sdelay $0x1  }
0x7f7: {  	v3 =	vadd.s32 v1, v3;
	_ =	sdelay $0x1  }
0x7f8: {  	s20 =	simm.s32 $0x18C80  }
0x7f9: {  	[tilespmem:s20], [sflag:$0x3] =	stream.indirect_vreg.gather [hbm4b:s3+s2], $0x80, v4, vm0, $0xb8;
	[tilespmem:$0x1EC80] =	vst v63  }
0x7fa: {  	s20 =	simm.s32 $0x19480  }
0x7fb: {  	[tilespmem:s20], [sflag:$0x3] =	stream.indirect_vreg.gather [hbm4b:s3+s2], $0x80, v3, vm0, $0xb8;
	[tilespmem:$0x1EC80] =	vst v63  }
0x7fc: {  	v3 =	vld [tilespmem:$0xAF0];
	_ =	sdelay $0x4  }
0x7fd: {  	v39 =	vshll.u32 v3, $0x1  }
0x7fe: {  	v3 =	vand.u32 $0x7, v3;
	v4 =	vand.u32 $0xFFFFFFF0, v39  }
0x7ff: {  	v3 =	vor.u32 v3, v4  }
0x800: {  	v4 =	vperm.xlane v3, v0;
	_ =	sdelay $0x1  }
0x801: {  	v3 =	vperm.xlane v3, v2;
	v4 =	vadd.s32 v1, v4;
	_ =	sdelay $0x1  }
0x802: {  	v3 =	vadd.s32 v1, v3;
	_ =	sdelay $0x1  }
0x803: {  	s26 =	simm.s32 $0x19C80  }
0x804: {  	[tilespmem:s26], [sflag:$0x3] =	stream.indirect_vreg.gather [hbm4b:s3+s2], $0x80, v4, vm0, $0xb8;
	[tilespmem:$0x1EC80] =	vst v63  }
0x805: {  	s28 =	simm.s32 $0x1A480  }
0x806: {  	[tilespmem:s28], [sflag:$0x3] =	stream.indirect_vreg.gather [hbm4b:s3+s2], $0x80, v3, vm0, $0xb8;
	[tilespmem:$0x1EC80] =	vst v63  }
0x807: {  	v3 =	vld [tilespmem:$0xB00];
	_ =	sdelay $0x4  }
0x808: {  	v40 =	vshll.u32 v3, $0x1  }
0x809: {  	v3 =	vand.u32 $0x7, v3;
	v4 =	vand.u32 $0xFFFFFFF0, v40  }
0x80a: {  	v3 =	vor.u32 v3, v4  }
0x80b: {  	v4 =	vperm.xlane v3, v0;
	_ =	sdelay $0x1  }
0x80c: {  	v3 =	vperm.xlane v3, v2;
	v4 =	vadd.s32 v1, v4;
	_ =	sdelay $0x1  }
0x80d: {  	v3 =	vadd.s32 v1, v3;
	_ =	sdelay $0x1  }
0x80e: {  	s29 =	simm.s32 $0x1AC80  }
0x80f: {  	[tilespmem:s29], [sflag:$0x3] =	stream.indirect_vreg.gather [hbm4b:s3+s2], $0x80, v4, vm0, $0xb8;
	[tilespmem:$0x1EC80] =	vst v63  }
0x810: {  	s29 =	simm.s32 $0x1B480  }
0x811: {  	[tilespmem:s29], [sflag:$0x3] =	stream.indirect_vreg.gather [hbm4b:s3+s2], $0x80, v3, vm0, $0xb8;
	[tilespmem:$0x1EC80] =	vst v63  }
0x812: {  	v3 =	vld [tilespmem:$0xB10];
	_ =	sdelay $0x4  }
0x813: {  	v41 =	vshll.u32 v3, $0x1  }
0x814: {  	v3 =	vand.u32 $0x7, v3;
	v4 =	vand.u32 $0xFFFFFFF0, v41  }
0x815: {  	v3 =	vor.u32 v3, v4  }
0x816: {  	v4 =	vperm.xlane v3, v0;
	_ =	sdelay $0x1  }
0x817: {  	v3 =	vperm.xlane v3, v2;
	v4 =	vadd.s32 v1, v4;
	_ =	sdelay $0x1  }
0x818: {  	v3 =	vadd.s32 v1, v3;
	_ =	sdelay $0x1  }
0x819: {  	s30 =	simm.s32 $0x1BC80  }
0x81a: {  	[tilespmem:s30], [sflag:$0x3] =	stream.indirect_vreg.gather [hbm4b:s3+s2], $0x80, v4, vm0, $0xb8;
	[tilespmem:$0x1EC80] =	vst v63  }
0x81b: {  	s30 =	simm.s32 $0x1C480  }
0x81c: {  	[tilespmem:s30], [sflag:$0x3] =	stream.indirect_vreg.gather [hbm4b:s3+s2], $0x80, v3, vm0, $0xb8;
	[tilespmem:$0x1EC80] =	vst v63  }
0x81d: {  	v3 =	vld [tilespmem:$0xB20];
	_ =	sdelay $0x4  }
0x81e: {  	v42 =	vshll.u32 v3, $0x1  }
0x81f: {  	v3 =	vand.u32 $0x7, v3;
	v4 =	vand.u32 $0xFFFFFFF0, v42  }
0x820: {  	v3 =	vor.u32 v3, v4  }
0x821: {  	v4 =	vperm.xlane v3, v0;
	_ =	sdelay $0x1  }
0x822: {  	v3 =	vperm.xlane v3, v2;
	v4 =	vadd.s32 v1, v4;
	_ =	sdelay $0x1  }
0x823: {  	v3 =	vadd.s32 v1, v3;
	_ =	sdelay $0x1  }
0x824: {  	s31 =	simm.s32 $0x1CC80  }
0x825: {  	[tilespmem:s31], [sflag:$0x3] =	stream.indirect_vreg.gather [hbm4b:s3+s2], $0x80, v4, vm0, $0xb8;
	[tilespmem:$0x1EC80] =	vst v63  }
0x826: {  	s17 =	simm.s32 $0x1D480  }
0x827: {  	[tilespmem:s17], [sflag:$0x3] =	stream.indirect_vreg.gather [hbm4b:s3+s2], $0x80, v3, vm0, $0xb8;
	[tilespmem:$0x1EC80] =	vst v63  }
0x828: {  	v3 =	vld [tilespmem:$0xB30];
	_ =	sdelay $0x4  }
0x829: {  	v43 =	vshll.u32 v3, $0x1  }
0x82a: {  	v3 =	vand.u32 $0x7, v3;
	v4 =	vand.u32 $0xFFFFFFF0, v43  }
0x82b: {  	v3 =	vor.u32 v3, v4  }
0x82c: {  	v4 =	vperm.xlane v3, v0;
	_ =	sdelay $0x1  }
0x82d: {  	v3 =	vperm.xlane v3, v2;
	v4 =	vadd.s32 v1, v4;
	_ =	sdelay $0x1  }
0x82e: {  	v3 =	vadd.s32 v1, v3;
	_ =	sdelay $0x1  }
0x82f: {  	s18 =	simm.s32 $0x1DC80  }
0x830: {  	[tilespmem:s18], [sflag:$0x3] =	stream.indirect_vreg.gather [hbm4b:s3+s2], $0x80, v4, vm0, $0xb8;
	[tilespmem:$0x1EC80] =	vst v63  }
0x831: {  	s20 =	simm.s32 $0x1E480  }
0x832: {  	[tilespmem:s20], [sflag:$0x3] =	stream.indirect_vreg.gather [hbm4b:s3+s2], $0x80, v3, vm0, $0xb8;
	[tilespmem:$0x1EC80] =	vst v63  }
0x833: {  	_ =	swait.ge [sflag:s21], $0xA000  }
0x834: {  	[sflag:s21] =	ssyncset.done $0x0  }
0x835: {  	s26 =	rddreg [dreg:$0x14];
	[sflag:s21] =	ssyncadd.s32 $0xFFFF6000  }
0x836: {  	[hbm4b:s26+s2] =	stream.linear.scatter [tilespmem:s14], [sflag:$0x5], $0xA000, $0x38;
	[tilespmem:$0x1EC80] =	vst v63  }
0x837: {  	_ =	swait.ge [sflag:s22], $0xA000  }
0x838: {  	[sflag:s22] =	ssyncset.done $0x0  }
0x839: {  	[sflag:s22] =	ssyncadd.s32 $0xFFFF6000  }
0x83a: {  	v3 =	vld [tilespmem:$0xB40];
	_ =	sdelay $0x4  }
0x83b: {  	v44 =	vshll.u32 v3, $0x1  }
0x83c: {  	v3 =	vand.u32 $0x7, v3;
	v4 =	vand.u32 $0xFFFFFFF0, v44  }
0x83d: {  	v3 =	vor.u32 v3, v4  }
0x83e: {  	v4 =	vperm.xlane v3, v0;
	_ =	sdelay $0x1  }
0x83f: {  	v3 =	vperm.xlane v3, v2;
	v4 =	vadd.s32 v1, v4;
	_ =	sdelay $0x1  }
0x840: {  	v3 =	vadd.s32 v1, v3;
	_ =	sdelay $0x2  }
0x841: {  	[tilespmem:s12], [sflag:$0x1] =	stream.indirect_vreg.gather [hbm4b:s3+s2], $0x80, v4, vm0, $0xb8;
	[tilespmem:$0x1EC80] =	vst v63  }
0x842: {  	s29 =	simm.s32 $0x1480  }
0x843: {  	[tilespmem:s29], [sflag:$0x1] =	stream.indirect_vreg.gather [hbm4b:s3+s2], $0x80, v3, vm0, $0xb8;
	[tilespmem:$0x1EC80] =	vst v63  }
0x844: {  	v3 =	vld [tilespmem:$0xB50];
	_ =	sdelay $0x4  }
0x845: {  	v45 =	vshll.u32 v3, $0x1  }
0x846: {  	v3 =	vand.u32 $0x7, v3;
	v4 =	vand.u32 $0xFFFFFFF0, v45  }
0x847: {  	v3 =	vor.u32 v3, v4  }
0x848: {  	v4 =	vperm.xlane v3, v0;
	_ =	sdelay $0x1  }
0x849: {  	v3 =	vperm.xlane v3, v2;
	v4 =	vadd.s32 v1, v4;
	_ =	sdelay $0x1  }
0x84a: {  	v3 =	vadd.s32 v1, v3;
	_ =	sdelay $0x1  }
0x84b: {  	s30 =	simm.s32 $0x1C80  }
0x84c: {  	[tilespmem:s30], [sflag:$0x1] =	stream.indirect_vreg.gather [hbm4b:s3+s2], $0x80, v4, vm0, $0xb8;
	[tilespmem:$0x1EC80] =	vst v63  }
0x84d: {  	s31 =	simm.s32 $0x2480  }
0x84e: {  	[tilespmem:s31], [sflag:$0x1] =	stream.indirect_vreg.gather [hbm4b:s3+s2], $0x80, v3, vm0, $0xb8;
	[tilespmem:$0x1EC80] =	vst v63  }
0x84f: {  	v3 =	vld [tilespmem:$0xB60];
	_ =	sdelay $0x4  }
0x850: {  	v46 =	vshll.u32 v3, $0x1  }
0x851: {  	v3 =	vand.u32 $0x7, v3;
	v4 =	vand.u32 $0xFFFFFFF0, v46  }
0x852: {  	v3 =	vor.u32 v3, v4  }
0x853: {  	v4 =	vperm.xlane v3, v0;
	_ =	sdelay $0x1  }
0x854: {  	v3 =	vperm.xlane v3, v2;
	v4 =	vadd.s32 v1, v4;
	_ =	sdelay $0x1  }
0x855: {  	v3 =	vadd.s32 v1, v3;
	_ =	sdelay $0x1  }
0x856: {  	s17 =	simm.s32 $0x2C80  }
0x857: {  	[tilespmem:s17], [sflag:$0x1] =	stream.indirect_vreg.gather [hbm4b:s3+s2], $0x80, v4, vm0, $0xb8;
	[tilespmem:$0x1EC80] =	vst v63  }
0x858: {  	s18 =	simm.s32 $0x3480  }
0x859: {  	[tilespmem:s18], [sflag:$0x1] =	stream.indirect_vreg.gather [hbm4b:s3+s2], $0x80, v3, vm0, $0xb8;
	[tilespmem:$0x1EC80] =	vst v63  }
0x85a: {  	v3 =	vld [tilespmem:$0xB70];
	_ =	sdelay $0x4  }
0x85b: {  	v47 =	vshll.u32 v3, $0x1  }
0x85c: {  	v3 =	vand.u32 $0x7, v3;
	v4 =	vand.u32 $0xFFFFFFF0, v47  }
0x85d: {  	v3 =	vor.u32 v3, v4  }
0x85e: {  	v4 =	vperm.xlane v3, v0;
	_ =	sdelay $0x1  }
0x85f: {  	v3 =	vperm.xlane v3, v2;
	v4 =	vadd.s32 v1, v4;
	_ =	sdelay $0x1  }
0x860: {  	v3 =	vadd.s32 v1, v3;
	_ =	sdelay $0x1  }
0x861: {  	s20 =	simm.s32 $0x3C80  }
0x862: {  	[tilespmem:s20], [sflag:$0x1] =	stream.indirect_vreg.gather [hbm4b:s3+s2], $0x80, v4, vm0, $0xb8;
	[tilespmem:$0x1EC80] =	vst v63  }
0x863: {  	s26 =	simm.s32 $0x4480  }
0x864: {  	[tilespmem:s26], [sflag:$0x1] =	stream.indirect_vreg.gather [hbm4b:s3+s2], $0x80, v3, vm0, $0xb8;
	[tilespmem:$0x1EC80] =	vst v63  }
0x865: {  	v3 =	vld [tilespmem:$0xB80];
	_ =	sdelay $0x4  }
0x866: {  	v48 =	vshll.u32 v3, $0x1  }
0x867: {  	v3 =	vand.u32 $0x7, v3;
	v4 =	vand.u32 $0xFFFFFFF0, v48  }
0x868: {  	v3 =	vor.u32 v3, v4  }
0x869: {  	v4 =	vperm.xlane v3, v0;
	_ =	sdelay $0x1  }
0x86a: {  	v3 =	vperm.xlane v3, v2;
	v4 =	vadd.s32 v1, v4;
	_ =	sdelay $0x1  }
0x86b: {  	v3 =	vadd.s32 v1, v3;
	_ =	sdelay $0x1  }
0x86c: {  	s0 =	simm.s32 $0x4C80  }
0x86d: {  	[tilespmem:s0], [sflag:$0x1] =	stream.indirect_vreg.gather [hbm4b:s3+s2], $0x80, v4, vm0, $0xb8;
	[tilespmem:$0x1EC80] =	vst v63  }
0x86e: {  	s28 =	simm.s32 $0x5480  }
0x86f: {  	[tilespmem:s28], [sflag:$0x1] =	stream.indirect_vreg.gather [hbm4b:s3+s2], $0x80, v3, vm0, $0xb8;
	[tilespmem:$0x1EC80] =	vst v63  }
0x870: {  	v3 =	vld [tilespmem:$0xB90];
	_ =	sdelay $0x4  }
0x871: {  	v49 =	vshll.u32 v3, $0x1  }
0x872: {  	v3 =	vand.u32 $0x7, v3;
	v4 =	vand.u32 $0xFFFFFFF0, v49  }
0x873: {  	v3 =	vor.u32 v3, v4  }
0x874: {  	v4 =	vperm.xlane v3, v0;
	_ =	sdelay $0x1  }
0x875: {  	v3 =	vperm.xlane v3, v2;
	v4 =	vadd.s32 v1, v4;
	_ =	sdelay $0x1  }
0x876: {  	v3 =	vadd.s32 v1, v3;
	_ =	sdelay $0x1  }
0x877: {  	s1 =	simm.s32 $0x5C80  }
0x878: {  	[tilespmem:s1], [sflag:$0x1] =	stream.indirect_vreg.gather [hbm4b:s3+s2], $0x80, v4, vm0, $0xb8;
	[tilespmem:$0x1EC80] =	vst v63  }
0x879: {  	s29 =	simm.s32 $0x6480  }
0x87a: {  	[tilespmem:s29], [sflag:$0x1] =	stream.indirect_vreg.gather [hbm4b:s3+s2], $0x80, v3, vm0, $0xb8;
	[tilespmem:$0x1EC80] =	vst v63  }
0x87b: {  	v3 =	vld [tilespmem:$0xBA0];
	_ =	sdelay $0x4  }
0x87c: {  	v50 =	vshll.u32 v3, $0x1  }
0x87d: {  	v3 =	vand.u32 $0x7, v3;
	v4 =	vand.u32 $0xFFFFFFF0, v50  }
0x87e: {  	v3 =	vor.u32 v3, v4  }
0x87f: {  	v4 =	vperm.xlane v3, v0;
	_ =	sdelay $0x1  }
0x880: {  	v3 =	vperm.xlane v3, v2;
	v4 =	vadd.s32 v1, v4;
	_ =	sdelay $0x1  }
0x881: {  	v3 =	vadd.s32 v1, v3;
	_ =	sdelay $0x1  }
0x882: {  	s5 =	simm.s32 $0x6C80  }
0x883: {  	[tilespmem:s5], [sflag:$0x1] =	stream.indirect_vreg.gather [hbm4b:s3+s2], $0x80, v4, vm0, $0xb8;
	[tilespmem:$0x1EC80] =	vst v63  }
0x884: {  	s8 =	simm.s32 $0x7480  }
0x885: {  	[tilespmem:s8], [sflag:$0x1] =	stream.indirect_vreg.gather [hbm4b:s3+s2], $0x80, v3, vm0, $0xb8;
	[tilespmem:$0x1EC80] =	vst v63  }
0x886: {  	v3 =	vld [tilespmem:$0xBB0];
	_ =	sdelay $0x4  }
0x887: {  	v51 =	vshll.u32 v3, $0x1  }
0x888: {  	v3 =	vand.u32 $0x7, v3;
	v4 =	vand.u32 $0xFFFFFFF0, v51  }
0x889: {  	v3 =	vor.u32 v3, v4  }
0x88a: {  	v4 =	vperm.xlane v3, v0;
	_ =	sdelay $0x1  }
0x88b: {  	v3 =	vperm.xlane v3, v2;
	v4 =	vadd.s32 v1, v4;
	_ =	sdelay $0x1  }
0x88c: {  	v3 =	vadd.s32 v1, v3;
	_ =	sdelay $0x1  }
0x88d: {  	s15 =	simm.s32 $0x7C80  }
0x88e: {  	[tilespmem:s15], [sflag:$0x1] =	stream.indirect_vreg.gather [hbm4b:s3+s2], $0x80, v4, vm0, $0xb8;
	[tilespmem:$0x1EC80] =	vst v63  }
0x88f: {  	s9 =	simm.s32 $0x8480  }
0x890: {  	[tilespmem:s9], [sflag:$0x1] =	stream.indirect_vreg.gather [hbm4b:s3+s2], $0x80, v3, vm0, $0xb8;
	[tilespmem:$0x1EC80] =	vst v63  }
0x891: {  	v3 =	vld [tilespmem:$0xBC0];
	_ =	sdelay $0x4  }
0x892: {  	v52 =	vshll.u32 v3, $0x1  }
0x893: {  	v3 =	vand.u32 $0x7, v3;
	v4 =	vand.u32 $0xFFFFFFF0, v52  }
0x894: {  	v3 =	vor.u32 v3, v4  }
0x895: {  	v4 =	vperm.xlane v3, v0;
	_ =	sdelay $0x1  }
0x896: {  	v3 =	vperm.xlane v3, v2;
	v4 =	vadd.s32 v1, v4;
	_ =	sdelay $0x1  }
0x897: {  	v3 =	vadd.s32 v1, v3;
	_ =	sdelay $0x1  }
0x898: {  	s4 =	simm.s32 $0x8C80  }
0x899: {  	[tilespmem:s4], [sflag:$0x1] =	stream.indirect_vreg.gather [hbm4b:s3+s2], $0x80, v4, vm0, $0xb8;
	[tilespmem:$0x1EC80] =	vst v63  }
0x89a: {  	s10 =	simm.s32 $0x9480  }
0x89b: {  	[tilespmem:s10], [sflag:$0x1] =	stream.indirect_vreg.gather [hbm4b:s3+s2], $0x80, v3, vm0, $0xb8;
	[tilespmem:$0x1EC80] =	vst v63  }
0x89c: {  	v3 =	vld [tilespmem:$0xBD0];
	_ =	sdelay $0x4  }
0x89d: {  	v53 =	vshll.u32 v3, $0x1  }
0x89e: {  	v3 =	vand.u32 $0x7, v3;
	v4 =	vand.u32 $0xFFFFFFF0, v53  }
0x89f: {  	v3 =	vor.u32 v3, v4  }
0x8a0: {  	v4 =	vperm.xlane v3, v0;
	_ =	sdelay $0x1  }
0x8a1: {  	v3 =	vperm.xlane v3, v2;
	v4 =	vadd.s32 v1, v4;
	_ =	sdelay $0x1  }
0x8a2: {  	v3 =	vadd.s32 v1, v3;
	_ =	sdelay $0x1  }
0x8a3: {  	s6 =	simm.s32 $0x9C80  }
0x8a4: {  	[tilespmem:s6], [sflag:$0x1] =	stream.indirect_vreg.gather [hbm4b:s3+s2], $0x80, v4, vm0, $0xb8;
	[tilespmem:$0x1EC80] =	vst v63  }
0x8a5: {  	s7 =	simm.s32 $0xA480  }
0x8a6: {  	[tilespmem:s7], [sflag:$0x1] =	stream.indirect_vreg.gather [hbm4b:s3+s2], $0x80, v3, vm0, $0xb8;
	[tilespmem:$0x1EC80] =	vst v63  }
0x8a7: {  	_ =	swait.ge [sflag:s25], $0xA000  }
0x8a8: {  	[sflag:s25] =	ssyncset.done $0x0  }
0x8a9: {  	s30 =	rddreg [dreg:$0x15];
	[sflag:s25] =	ssyncadd.s32 $0xFFFF6000  }
0x8aa: {  	[hbm4b:s30+s2] =	stream.linear.scatter [tilespmem:s16], [sflag:$0x6], $0xA000, $0x38;
	[tilespmem:$0x1EC80] =	vst v63  }
0x8ab: {  	_ =	swait.ge [sflag:s24], $0xA000  }
0x8ac: {  	[sflag:s24] =	ssyncset.done $0x0  }
0x8ad: {  	[sflag:s24] =	ssyncadd.s32 $0xFFFF6000  }
0x8ae: {  	v3 =	vld [tilespmem:$0xBE0];
	_ =	sdelay $0x4  }
0x8af: {  	v54 =	vshll.u32 v3, $0x1  }
0x8b0: {  	v3 =	vand.u32 $0x7, v3;
	v4 =	vand.u32 $0xFFFFFFF0, v54  }
0x8b1: {  	v3 =	vor.u32 v3, v4  }
0x8b2: {  	v4 =	vperm.xlane v3, v0;
	_ =	sdelay $0x1  }
0x8b3: {  	v3 =	vperm.xlane v3, v2;
	v4 =	vadd.s32 v1, v4;
	_ =	sdelay $0x1  }
0x8b4: {  	v3 =	vadd.s32 v1, v3;
	_ =	sdelay $0x2  }
0x8b5: {  	[tilespmem:s14], [sflag:$0x2] =	stream.indirect_vreg.gather [hbm4b:s3+s2], $0x80, v4, vm0, $0xb8;
	[tilespmem:$0x1EC80] =	vst v63  }
0x8b6: {  	s31 =	simm.s32 $0xB480  }
0x8b7: {  	[tilespmem:s31], [sflag:$0x2] =	stream.indirect_vreg.gather [hbm4b:s3+s2], $0x80, v3, vm0, $0xb8;
	[tilespmem:$0x1EC80] =	vst v63  }
0x8b8: {  	v3 =	vld [tilespmem:$0xBF0];
	_ =	sdelay $0x4  }
0x8b9: {  	v55 =	vshll.u32 v3, $0x1  }
0x8ba: {  	v3 =	vand.u32 $0x7, v3;
	v4 =	vand.u32 $0xFFFFFFF0, v55  }
0x8bb: {  	v3 =	vor.u32 v3, v4  }
0x8bc: {  	v4 =	vperm.xlane v3, v0;
	_ =	sdelay $0x1  }
0x8bd: {  	v3 =	vperm.xlane v3, v2;
	v4 =	vadd.s32 v1, v4;
	_ =	sdelay $0x1  }
0x8be: {  	v3 =	vadd.s32 v1, v3;
	_ =	sdelay $0x1  }
0x8bf: {  	s11 =	simm.s32 $0xBC80  }
0x8c0: {  	[tilespmem:s11], [sflag:$0x2] =	stream.indirect_vreg.gather [hbm4b:s3+s2], $0x80, v4, vm0, $0xb8;
	[tilespmem:$0x1EC80] =	vst v63  }
0x8c1: {  	s1 =	simm.s32 $0xC480  }
0x8c2: {  	[tilespmem:s1], [sflag:$0x2] =	stream.indirect_vreg.gather [hbm4b:s3+s2], $0x80, v3, vm0, $0xb8;
	[tilespmem:$0x1EC80] =	vst v63  }
0x8c3: {  	v3 =	vld [tilespmem:$0xC00];
	_ =	sdelay $0x4  }
0x8c4: {  	v56 =	vshll.u32 v3, $0x1  }
0x8c5: {  	v3 =	vand.u32 $0x7, v3;
	v4 =	vand.u32 $0xFFFFFFF0, v56  }
0x8c6: {  	v3 =	vor.u32 v3, v4  }
0x8c7: {  	v4 =	vperm.xlane v3, v0;
	_ =	sdelay $0x1  }
0x8c8: {  	v3 =	vperm.xlane v3, v2;
	v4 =	vadd.s32 v1, v4;
	_ =	sdelay $0x1  }
0x8c9: {  	v3 =	vadd.s32 v1, v3;
	_ =	sdelay $0x1  }
0x8ca: {  	s4 =	simm.s32 $0xCC80  }
0x8cb: {  	[tilespmem:s4], [sflag:$0x2] =	stream.indirect_vreg.gather [hbm4b:s3+s2], $0x80, v4, vm0, $0xb8;
	[tilespmem:$0x1EC80] =	vst v63  }
0x8cc: {  	s6 =	simm.s32 $0xD480  }
0x8cd: {  	[tilespmem:s6], [sflag:$0x2] =	stream.indirect_vreg.gather [hbm4b:s3+s2], $0x80, v3, vm0, $0xb8;
	[tilespmem:$0x1EC80] =	vst v63  }
0x8ce: {  	v3 =	vld [tilespmem:$0xC10];
	_ =	sdelay $0x4  }
0x8cf: {  	v57 =	vshll.u32 v3, $0x1  }
0x8d0: {  	v3 =	vand.u32 $0x7, v3;
	v4 =	vand.u32 $0xFFFFFFF0, v57  }
0x8d1: {  	v3 =	vor.u32 v3, v4  }
0x8d2: {  	v4 =	vperm.xlane v3, v0;
	_ =	sdelay $0x1  }
0x8d3: {  	v3 =	vperm.xlane v3, v2;
	v4 =	vadd.s32 v1, v4;
	_ =	sdelay $0x1  }
0x8d4: {  	v3 =	vadd.s32 v1, v3;
	_ =	sdelay $0x1  }
0x8d5: {  	s7 =	simm.s32 $0xDC80  }
0x8d6: {  	[tilespmem:s7], [sflag:$0x2] =	stream.indirect_vreg.gather [hbm4b:s3+s2], $0x80, v4, vm0, $0xb8;
	[tilespmem:$0x1EC80] =	vst v63  }
0x8d7: {  	s8 =	simm.s32 $0xE480  }
0x8d8: {  	[tilespmem:s8], [sflag:$0x2] =	stream.indirect_vreg.gather [hbm4b:s3+s2], $0x80, v3, vm0, $0xb8;
	[tilespmem:$0x1EC80] =	vst v63  }
0x8d9: {  	v3 =	vld [tilespmem:$0xC20];
	_ =	sdelay $0x4  }
0x8da: {  	v58 =	vshll.u32 v3, $0x1  }
0x8db: {  	v3 =	vand.u32 $0x7, v3;
	v4 =	vand.u32 $0xFFFFFFF0, v58  }
0x8dc: {  	v3 =	vor.u32 v3, v4  }
0x8dd: {  	v4 =	vperm.xlane v3, v0;
	_ =	sdelay $0x1  }
0x8de: {  	v3 =	vperm.xlane v3, v2;
	v4 =	vadd.s32 v1, v4;
	_ =	sdelay $0x1  }
0x8df: {  	v3 =	vadd.s32 v1, v3;
	_ =	sdelay $0x1  }
0x8e0: {  	s9 =	simm.s32 $0xEC80  }
0x8e1: {  	[tilespmem:s9], [sflag:$0x2] =	stream.indirect_vreg.gather [hbm4b:s3+s2], $0x80, v4, vm0, $0xb8;
	[tilespmem:$0x1EC80] =	vst v63  }
0x8e2: {  	s10 =	simm.s32 $0xF480  }
0x8e3: {  	[tilespmem:s10], [sflag:$0x2] =	stream.indirect_vreg.gather [hbm4b:s3+s2], $0x80, v3, vm0, $0xb8;
	[tilespmem:$0x1EC80] =	vst v63  }
0x8e4: {  	v3 =	vld [tilespmem:$0xC30];
	_ =	sdelay $0x4  }
0x8e5: {  	v59 =	vshll.u32 v3, $0x1  }
0x8e6: {  	v3 =	vand.u32 $0x7, v3;
	v4 =	vand.u32 $0xFFFFFFF0, v59  }
0x8e7: {  	v3 =	vor.u32 v3, v4  }
0x8e8: {  	v4 =	vperm.xlane v3, v0;
	_ =	sdelay $0x1  }
0x8e9: {  	v3 =	vperm.xlane v3, v2;
	v4 =	vadd.s32 v1, v4;
	_ =	sdelay $0x1  }
0x8ea: {  	v3 =	vadd.s32 v1, v3;
	_ =	sdelay $0x1  }
0x8eb: {  	s11 =	simm.s32 $0xFC80  }
0x8ec: {  	[tilespmem:s11], [sflag:$0x2] =	stream.indirect_vreg.gather [hbm4b:s3+s2], $0x80, v4, vm0, $0xb8;
	[tilespmem:$0x1EC80] =	vst v63  }
0x8ed: {  	s13 =	simm.s32 $0x10480  }
0x8ee: {  	[tilespmem:s13], [sflag:$0x2] =	stream.indirect_vreg.gather [hbm4b:s3+s2], $0x80, v3, vm0, $0xb8;
	[tilespmem:$0x1EC80] =	vst v63  }
0x8ef: {  	v3 =	vld [tilespmem:$0xC40];
	_ =	sdelay $0x4  }
0x8f0: {  	v60 =	vshll.u32 v3, $0x1  }
0x8f1: {  	v3 =	vand.u32 $0x7, v3;
	v4 =	vand.u32 $0xFFFFFFF0, v60  }
0x8f2: {  	v3 =	vor.u32 v3, v4  }
0x8f3: {  	v4 =	vperm.xlane v3, v0;
	_ =	sdelay $0x1  }
0x8f4: {  	v3 =	vperm.xlane v3, v2;
	v4 =	vadd.s32 v1, v4;
	_ =	sdelay $0x1  }
0x8f5: {  	v3 =	vadd.s32 v1, v3;
	_ =	sdelay $0x1  }
0x8f6: {  	s15 =	simm.s32 $0x10C80  }
0x8f7: {  	[tilespmem:s15], [sflag:$0x2] =	stream.indirect_vreg.gather [hbm4b:s3+s2], $0x80, v4, vm0, $0xb8;
	[tilespmem:$0x1EC80] =	vst v63  }
0x8f8: {  	s16 =	simm.s32 $0x11480  }
0x8f9: {  	[tilespmem:s16], [sflag:$0x2] =	stream.indirect_vreg.gather [hbm4b:s3+s2], $0x80, v3, vm0, $0xb8;
	[tilespmem:$0x1EC80] =	vst v63  }
0x8fa: {  	v3 =	vld [tilespmem:$0xC50];
	_ =	sdelay $0x4  }
0x8fb: {  	v61 =	vshll.u32 v3, $0x1  }
0x8fc: {  	v3 =	vand.u32 $0x7, v3;
	v4 =	vand.u32 $0xFFFFFFF0, v61  }
0x8fd: {  	v3 =	vor.u32 v3, v4  }
0x8fe: {  	v4 =	vperm.xlane v3, v0;
	_ =	sdelay $0x1  }
0x8ff: {  	v3 =	vperm.xlane v3, v2;
	v4 =	vadd.s32 v1, v4;
	_ =	sdelay $0x1  }
0x900: {  	v3 =	vadd.s32 v1, v3;
	_ =	sdelay $0x1  }
0x901: {  	s17 =	simm.s32 $0x11C80  }
0x902: {  	[tilespmem:s17], [sflag:$0x2] =	stream.indirect_vreg.gather [hbm4b:s3+s2], $0x80, v4, vm0, $0xb8;
	[tilespmem:$0x1EC80] =	vst v63  }
0x903: {  	s18 =	simm.s32 $0x12480  }
0x904: {  	[tilespmem:s18], [sflag:$0x2] =	stream.indirect_vreg.gather [hbm4b:s3+s2], $0x80, v3, vm0, $0xb8;
	[tilespmem:$0x1EC80] =	vst v63  }
0x905: {  	v3 =	vld [tilespmem:$0xC60];
	_ =	sdelay $0x4  }
0x906: {  	v62 =	vshll.u32 v3, $0x1  }
0x907: {  	v3 =	vand.u32 $0x7, v3;
	v4 =	vand.u32 $0xFFFFFFF0, v62  }
0x908: {  	v3 =	vor.u32 v3, v4  }
0x909: {  	v4 =	vperm.xlane v3, v0;
	_ =	sdelay $0x1  }
0x90a: {  	v3 =	vperm.xlane v3, v2;
	v4 =	vadd.s32 v1, v4;
	_ =	sdelay $0x1  }
0x90b: {  	v3 =	vadd.s32 v1, v3;
	_ =	sdelay $0x1  }
0x90c: {  	s20 =	simm.s32 $0x12C80  }
0x90d: {  	[tilespmem:s20], [sflag:$0x2] =	stream.indirect_vreg.gather [hbm4b:s3+s2], $0x80, v4, vm0, $0xb8;
	[tilespmem:$0x1EC80] =	vst v63  }
0x90e: {  	s26 =	simm.s32 $0x13480  }
0x90f: {  	[tilespmem:s26], [sflag:$0x2] =	stream.indirect_vreg.gather [hbm4b:s3+s2], $0x80, v3, vm0, $0xb8;
	[tilespmem:$0x1EC80] =	vst v63  }
0x910: {  	v3 =	vld [tilespmem:$0xC70];
	_ =	sdelay $0x4  }
0x911: {  	v63 =	vshll.u32 v3, $0x1  }
0x912: {  	v3 =	vand.u32 $0x7, v3;
	v4 =	vand.u32 $0xFFFFFFF0, v63  }
0x913: {  	v3 =	vor.u32 v3, v4  }
0x914: {  	v4 =	vperm.xlane v3, v0;
	_ =	sdelay $0x1  }
0x915: {  	v3 =	vperm.xlane v3, v2;
	v4 =	vadd.s32 v1, v4;
	_ =	sdelay $0x1  }
0x916: {  	v3 =	vadd.s32 v1, v3;
	_ =	sdelay $0x1  }
0x917: {  	s28 =	simm.s32 $0x13C80  }
0x918: {  	[tilespmem:s28], [sflag:$0x2] =	stream.indirect_vreg.gather [hbm4b:s3+s2], $0x80, v4, vm0, $0xb8;
	[tilespmem:$0x1EC80] =	vst v63  }
0x919: {  	s29 =	simm.s32 $0x14480  }
0x91a: {  	[tilespmem:s29], [sflag:$0x2] =	stream.indirect_vreg.gather [hbm4b:s3+s2], $0x80, v3, vm0, $0xb8;
	[tilespmem:$0x1EC80] =	vst v63  }
0x91b: {  	s5 =	rddreg [dreg:$0x18];
	_ =	swait.ge [sflag:s19], $0xA000  }
0x91c: {  	[sflag:s19] =	ssyncset.done $0x0  }
0x91d: {  	s30 =	rddreg [dreg:$0x16];
	[sflag:s19] =	ssyncadd.s32 $0xFFFF6000  }
0x91e: {  	[hbm4b:s30+s2] =	stream.linear.scatter [tilespmem:s12], [sflag:$0x4], $0xA000, $0x38;
	[tilespmem:$0x1EC80] =	vst v63  }
0x91f: {  	_ =	swait.ge [sflag:s21], $0xA000  }
0x920: {  	[sflag:s21] =	ssyncset.done $0x0  }
0x921: {  	s31 =	rddreg [dreg:$0x17];
	[sflag:s21] =	ssyncadd.s32 $0xFFFF6000  }
0x922: {  	[hbm4b:s31+s2] =	stream.linear.scatter [tilespmem:s14], [sflag:$0x5], $0xA000, $0x38;
	[tilespmem:$0x1EC80] =	vst v63  }
0x923: {  	_ =	swait.ge [sflag:s23], $0xA000  }
0x924: {  	[sflag:s23] =	ssyncset.done $0x0  }
0x925: {  	[sflag:s23] =	ssyncadd.s32 $0xFFFF6000  }
0x926: {  	p0 =	sne.s32 s5, $0x1;
	_ =	swait.ge [sflag:s22], $0xA000  }
.Ltmp0:
0x927: {  	[sflag:s22] =	ssyncset.done $0x0;
	(pc) =	sbr.rel @p0 .LBB2_1-.Ltmp0, $4  }
0x928: {  	[sflag:s22] =	ssyncadd.s32 $0xFFFF6000  }
0x929: {  	_ =	swait.ge [sflag:s24], $0xA000  }
0x92a: {  	[sflag:s24] =	ssyncset.done $0x0  }
0x92b: {  	s0 =	sadd.s32 $0xFFFFFFFF, s5;
	[sflag:s24] =	ssyncadd.s32 $0xFFFF6000  }
0x92c: {  	_ =	sfence.sel $0x180000  }
0x92d: {  	[bflag:$0x0] =	sbarrier.arrive $0xFFFF  }
0x92e: {  	_ =	strace $0x90000047  }
0x92f: {  	s0 =	stileid.u32;
	[bflag:$0x2] =	sbarrier.arrive $0xFFFF  }
0x930: {  	p0 =	sne.s32 s0, $0x0;
	s0 =	rddreg [dreg:$0x2]  }
0x931: {  	s0 =	sadd.s32 @!p0 $0x100000, s0  }
0x932: {  	[sflag:s0] =	ssyncadd.tile.s32 @!p0 $0x1;
	_ =	shalt  }
.Lfunc_end2:
_tile_overlayer_lowered:
.L_overlay_start_2:
0x933: {  	(tag) =	ssettag $0x2  }
0x934: {  	s0 =	rddreg [dreg:$0x0];
	s2 =	stileid.u32  }
0x935: {  	s1 =	rddreg [dreg:$0x1];
	p0 =	sne.s32 s2, $0x0  }
0x936: {  	s3 =	rddreg [dreg:$0x2];
	[bflag:$0x3] =	sbarrier.arrive $0xFFFF;
	s2 =	simm.s32 @!p0 $0x1C07  }
0x937: {  	[timem:s3], [sflag:s2] =	dma.local @!p0 [hbm:s0], s1  }
0x938: {  	s0 =	simm.s32 @!p0 $0x7  }
0x939: {  	_ =	swait.ge @!p0 [sflag:s0], s1  }
0x93a: {  	s1 =	ssub.s32 @!p0 $0x0, s1;
	[sflag:s0] =	ssyncset.done @!p0 $0x0  }
0x93b: {  	[sflag:s0] =	ssyncadd.s32 @!p0 s1  }
0x93c: {  	[bflag:$0x3] =	sbarrier.arrive $0xFFFF  }
0x93d: {  	_ =	shalt  }

</sc_bundles>
